<compile_context>
chip_gen: v7x
topology: tpu7x:2x2x1
jax: 0.10.2.dev20260603
libtpu: 0.0.44.dev20260713+nightly
codegen_flags: <defaults>
</compile_context>

<pallas_src>
import jax
import jax.numpy as jnp
from jax import lax
from jax.experimental import pallas as pl
from jax.experimental.pallas import tpu as pltpu
from jax.experimental.pallas import tpu_sc as plsc

NC = 2
NS = 16
NW = NC * NS
L = 16
NSLOT = 4

NPAIR = 320000
CH = 80
NCHUNK = 2 * NPAIR // CH
PBOUND = NPAIR // CH
KTOT = (NCHUNK + NW - 1) // NW

THRESH = 2.5
D = 128


def _twin_body(idx0, idx1, xT, xS, out,
               ixA0, ixA1, ixA2, ixA3, ixB0, ixB1, ixB2, ixB3,
               A0, A1, A2, A3, B0, B1, B2, B3, cnt_v,
               sI0, sI1, sI2, sI3, sA0, sA1, sA2, sA3,
               sB0, sB1, sB2, sB3):
    cid = lax.axis_index("c")
    sid = lax.axis_index("s")
    w = sid * NC + cid
    lane = lax.iota(jnp.int32, L)
    rows = [lane + jnp.int32(g * L) for g in range(CH // L)]
    ixA = (ixA0, ixA1, ixA2, ixA3)
    ixB = (ixB0, ixB1, ixB2, ixB3)
    Abuf = (A0, A1, A2, A3)
    Bbuf = (B0, B1, B2, B3)
    semI = (sI0, sI1, sI2, sI3)
    semA = (sA0, sA1, sA2, sA3)
    semB = (sB0, sB1, sB2, sB3)

    def idx_issue(k, slot):
        c = jnp.minimum(w + k * jnp.int32(NW), jnp.int32(NCHUNK - 1))
        base = c * jnp.int32(CH)
        pltpu.async_copy(idx0.at[pl.ds(base, CH)], ixA[slot], semI[slot])
        pltpu.async_copy(idx1.at[pl.ds(base, CH)], ixB[slot], semI[slot])

    def idx_wait(slot):
        pltpu.make_async_copy(idx0.at[pl.ds(0, CH)], ixA[slot],
                              semI[slot]).wait()
        pltpu.make_async_copy(idx1.at[pl.ds(0, CH)], ixB[slot],
                              semI[slot]).wait()

    def issue(slot):
        pltpu.async_copy(xT.at[ixA[slot]], Abuf[slot], semA[slot])
        pltpu.async_copy(xS.at[ixB[slot]], Bbuf[slot], semB[slot])

    def wait_slot(slot):
        pltpu.make_async_copy(xT.at[ixA[slot]], Abuf[slot],
                              semA[slot]).wait()
        pltpu.make_async_copy(xS.at[ixB[slot]], Bbuf[slot],
                              semB[slot]).wait()

    def compute(k, slot, cntP, cntN):
        c = w + k * jnp.int32(NW)
        act = (c < jnp.int32(NCHUNK)).astype(jnp.int32)
        isp = (c < jnp.int32(PBOUND)).astype(jnp.int32)
        rp = jnp.full((L,), act * isp, dtype=jnp.int32)
        rn = jnp.full((L,), act * (1 - isp), dtype=jnp.int32)
        A = Abuf[slot]
        B = Bbuf[slot]

        def dstep(d, accs):
            col = (lane + d) & jnp.int32(D - 1)
            new = []
            for g in range(CH // L):
                va = plsc.load_gather(A, [rows[g], col])
                vb = plsc.load_gather(B, [rows[g], col])
                t = va - vb
                new.append(accs[g] + t * t)
            return tuple(new)

        zf = jnp.zeros((L,), jnp.float32)
        accs = lax.fori_loop(
            jnp.int32(0), jnp.int32(D), dstep,
            tuple(zf for _ in range(CH // L)))
        for g in range(CH // L):
            cntP = cntP + (accs[g] > THRESH).astype(jnp.int32) * rp
            cntN = cntN + (accs[g] < THRESH).astype(jnp.int32) * rn
        return cntP, cntN

    for s in range(NSLOT - 1):
        idx_issue(jnp.int32(s), s)
    for s in range(NSLOT - 1):
        idx_wait(s)
        issue(s)
    idx_issue(jnp.int32(NSLOT - 1), NSLOT - 1)

    def quad(kk, carry):
        cntP, cntN = carry
        k0 = kk * jnp.int32(NSLOT)
        for s in range(NSLOT):
            k = k0 + jnp.int32(s)
            wait_slot(s)
            idx_issue(k + jnp.int32(NSLOT), s)
            idx_wait((s + NSLOT - 1) % NSLOT)
            issue((s + NSLOT - 1) % NSLOT)
            cntP, cntN = compute(k, s, cntP, cntN)
        return cntP, cntN

    zero = jnp.zeros((L,), jnp.int32)
    cntP, cntN = lax.fori_loop(jnp.int32(0), jnp.int32((KTOT - 1) // NSLOT),
                               quad, (zero, zero))
    KQ = ((KTOT - 1) // NSLOT) * NSLOT
    for k in range(KQ, KTOT):
        wait_slot(k % NSLOT)
        cntP, cntN = compute(jnp.int32(k), k % NSLOT, cntP, cntN)
    for g in range(KTOT, KQ + NSLOT - 1):
        wait_slot(g % NSLOT)
    idx_wait((KQ + NSLOT - 1) % NSLOT)

    cnt_v[...] = cntP
    pltpu.sync_copy(cnt_v, out.at[jnp.int32(0), w])
    cnt_v[...] = cntN
    pltpu.sync_copy(cnt_v, out.at[jnp.int32(1), w])


@jax.jit
def _twin_counts(idx0, idx1, xT, xS):
    mesh = plsc.VectorSubcoreMesh(core_axis_name="c", subcore_axis_name="s")
    return pl.kernel(
        _twin_body,
        out_type=jax.ShapeDtypeStruct((2, NW, L), jnp.int32),
        mesh=mesh,
        scratch_types=(
            [pltpu.VMEM((CH,), jnp.int32) for _ in range(2 * NSLOT)]
            + [pltpu.VMEM((CH, D), jnp.float32) for _ in range(2 * NSLOT)]
            + [pltpu.VMEM((L,), jnp.int32)]
            + [pltpu.SemaphoreType.DMA for _ in range(3 * NSLOT)]
        ),
        compiler_params=pltpu.CompilerParams(needs_layout_passes=False),
    )(idx0, idx1, xT, xS)


def kernel(xS, xT, p_, n_):
    idx0 = jnp.concatenate([p_[:, 0], n_[:, 0]]).astype(jnp.int32)
    idx1 = jnp.concatenate([p_[:, 1], n_[:, 1]]).astype(jnp.int32)
    out = _twin_counts(idx0, idx1, xT, xS)
    nFN = jnp.sum(out[0]).astype(jnp.int64)
    nFP = jnp.sum(out[1]).astype(jnp.int64)
    return (nFN, nFP)

# --- scband reference (transcript-rebuilt; emitter-appended) ---
"""Pipeline reference for scband-twin-eval-6390911336486 (READ-ONLY COPY).

The authoritative reference and input builder live on the scoring server;
editing this copy changes nothing except your own understanding.
"""

import jax, jax.numpy as jnp
import numpy as np

jax.config.update("jax_enable_x64", True)

MU = 5
RATIO = 0.5


def setup_inputs(seed: int = 0) -> dict:
    key = jax.random.key(seed)
    k1, k2, k3, k4 = jax.random.split(key, 4)
    xS = jax.random.normal(k1, (10000, 128), dtype=jnp.float32)
    xT = jax.random.normal(k2, (10000, 128), dtype=jnp.float32)
    p_ = jax.random.randint(k3, (320000, 2), 0, 10000, dtype=jnp.int64)
    n_ = jax.random.randint(k4, (320000, 2), 0, 10000, dtype=jnp.int64)
    return {"xS": xS, "xT": xT, "p_": p_, "n_": n_}


def reference(xS, xT, p_, n_):
    # gather rows by pair indices (SparseCore-friendly gathers)
    pT = jnp.take(xT, p_[:, 0], axis=0)
    pS = jnp.take(xS, p_[:, 1], axis=0)
    nT = jnp.take(xT, n_[:, 0], axis=0)
    nS = jnp.take(xS, n_[:, 1], axis=0)
    pNorm2 = jnp.sum(jnp.power(pT - pS, 2), axis=1)
    nNorm2 = jnp.sum(jnp.power(nT - nS, 2), axis=1)
    thresh = MU * RATIO
    nFN = jnp.sum(pNorm2 > thresh)
    nFP = jnp.sum(nNorm2 < thresh)
    return (nFN, nFP)

if __name__ == "__main__":
    import jax
    _d = setup_inputs()
    print(jax.jit(kernel)(*tuple(_d.values())))

</pallas_src>

<mosaic_0001>
#map = affine_map<(d0, d1) -> (0)>
#map1 = affine_map<(d0, d1) -> (0, 0)>
#map2 = affine_map<(d0, d1) -> (0, 0, 0)>
module attributes {stable_mosaic.version = 14 : i64} {
  func.func @_twin_body(%arg0: i32, %arg1: i32, %arg2: memref<640000xi32, #tpu.memory_space<hbm>>, %arg3: memref<640000xi32, #tpu.memory_space<hbm>>, %arg4: memref<10000x128xf32, #tpu.memory_space<hbm>>, %arg5: memref<10000x128xf32, #tpu.memory_space<hbm>>, %arg6: memref<2x32x16xi32, #tpu.memory_space<hbm>>, %arg7: memref<80xi32, #tpu.memory_space<vmem>>, %arg8: memref<80xi32, #tpu.memory_space<vmem>>, %arg9: memref<80xi32, #tpu.memory_space<vmem>>, %arg10: memref<80xi32, #tpu.memory_space<vmem>>, %arg11: memref<80xi32, #tpu.memory_space<vmem>>, %arg12: memref<80xi32, #tpu.memory_space<vmem>>, %arg13: memref<80xi32, #tpu.memory_space<vmem>>, %arg14: memref<80xi32, #tpu.memory_space<vmem>>, %arg15: memref<80x128xf32, #tpu.memory_space<vmem>>, %arg16: memref<80x128xf32, #tpu.memory_space<vmem>>, %arg17: memref<80x128xf32, #tpu.memory_space<vmem>>, %arg18: memref<80x128xf32, #tpu.memory_space<vmem>>, %arg19: memref<80x128xf32, #tpu.memory_space<vmem>>, %arg20: memref<80x128xf32, #tpu.memory_space<vmem>>, %arg21: memref<80x128xf32, #tpu.memory_space<vmem>>, %arg22: memref<80x128xf32, #tpu.memory_space<vmem>>, %arg23: memref<16xi32, #tpu.memory_space<vmem>>, %arg24: memref<!tpu.dma_semaphore, #tpu.memory_space<semaphore_mem>>, %arg25: memref<!tpu.dma_semaphore, #tpu.memory_space<semaphore_mem>>, %arg26: memref<!tpu.dma_semaphore, #tpu.memory_space<semaphore_mem>>, %arg27: memref<!tpu.dma_semaphore, #tpu.memory_space<semaphore_mem>>, %arg28: memref<!tpu.dma_semaphore, #tpu.memory_space<semaphore_mem>>, %arg29: memref<!tpu.dma_semaphore, #tpu.memory_space<semaphore_mem>>, %arg30: memref<!tpu.dma_semaphore, #tpu.memory_space<semaphore_mem>>, %arg31: memref<!tpu.dma_semaphore, #tpu.memory_space<semaphore_mem>>, %arg32: memref<!tpu.dma_semaphore, #tpu.memory_space<semaphore_mem>>, %arg33: memref<!tpu.dma_semaphore, #tpu.memory_space<semaphore_mem>>, %arg34: memref<!tpu.dma_semaphore, #tpu.memory_space<semaphore_mem>>, %arg35: memref<!tpu.dma_semaphore, #tpu.memory_space<semaphore_mem>>) attributes {dimension_semantics = [#tpu.dimension_semantics<core_parallel>, #tpu.dimension_semantics<subcore_parallel>], iteration_bounds = array<i64: 2, 16>, scalar_prefetch = 0 : i64, scratch_operands = 29 : i64, tpu.core_type = #tpu.core_type<sc_vector_subcore>, window_params = [{transform_indices = #map}, {transform_indices = #map}, {transform_indices = #map1}, {transform_indices = #map1}, {transform_indices = #map2}]} {
    %mul3A = arith.constant 2 : i32
    %mul3A_0 = arith.muli %arg1, %mul3A : i32
    %add3A = arith.addi %mul3A_0, %arg0 : i32
    %iota3A = tpu.iota {dimensions = array<i32: 0>} : vector<16xi32>
    %add3A_1 = arith.constant 0 : i32
    %add3A_2 = vector.broadcast %add3A_1 : i32 to vector<16xi32>
    %add3A_3 = arith.addi %iota3A, %add3A_2 : vector<16xi32>
    %add3A_4 = arith.constant 16 : i32
    %add3A_5 = vector.broadcast %add3A_4 : i32 to vector<16xi32>
    %add3A_6 = arith.addi %iota3A, %add3A_5 : vector<16xi32>
    %add3A_7 = arith.constant 32 : i32
    %add3A_8 = vector.broadcast %add3A_7 : i32 to vector<16xi32>
    %add3A_9 = arith.addi %iota3A, %add3A_8 : vector<16xi32>
    %add3A_10 = arith.constant 48 : i32
    %add3A_11 = vector.broadcast %add3A_10 : i32 to vector<16xi32>
    %add3A_12 = arith.addi %iota3A, %add3A_11 : vector<16xi32>
    %add3A_13 = arith.constant 64 : i32
    %add3A_14 = vector.broadcast %add3A_13 : i32 to vector<16xi32>
    %add3A_15 = arith.addi %iota3A, %add3A_14 : vector<16xi32>
    %mul3A_16 = arith.constant 0 : i32
    %mul3A_17 = arith.constant 32 : i32
    %mul3A_18 = arith.muli %mul3A_16, %mul3A_17 : i32
    %add3A_19 = arith.addi %add3A, %mul3A_18 : i32
    %min3A = arith.constant 7999 : i32
    %min3A_20 = arith.minsi %add3A_19, %min3A : i32
    %mul3A_21 = arith.constant 80 : i32
    %mul3A_22 = arith.muli %min3A_20, %mul3A_21 : i32
    %dma_start3A = tpu.memref_slice %arg2[%mul3A_22] : memref<640000xi32, #tpu.memory_space<hbm>> -> memref<80xi32, #tpu.memory_space<hbm>>
    %dma_start3A_23 = tpu.memref_slice %arg2[%mul3A_22] : memref<640000xi32, #tpu.memory_space<hbm>> -> memref<80xi32, #tpu.memory_space<hbm>>
    tpu.enqueue_dma source(%dma_start3A_23 : memref<80xi32, #tpu.memory_space<hbm>>) target(%arg7 : memref<80xi32, #tpu.memory_space<vmem>>) target_semaphore(%arg24 : memref<!tpu.dma_semaphore, #tpu.memory_space<semaphore_mem>>)
    %dma_start3A_24 = tpu.memref_slice %arg3[%mul3A_22] : memref<640000xi32, #tpu.memory_space<hbm>> -> memref<80xi32, #tpu.memory_space<hbm>>
    %dma_start3A_25 = tpu.memref_slice %arg3[%mul3A_22] : memref<640000xi32, #tpu.memory_space<hbm>> -> memref<80xi32, #tpu.memory_space<hbm>>
    tpu.enqueue_dma source(%dma_start3A_25 : memref<80xi32, #tpu.memory_space<hbm>>) target(%arg11 : memref<80xi32, #tpu.memory_space<vmem>>) target_semaphore(%arg24 : memref<!tpu.dma_semaphore, #tpu.memory_space<semaphore_mem>>)
    %mul3A_26 = arith.constant 1 : i32
    %mul3A_27 = arith.constant 32 : i32
    %mul3A_28 = arith.muli %mul3A_26, %mul3A_27 : i32
    %add3A_29 = arith.addi %add3A, %mul3A_28 : i32
    %min3A_30 = arith.constant 7999 : i32
    %min3A_31 = arith.minsi %add3A_29, %min3A_30 : i32
    %mul3A_32 = arith.constant 80 : i32
    %mul3A_33 = arith.muli %min3A_31, %mul3A_32 : i32
    %dma_start3A_34 = tpu.memref_slice %arg2[%mul3A_33] : memref<640000xi32, #tpu.memory_space<hbm>> -> memref<80xi32, #tpu.memory_space<hbm>>
    %dma_start3A_35 = tpu.memref_slice %arg2[%mul3A_33] : memref<640000xi32, #tpu.memory_space<hbm>> -> memref<80xi32, #tpu.memory_space<hbm>>
    tpu.enqueue_dma source(%dma_start3A_35 : memref<80xi32, #tpu.memory_space<hbm>>) target(%arg8 : memref<80xi32, #tpu.memory_space<vmem>>) target_semaphore(%arg25 : memref<!tpu.dma_semaphore, #tpu.memory_space<semaphore_mem>>)
    %dma_start3A_36 = tpu.memref_slice %arg3[%mul3A_33] : memref<640000xi32, #tpu.memory_space<hbm>> -> memref<80xi32, #tpu.memory_space<hbm>>
    %dma_start3A_37 = tpu.memref_slice %arg3[%mul3A_33] : memref<640000xi32, #tpu.memory_space<hbm>> -> memref<80xi32, #tpu.memory_space<hbm>>
    tpu.enqueue_dma source(%dma_start3A_37 : memref<80xi32, #tpu.memory_space<hbm>>) target(%arg12 : memref<80xi32, #tpu.memory_space<vmem>>) target_semaphore(%arg25 : memref<!tpu.dma_semaphore, #tpu.memory_space<semaphore_mem>>)
    %mul3A_38 = arith.constant 2 : i32
    %mul3A_39 = arith.constant 32 : i32
    %mul3A_40 = arith.muli %mul3A_38, %mul3A_39 : i32
    %add3A_41 = arith.addi %add3A, %mul3A_40 : i32
    %min3A_42 = arith.constant 7999 : i32
    %min3A_43 = arith.minsi %add3A_41, %min3A_42 : i32
    %mul3A_44 = arith.constant 80 : i32
    %mul3A_45 = arith.muli %min3A_43, %mul3A_44 : i32
    %dma_start3A_46 = tpu.memref_slice %arg2[%mul3A_45] : memref<640000xi32, #tpu.memory_space<hbm>> -> memref<80xi32, #tpu.memory_space<hbm>>
    %dma_start3A_47 = tpu.memref_slice %arg2[%mul3A_45] : memref<640000xi32, #tpu.memory_space<hbm>> -> memref<80xi32, #tpu.memory_space<hbm>>
    tpu.enqueue_dma source(%dma_start3A_47 : memref<80xi32, #tpu.memory_space<hbm>>) target(%arg9 : memref<80xi32, #tpu.memory_space<vmem>>) target_semaphore(%arg26 : memref<!tpu.dma_semaphore, #tpu.memory_space<semaphore_mem>>)
    %dma_start3A_48 = tpu.memref_slice %arg3[%mul3A_45] : memref<640000xi32, #tpu.memory_space<hbm>> -> memref<80xi32, #tpu.memory_space<hbm>>
    %dma_start3A_49 = tpu.memref_slice %arg3[%mul3A_45] : memref<640000xi32, #tpu.memory_space<hbm>> -> memref<80xi32, #tpu.memory_space<hbm>>
    tpu.enqueue_dma source(%dma_start3A_49 : memref<80xi32, #tpu.memory_space<hbm>>) target(%arg13 : memref<80xi32, #tpu.memory_space<vmem>>) target_semaphore(%arg26 : memref<!tpu.dma_semaphore, #tpu.memory_space<semaphore_mem>>)
    %dma_wait3A = arith.constant 0 : i32
    %dma_wait3A_50 = tpu.memref_slice %arg2[%dma_wait3A] : memref<640000xi32, #tpu.memory_space<hbm>> -> memref<80xi32, #tpu.memory_space<hbm>>
    %dma_wait3A_51 = arith.constant 0 : i32
    %dma_wait3A_52 = tpu.memref_slice %arg2[%dma_wait3A_51] : memref<640000xi32, #tpu.memory_space<hbm>> -> memref<80xi32, #tpu.memory_space<hbm>>
    tpu.wait_dma2 semaphore(%arg24 : memref<!tpu.dma_semaphore, #tpu.memory_space<semaphore_mem>>) src(%dma_wait3A_52 : memref<80xi32, #tpu.memory_space<hbm>>) dst(%arg7 : memref<80xi32, #tpu.memory_space<vmem>>)
    %dma_wait3A_53 = arith.constant 0 : i32
    %dma_wait3A_54 = tpu.memref_slice %arg3[%dma_wait3A_53] : memref<640000xi32, #tpu.memory_space<hbm>> -> memref<80xi32, #tpu.memory_space<hbm>>
    %dma_wait3A_55 = arith.constant 0 : i32
    %dma_wait3A_56 = tpu.memref_slice %arg3[%dma_wait3A_55] : memref<640000xi32, #tpu.memory_space<hbm>> -> memref<80xi32, #tpu.memory_space<hbm>>
    tpu.wait_dma2 semaphore(%arg24 : memref<!tpu.dma_semaphore, #tpu.memory_space<semaphore_mem>>) src(%dma_wait3A_56 : memref<80xi32, #tpu.memory_space<hbm>>) dst(%arg11 : memref<80xi32, #tpu.memory_space<vmem>>)
    %dma_start3A_57 = arith.constant 0 : i32
    %dma_start3A_58 = arith.constant 0 : i32
    %dma_start3A_59 = tpu.memref_slice %arg4[%dma_start3A_57, %dma_start3A_58] : memref<10000x128xf32, #tpu.memory_space<hbm>> -> memref<10000x128xf32, #tpu.memory_space<hbm>>
    tpu.enqueue_indirect_dma source(%dma_start3A_59 : memref<10000x128xf32, #tpu.memory_space<hbm>>) target(%arg15 : memref<80x128xf32, #tpu.memory_space<vmem>>) offsets(%arg7 : memref<80xi32, #tpu.memory_space<vmem>>) semaphore(%arg28 : memref<!tpu.dma_semaphore, #tpu.memory_space<semaphore_mem>>)
    %dma_start3A_60 = arith.constant 0 : i32
    %dma_start3A_61 = arith.constant 0 : i32
    %dma_start3A_62 = tpu.memref_slice %arg5[%dma_start3A_60, %dma_start3A_61] : memref<10000x128xf32, #tpu.memory_space<hbm>> -> memref<10000x128xf32, #tpu.memory_space<hbm>>
    tpu.enqueue_indirect_dma source(%dma_start3A_62 : memref<10000x128xf32, #tpu.memory_space<hbm>>) target(%arg19 : memref<80x128xf32, #tpu.memory_space<vmem>>) offsets(%arg11 : memref<80xi32, #tpu.memory_space<vmem>>) semaphore(%arg32 : memref<!tpu.dma_semaphore, #tpu.memory_space<semaphore_mem>>)
    %dma_wait3A_63 = arith.constant 0 : i32
    %dma_wait3A_64 = tpu.memref_slice %arg2[%dma_wait3A_63] : memref<640000xi32, #tpu.memory_space<hbm>> -> memref<80xi32, #tpu.memory_space<hbm>>
    %dma_wait3A_65 = arith.constant 0 : i32
    %dma_wait3A_66 = tpu.memref_slice %arg2[%dma_wait3A_65] : memref<640000xi32, #tpu.memory_space<hbm>> -> memref<80xi32, #tpu.memory_space<hbm>>
    tpu.wait_dma2 semaphore(%arg25 : memref<!tpu.dma_semaphore, #tpu.memory_space<semaphore_mem>>) src(%dma_wait3A_66 : memref<80xi32, #tpu.memory_space<hbm>>) dst(%arg8 : memref<80xi32, #tpu.memory_space<vmem>>)
    %dma_wait3A_67 = arith.constant 0 : i32
    %dma_wait3A_68 = tpu.memref_slice %arg3[%dma_wait3A_67] : memref<640000xi32, #tpu.memory_space<hbm>> -> memref<80xi32, #tpu.memory_space<hbm>>
    %dma_wait3A_69 = arith.constant 0 : i32
    %dma_wait3A_70 = tpu.memref_slice %arg3[%dma_wait3A_69] : memref<640000xi32, #tpu.memory_space<hbm>> -> memref<80xi32, #tpu.memory_space<hbm>>
    tpu.wait_dma2 semaphore(%arg25 : memref<!tpu.dma_semaphore, #tpu.memory_space<semaphore_mem>>) src(%dma_wait3A_70 : memref<80xi32, #tpu.memory_space<hbm>>) dst(%arg12 : memref<80xi32, #tpu.memory_space<vmem>>)
    %dma_start3A_71 = arith.constant 0 : i32
    %dma_start3A_72 = arith.constant 0 : i32
    %dma_start3A_73 = tpu.memref_slice %arg4[%dma_start3A_71, %dma_start3A_72] : memref<10000x128xf32, #tpu.memory_space<hbm>> -> memref<10000x128xf32, #tpu.memory_space<hbm>>
    tpu.enqueue_indirect_dma source(%dma_start3A_73 : memref<10000x128xf32, #tpu.memory_space<hbm>>) target(%arg16 : memref<80x128xf32, #tpu.memory_space<vmem>>) offsets(%arg8 : memref<80xi32, #tpu.memory_space<vmem>>) semaphore(%arg29 : memref<!tpu.dma_semaphore, #tpu.memory_space<semaphore_mem>>)
    %dma_start3A_74 = arith.constant 0 : i32
    %dma_start3A_75 = arith.constant 0 : i32
    %dma_start3A_76 = tpu.memref_slice %arg5[%dma_start3A_74, %dma_start3A_75] : memref<10000x128xf32, #tpu.memory_space<hbm>> -> memref<10000x128xf32, #tpu.memory_space<hbm>>
    tpu.enqueue_indirect_dma source(%dma_start3A_76 : memref<10000x128xf32, #tpu.memory_space<hbm>>) target(%arg20 : memref<80x128xf32, #tpu.memory_space<vmem>>) offsets(%arg12 : memref<80xi32, #tpu.memory_space<vmem>>) semaphore(%arg33 : memref<!tpu.dma_semaphore, #tpu.memory_space<semaphore_mem>>)
    %dma_wait3A_77 = arith.constant 0 : i32
    %dma_wait3A_78 = tpu.memref_slice %arg2[%dma_wait3A_77] : memref<640000xi32, #tpu.memory_space<hbm>> -> memref<80xi32, #tpu.memory_space<hbm>>
    %dma_wait3A_79 = arith.constant 0 : i32
    %dma_wait3A_80 = tpu.memref_slice %arg2[%dma_wait3A_79] : memref<640000xi32, #tpu.memory_space<hbm>> -> memref<80xi32, #tpu.memory_space<hbm>>
    tpu.wait_dma2 semaphore(%arg26 : memref<!tpu.dma_semaphore, #tpu.memory_space<semaphore_mem>>) src(%dma_wait3A_80 : memref<80xi32, #tpu.memory_space<hbm>>) dst(%arg9 : memref<80xi32, #tpu.memory_space<vmem>>)
    %dma_wait3A_81 = arith.constant 0 : i32
    %dma_wait3A_82 = tpu.memref_slice %arg3[%dma_wait3A_81] : memref<640000xi32, #tpu.memory_space<hbm>> -> memref<80xi32, #tpu.memory_space<hbm>>
    %dma_wait3A_83 = arith.constant 0 : i32
    %dma_wait3A_84 = tpu.memref_slice %arg3[%dma_wait3A_83] : memref<640000xi32, #tpu.memory_space<hbm>> -> memref<80xi32, #tpu.memory_space<hbm>>
    tpu.wait_dma2 semaphore(%arg26 : memref<!tpu.dma_semaphore, #tpu.memory_space<semaphore_mem>>) src(%dma_wait3A_84 : memref<80xi32, #tpu.memory_space<hbm>>) dst(%arg13 : memref<80xi32, #tpu.memory_space<vmem>>)
    %dma_start3A_85 = arith.constant 0 : i32
    %dma_start3A_86 = arith.constant 0 : i32
    %dma_start3A_87 = tpu.memref_slice %arg4[%dma_start3A_85, %dma_start3A_86] : memref<10000x128xf32, #tpu.memory_space<hbm>> -> memref<10000x128xf32, #tpu.memory_space<hbm>>
    tpu.enqueue_indirect_dma source(%dma_start3A_87 : memref<10000x128xf32, #tpu.memory_space<hbm>>) target(%arg17 : memref<80x128xf32, #tpu.memory_space<vmem>>) offsets(%arg9 : memref<80xi32, #tpu.memory_space<vmem>>) semaphore(%arg30 : memref<!tpu.dma_semaphore, #tpu.memory_space<semaphore_mem>>)
    %dma_start3A_88 = arith.constant 0 : i32
    %dma_start3A_89 = arith.constant 0 : i32
    %dma_start3A_90 = tpu.memref_slice %arg5[%dma_start3A_88, %dma_start3A_89] : memref<10000x128xf32, #tpu.memory_space<hbm>> -> memref<10000x128xf32, #tpu.memory_space<hbm>>
    tpu.enqueue_indirect_dma source(%dma_start3A_90 : memref<10000x128xf32, #tpu.memory_space<hbm>>) target(%arg21 : memref<80x128xf32, #tpu.memory_space<vmem>>) offsets(%arg13 : memref<80xi32, #tpu.memory_space<vmem>>) semaphore(%arg34 : memref<!tpu.dma_semaphore, #tpu.memory_space<semaphore_mem>>)
    %mul3A_91 = arith.constant 3 : i32
    %mul3A_92 = arith.constant 32 : i32
    %mul3A_93 = arith.muli %mul3A_91, %mul3A_92 : i32
    %add3A_94 = arith.addi %add3A, %mul3A_93 : i32
    %min3A_95 = arith.constant 7999 : i32
    %min3A_96 = arith.minsi %add3A_94, %min3A_95 : i32
    %mul3A_97 = arith.constant 80 : i32
    %mul3A_98 = arith.muli %min3A_96, %mul3A_97 : i32
    %dma_start3A_99 = tpu.memref_slice %arg2[%mul3A_98] : memref<640000xi32, #tpu.memory_space<hbm>> -> memref<80xi32, #tpu.memory_space<hbm>>
    %dma_start3A_100 = tpu.memref_slice %arg2[%mul3A_98] : memref<640000xi32, #tpu.memory_space<hbm>> -> memref<80xi32, #tpu.memory_space<hbm>>
    tpu.enqueue_dma source(%dma_start3A_100 : memref<80xi32, #tpu.memory_space<hbm>>) target(%arg10 : memref<80xi32, #tpu.memory_space<vmem>>) target_semaphore(%arg27 : memref<!tpu.dma_semaphore, #tpu.memory_space<semaphore_mem>>)
    %dma_start3A_101 = tpu.memref_slice %arg3[%mul3A_98] : memref<640000xi32, #tpu.memory_space<hbm>> -> memref<80xi32, #tpu.memory_space<hbm>>
    %dma_start3A_102 = tpu.memref_slice %arg3[%mul3A_98] : memref<640000xi32, #tpu.memory_space<hbm>> -> memref<80xi32, #tpu.memory_space<hbm>>
    tpu.enqueue_dma source(%dma_start3A_102 : memref<80xi32, #tpu.memory_space<hbm>>) target(%arg14 : memref<80xi32, #tpu.memory_space<vmem>>) target_semaphore(%arg27 : memref<!tpu.dma_semaphore, #tpu.memory_space<semaphore_mem>>)
    %broadcast_in_dim3A = arith.constant 0 : i32
    %broadcast_in_dim3A_103 = vector.broadcast %broadcast_in_dim3A : i32 to vector<16xi32>
    %while3A = arith.constant 0 : i32
    %while3A_104 = arith.constant 62 : i32
    %while3A_105 = arith.subi %while3A_104, %while3A : i32
    %while3A_106 = arith.addi %while3A, %while3A_105 : i32
    %while3A_107 = arith.constant 1 : i32
    %while3A_108 = arith.divsi %while3A_105, %while3A_107 : i32
    %while3A_109 = arith.muli %while3A_108, %while3A_107 : i32
    %while3A_110 = arith.addi %while3A, %while3A_109 : i32
    %while3A_111 = arith.constant 1 : i32
    %while3A_112:2 = scf.for %while3A_321 = %while3A to %while3A_110 step %while3A_111 iter_args(%while3A_322 = %broadcast_in_dim3A_103, %while3A_323 = %broadcast_in_dim3A_103) -> (vector<16xi32>, vector<16xi32>)  : i32 {
      %mul3A_324 = arith.constant 4 : i32
      %mul3A_325 = arith.muli %while3A_321, %mul3A_324 : i32
      %add3A_326 = arith.constant 0 : i32
      %add3A_327 = arith.addi %mul3A_325, %add3A_326 : i32
      %dma_wait3A_328 = arith.constant 0 : i32
      %dma_wait3A_329 = arith.constant 0 : i32
      %dma_wait3A_330 = tpu.memref_slice %arg4[%dma_wait3A_328, %dma_wait3A_329] : memref<10000x128xf32, #tpu.memory_space<hbm>> -> memref<10000x128xf32, #tpu.memory_space<hbm>>
      tpu.wait_indirect_dma semaphore(%arg28 : memref<!tpu.dma_semaphore, #tpu.memory_space<semaphore_mem>>) src(%dma_wait3A_330 : memref<10000x128xf32, #tpu.memory_space<hbm>>) dst(%arg15 : memref<80x128xf32, #tpu.memory_space<vmem>>)
      %dma_wait3A_331 = arith.constant 0 : i32
      %dma_wait3A_332 = arith.constant 0 : i32
      %dma_wait3A_333 = tpu.memref_slice %arg5[%dma_wait3A_331, %dma_wait3A_332] : memref<10000x128xf32, #tpu.memory_space<hbm>> -> memref<10000x128xf32, #tpu.memory_space<hbm>>
      tpu.wait_indirect_dma semaphore(%arg32 : memref<!tpu.dma_semaphore, #tpu.memory_space<semaphore_mem>>) src(%dma_wait3A_333 : memref<10000x128xf32, #tpu.memory_space<hbm>>) dst(%arg19 : memref<80x128xf32, #tpu.memory_space<vmem>>)
      %add3A_334 = arith.constant 4 : i32
      %add3A_335 = arith.addi %add3A_327, %add3A_334 : i32
      %mul3A_336 = arith.constant 32 : i32
      %mul3A_337 = arith.muli %add3A_335, %mul3A_336 : i32
      %add3A_338 = arith.addi %add3A, %mul3A_337 : i32
      %min3A_339 = arith.constant 7999 : i32
      %min3A_340 = arith.minsi %add3A_338, %min3A_339 : i32
      %mul3A_341 = arith.constant 80 : i32
      %mul3A_342 = arith.muli %min3A_340, %mul3A_341 : i32
      %dma_start3A_343 = tpu.memref_slice %arg2[%mul3A_342] : memref<640000xi32, #tpu.memory_space<hbm>> -> memref<80xi32, #tpu.memory_space<hbm>>
      %dma_start3A_344 = tpu.memref_slice %arg2[%mul3A_342] : memref<640000xi32, #tpu.memory_space<hbm>> -> memref<80xi32, #tpu.memory_space<hbm>>
      tpu.enqueue_dma source(%dma_start3A_344 : memref<80xi32, #tpu.memory_space<hbm>>) target(%arg7 : memref<80xi32, #tpu.memory_space<vmem>>) target_semaphore(%arg24 : memref<!tpu.dma_semaphore, #tpu.memory_space<semaphore_mem>>)
      %dma_start3A_345 = tpu.memref_slice %arg3[%mul3A_342] : memref<640000xi32, #tpu.memory_space<hbm>> -> memref<80xi32, #tpu.memory_space<hbm>>
      %dma_start3A_346 = tpu.memref_slice %arg3[%mul3A_342] : memref<640000xi32, #tpu.memory_space<hbm>> -> memref<80xi32, #tpu.memory_space<hbm>>
      tpu.enqueue_dma source(%dma_start3A_346 : memref<80xi32, #tpu.memory_space<hbm>>) target(%arg11 : memref<80xi32, #tpu.memory_space<vmem>>) target_semaphore(%arg24 : memref<!tpu.dma_semaphore, #tpu.memory_space<semaphore_mem>>)
      %dma_wait3A_347 = arith.constant 0 : i32
      %dma_wait3A_348 = tpu.memref_slice %arg2[%dma_wait3A_347] : memref<640000xi32, #tpu.memory_space<hbm>> -> memref<80xi32, #tpu.memory_space<hbm>>
      %dma_wait3A_349 = arith.constant 0 : i32
      %dma_wait3A_350 = tpu.memref_slice %arg2[%dma_wait3A_349] : memref<640000xi32, #tpu.memory_space<hbm>> -> memref<80xi32, #tpu.memory_space<hbm>>
      tpu.wait_dma2 semaphore(%arg27 : memref<!tpu.dma_semaphore, #tpu.memory_space<semaphore_mem>>) src(%dma_wait3A_350 : memref<80xi32, #tpu.memory_space<hbm>>) dst(%arg10 : memref<80xi32, #tpu.memory_space<vmem>>)
      %dma_wait3A_351 = arith.constant 0 : i32
      %dma_wait3A_352 = tpu.memref_slice %arg3[%dma_wait3A_351] : memref<640000xi32, #tpu.memory_space<hbm>> -> memref<80xi32, #tpu.memory_space<hbm>>
      %dma_wait3A_353 = arith.constant 0 : i32
      %dma_wait3A_354 = tpu.memref_slice %arg3[%dma_wait3A_353] : memref<640000xi32, #tpu.memory_space<hbm>> -> memref<80xi32, #tpu.memory_space<hbm>>
      tpu.wait_dma2 semaphore(%arg27 : memref<!tpu.dma_semaphore, #tpu.memory_space<semaphore_mem>>) src(%dma_wait3A_354 : memref<80xi32, #tpu.memory_space<hbm>>) dst(%arg14 : memref<80xi32, #tpu.memory_space<vmem>>)
      %dma_start3A_355 = arith.constant 0 : i32
      %dma_start3A_356 = arith.constant 0 : i32
      %dma_start3A_357 = tpu.memref_slice %arg4[%dma_start3A_355, %dma_start3A_356] : memref<10000x128xf32, #tpu.memory_space<hbm>> -> memref<10000x128xf32, #tpu.memory_space<hbm>>
      tpu.enqueue_indirect_dma source(%dma_start3A_357 : memref<10000x128xf32, #tpu.memory_space<hbm>>) target(%arg18 : memref<80x128xf32, #tpu.memory_space<vmem>>) offsets(%arg10 : memref<80xi32, #tpu.memory_space<vmem>>) semaphore(%arg31 : memref<!tpu.dma_semaphore, #tpu.memory_space<semaphore_mem>>)
      %dma_start3A_358 = arith.constant 0 : i32
      %dma_start3A_359 = arith.constant 0 : i32
      %dma_start3A_360 = tpu.memref_slice %arg5[%dma_start3A_358, %dma_start3A_359] : memref<10000x128xf32, #tpu.memory_space<hbm>> -> memref<10000x128xf32, #tpu.memory_space<hbm>>
      tpu.enqueue_indirect_dma source(%dma_start3A_360 : memref<10000x128xf32, #tpu.memory_space<hbm>>) target(%arg22 : memref<80x128xf32, #tpu.memory_space<vmem>>) offsets(%arg14 : memref<80xi32, #tpu.memory_space<vmem>>) semaphore(%arg35 : memref<!tpu.dma_semaphore, #tpu.memory_space<semaphore_mem>>)
      %mul3A_361 = arith.constant 32 : i32
      %mul3A_362 = arith.muli %add3A_327, %mul3A_361 : i32
      %add3A_363 = arith.addi %add3A, %mul3A_362 : i32
      %lt3A_364 = arith.constant 8000 : i32
      %lt3A_365 = arith.cmpi slt, %add3A_363, %lt3A_364 : i32
      %convert_element_type3A_366 = arith.extui %lt3A_365 : i1 to i32
      %lt3A_367 = arith.constant 4000 : i32
      %lt3A_368 = arith.cmpi slt, %add3A_363, %lt3A_367 : i32
      %convert_element_type3A_369 = arith.extui %lt3A_368 : i1 to i32
      %mul3A_370 = arith.muli %convert_element_type3A_366, %convert_element_type3A_369 : i32
      %broadcast_in_dim3A_371 = vector.broadcast %mul3A_370 : i32 to vector<16xi32>
      %sub3A_372 = arith.constant 1 : i32
      %sub3A_373 = arith.subi %sub3A_372, %convert_element_type3A_369 : i32
      %mul3A_374 = arith.muli %convert_element_type3A_366, %sub3A_373 : i32
      %broadcast_in_dim3A_375 = vector.broadcast %mul3A_374 : i32 to vector<16xi32>
      %broadcast_in_dim3A_376 = arith.constant 0.000000e+00 : f32
      %broadcast_in_dim3A_377 = vector.broadcast %broadcast_in_dim3A_376 : f32 to vector<16xf32>
      %while3A_378 = arith.constant 0 : i32
      %while3A_379 = arith.constant 128 : i32
      %while3A_380 = arith.subi %while3A_379, %while3A_378 : i32
      %while3A_381 = arith.addi %while3A_378, %while3A_380 : i32
      %while3A_382 = arith.constant 1 : i32
      %while3A_383 = arith.divsi %while3A_380, %while3A_382 : i32
      %while3A_384 = arith.muli %while3A_383, %while3A_382 : i32
      %while3A_385 = arith.addi %while3A_378, %while3A_384 : i32
      %while3A_386 = arith.constant 1 : i32
      %while3A_387:5 = scf.for %while3A_822 = %while3A_378 to %while3A_385 step %while3A_386 iter_args(%while3A_823 = %broadcast_in_dim3A_377, %while3A_824 = %broadcast_in_dim3A_377, %while3A_825 = %broadcast_in_dim3A_377, %while3A_826 = %broadcast_in_dim3A_377, %while3A_827 = %broadcast_in_dim3A_377) -> (vector<16xf32>, vector<16xf32>, vector<16xf32>, vector<16xf32>, vector<16xf32>)  : i32 {
        %add3A_828 = vector.broadcast %while3A_822 : i32 to vector<16xi32>
        %add3A_829 = arith.addi %iota3A, %add3A_828 : vector<16xi32>
        %and3A = arith.constant 127 : i32
        %and3A_830 = vector.broadcast %and3A : i32 to vector<16xi32>
        %and3A_831 = arith.andi %add3A_829, %and3A_830 : vector<16xi32>
        %gather3A = tpu.vector_load_idx %arg15[%add3A_3, %and3A_831] : memref<80x128xf32, #tpu.memory_space<vmem>>[vector<16xi32>, vector<16xi32>], vector<16xf32>,
        %gather3A_832 = tpu.vector_load_idx %arg19[%add3A_3, %and3A_831] : memref<80x128xf32, #tpu.memory_space<vmem>>[vector<16xi32>, vector<16xi32>], vector<16xf32>,
        %sub3A_833 = arith.subf %gather3A, %gather3A_832 : vector<16xf32>
        %mul3A_834 = arith.mulf %sub3A_833, %sub3A_833 : vector<16xf32>
        %add3A_835 = arith.addf %while3A_823, %mul3A_834 : vector<16xf32>
        %gather3A_836 = tpu.vector_load_idx %arg15[%add3A_6, %and3A_831] : memref<80x128xf32, #tpu.memory_space<vmem>>[vector<16xi32>, vector<16xi32>], vector<16xf32>,
        %gather3A_837 = tpu.vector_load_idx %arg19[%add3A_6, %and3A_831] : memref<80x128xf32, #tpu.memory_space<vmem>>[vector<16xi32>, vector<16xi32>], vector<16xf32>,
        %sub3A_838 = arith.subf %gather3A_836, %gather3A_837 : vector<16xf32>
        %mul3A_839 = arith.mulf %sub3A_838, %sub3A_838 : vector<16xf32>
        %add3A_840 = arith.addf %while3A_824, %mul3A_839 : vector<16xf32>
        %gather3A_841 = tpu.vector_load_idx %arg15[%add3A_9, %and3A_831] : memref<80x128xf32, #tpu.memory_space<vmem>>[vector<16xi32>, vector<16xi32>], vector<16xf32>,
        %gather3A_842 = tpu.vector_load_idx %arg19[%add3A_9, %and3A_831] : memref<80x128xf32, #tpu.memory_space<vmem>>[vector<16xi32>, vector<16xi32>], vector<16xf32>,
        %sub3A_843 = arith.subf %gather3A_841, %gather3A_842 : vector<16xf32>
        %mul3A_844 = arith.mulf %sub3A_843, %sub3A_843 : vector<16xf32>
        %add3A_845 = arith.addf %while3A_825, %mul3A_844 : vector<16xf32>
        %gather3A_846 = tpu.vector_load_idx %arg15[%add3A_12, %and3A_831] : memref<80x128xf32, #tpu.memory_space<vmem>>[vector<16xi32>, vector<16xi32>], vector<16xf32>,
        %gather3A_847 = tpu.vector_load_idx %arg19[%add3A_12, %and3A_831] : memref<80x128xf32, #tpu.memory_space<vmem>>[vector<16xi32>, vector<16xi32>], vector<16xf32>,
        %sub3A_848 = arith.subf %gather3A_846, %gather3A_847 : vector<16xf32>
        %mul3A_849 = arith.mulf %sub3A_848, %sub3A_848 : vector<16xf32>
        %add3A_850 = arith.addf %while3A_826, %mul3A_849 : vector<16xf32>
        %gather3A_851 = tpu.vector_load_idx %arg15[%add3A_15, %and3A_831] : memref<80x128xf32, #tpu.memory_space<vmem>>[vector<16xi32>, vector<16xi32>], vector<16xf32>,
        %gather3A_852 = tpu.vector_load_idx %arg19[%add3A_15, %and3A_831] : memref<80x128xf32, #tpu.memory_space<vmem>>[vector<16xi32>, vector<16xi32>], vector<16xf32>,
        %sub3A_853 = arith.subf %gather3A_851, %gather3A_852 : vector<16xf32>
        %mul3A_854 = arith.mulf %sub3A_853, %sub3A_853 : vector<16xf32>
        %add3A_855 = arith.addf %while3A_827, %mul3A_854 : vector<16xf32>
        scf.yield %add3A_835, %add3A_840, %add3A_845, %add3A_850, %add3A_855 : vector<16xf32>, vector<16xf32>, vector<16xf32>, vector<16xf32>, vector<16xf32>
      }
      %while3A_388 = arith.constant 1 : i32
      %while3A_389:5 = scf.for %while3A_822 = %while3A_385 to %while3A_381 step %while3A_388 iter_args(%while3A_823 = %while3A_387#0, %while3A_824 = %while3A_387#1, %while3A_825 = %while3A_387#2, %while3A_826 = %while3A_387#3, %while3A_827 = %while3A_387#4) -> (vector<16xf32>, vector<16xf32>, vector<16xf32>, vector<16xf32>, vector<16xf32>)  : i32 {
        %add3A_828 = vector.broadcast %while3A_822 : i32 to vector<16xi32>
        %add3A_829 = arith.addi %iota3A, %add3A_828 : vector<16xi32>
        %and3A = arith.constant 127 : i32
        %and3A_830 = vector.broadcast %and3A : i32 to vector<16xi32>
        %and3A_831 = arith.andi %add3A_829, %and3A_830 : vector<16xi32>
        %gather3A = tpu.vector_load_idx %arg15[%add3A_3, %and3A_831] : memref<80x128xf32, #tpu.memory_space<vmem>>[vector<16xi32>, vector<16xi32>], vector<16xf32>,
        %gather3A_832 = tpu.vector_load_idx %arg19[%add3A_3, %and3A_831] : memref<80x128xf32, #tpu.memory_space<vmem>>[vector<16xi32>, vector<16xi32>], vector<16xf32>,
        %sub3A_833 = arith.subf %gather3A, %gather3A_832 : vector<16xf32>
        %mul3A_834 = arith.mulf %sub3A_833, %sub3A_833 : vector<16xf32>
        %add3A_835 = arith.addf %while3A_823, %mul3A_834 : vector<16xf32>
        %gather3A_836 = tpu.vector_load_idx %arg15[%add3A_6, %and3A_831] : memref<80x128xf32, #tpu.memory_space<vmem>>[vector<16xi32>, vector<16xi32>], vector<16xf32>,
        %gather3A_837 = tpu.vector_load_idx %arg19[%add3A_6, %and3A_831] : memref<80x128xf32, #tpu.memory_space<vmem>>[vector<16xi32>, vector<16xi32>], vector<16xf32>,
        %sub3A_838 = arith.subf %gather3A_836, %gather3A_837 : vector<16xf32>
        %mul3A_839 = arith.mulf %sub3A_838, %sub3A_838 : vector<16xf32>
        %add3A_840 = arith.addf %while3A_824, %mul3A_839 : vector<16xf32>
        %gather3A_841 = tpu.vector_load_idx %arg15[%add3A_9, %and3A_831] : memref<80x128xf32, #tpu.memory_space<vmem>>[vector<16xi32>, vector<16xi32>], vector<16xf32>,
        %gather3A_842 = tpu.vector_load_idx %arg19[%add3A_9, %and3A_831] : memref<80x128xf32, #tpu.memory_space<vmem>>[vector<16xi32>, vector<16xi32>], vector<16xf32>,
        %sub3A_843 = arith.subf %gather3A_841, %gather3A_842 : vector<16xf32>
        %mul3A_844 = arith.mulf %sub3A_843, %sub3A_843 : vector<16xf32>
        %add3A_845 = arith.addf %while3A_825, %mul3A_844 : vector<16xf32>
        %gather3A_846 = tpu.vector_load_idx %arg15[%add3A_12, %and3A_831] : memref<80x128xf32, #tpu.memory_space<vmem>>[vector<16xi32>, vector<16xi32>], vector<16xf32>,
        %gather3A_847 = tpu.vector_load_idx %arg19[%add3A_12, %and3A_831] : memref<80x128xf32, #tpu.memory_space<vmem>>[vector<16xi32>, vector<16xi32>], vector<16xf32>,
        %sub3A_848 = arith.subf %gather3A_846, %gather3A_847 : vector<16xf32>
        %mul3A_849 = arith.mulf %sub3A_848, %sub3A_848 : vector<16xf32>
        %add3A_850 = arith.addf %while3A_826, %mul3A_849 : vector<16xf32>
        %gather3A_851 = tpu.vector_load_idx %arg15[%add3A_15, %and3A_831] : memref<80x128xf32, #tpu.memory_space<vmem>>[vector<16xi32>, vector<16xi32>], vector<16xf32>,
        %gather3A_852 = tpu.vector_load_idx %arg19[%add3A_15, %and3A_831] : memref<80x128xf32, #tpu.memory_space<vmem>>[vector<16xi32>, vector<16xi32>], vector<16xf32>,
        %sub3A_853 = arith.subf %gather3A_851, %gather3A_852 : vector<16xf32>
        %mul3A_854 = arith.mulf %sub3A_853, %sub3A_853 : vector<16xf32>
        %add3A_855 = arith.addf %while3A_827, %mul3A_854 : vector<16xf32>
        scf.yield %add3A_835, %add3A_840, %add3A_845, %add3A_850, %add3A_855 : vector<16xf32>, vector<16xf32>, vector<16xf32>, vector<16xf32>, vector<16xf32>
      }
      %gt3A_390 = arith.constant 2.500000e+00 : f32
      %gt3A_391 = vector.broadcast %gt3A_390 : f32 to vector<16xf32>
      %gt3A_392 = arith.cmpf ogt, %while3A_389#0, %gt3A_391 : vector<16xf32>
      %convert_element_type3A_393 = arith.extui %gt3A_392 : vector<16xi1> to vector<16xi32>
      %mul3A_394 = arith.muli %convert_element_type3A_393, %broadcast_in_dim3A_371 : vector<16xi32>
      %add3A_395 = arith.addi %while3A_322, %mul3A_394 : vector<16xi32>
      %lt3A_396 = arith.constant 2.500000e+00 : f32
      %lt3A_397 = vector.broadcast %lt3A_396 : f32 to vector<16xf32>
      %lt3A_398 = arith.cmpf olt, %while3A_389#0, %lt3A_397 : vector<16xf32>
      %convert_element_type3A_399 = arith.extui %lt3A_398 : vector<16xi1> to vector<16xi32>
      %mul3A_400 = arith.muli %convert_element_type3A_399, %broadcast_in_dim3A_375 : vector<16xi32>
      %add3A_401 = arith.addi %while3A_323, %mul3A_400 : vector<16xi32>
      %gt3A_402 = arith.constant 2.500000e+00 : f32
      %gt3A_403 = vector.broadcast %gt3A_402 : f32 to vector<16xf32>
      %gt3A_404 = arith.cmpf ogt, %while3A_389#1, %gt3A_403 : vector<16xf32>
      %convert_element_type3A_405 = arith.extui %gt3A_404 : vector<16xi1> to vector<16xi32>
      %mul3A_406 = arith.muli %convert_element_type3A_405, %broadcast_in_dim3A_371 : vector<16xi32>
      %add3A_407 = arith.addi %add3A_395, %mul3A_406 : vector<16xi32>
      %lt3A_408 = arith.constant 2.500000e+00 : f32
      %lt3A_409 = vector.broadcast %lt3A_408 : f32 to vector<16xf32>
      %lt3A_410 = arith.cmpf olt, %while3A_389#1, %lt3A_409 : vector<16xf32>
      %convert_element_type3A_411 = arith.extui %lt3A_410 : vector<16xi1> to vector<16xi32>
      %mul3A_412 = arith.muli %convert_element_type3A_411, %broadcast_in_dim3A_375 : vector<16xi32>
      %add3A_413 = arith.addi %add3A_401, %mul3A_412 : vector<16xi32>
      %gt3A_414 = arith.constant 2.500000e+00 : f32
      %gt3A_415 = vector.broadcast %gt3A_414 : f32 to vector<16xf32>
      %gt3A_416 = arith.cmpf ogt, %while3A_389#2, %gt3A_415 : vector<16xf32>
      %convert_element_type3A_417 = arith.extui %gt3A_416 : vector<16xi1> to vector<16xi32>
      %mul3A_418 = arith.muli %convert_element_type3A_417, %broadcast_in_dim3A_371 : vector<16xi32>
      %add3A_419 = arith.addi %add3A_407, %mul3A_418 : vector<16xi32>
      %lt3A_420 = arith.constant 2.500000e+00 : f32
      %lt3A_421 = vector.broadcast %lt3A_420 : f32 to vector<16xf32>
      %lt3A_422 = arith.cmpf olt, %while3A_389#2, %lt3A_421 : vector<16xf32>
      %convert_element_type3A_423 = arith.extui %lt3A_422 : vector<16xi1> to vector<16xi32>
      %mul3A_424 = arith.muli %convert_element_type3A_423, %broadcast_in_dim3A_375 : vector<16xi32>
      %add3A_425 = arith.addi %add3A_413, %mul3A_424 : vector<16xi32>
      %gt3A_426 = arith.constant 2.500000e+00 : f32
      %gt3A_427 = vector.broadcast %gt3A_426 : f32 to vector<16xf32>
      %gt3A_428 = arith.cmpf ogt, %while3A_389#3, %gt3A_427 : vector<16xf32>
      %convert_element_type3A_429 = arith.extui %gt3A_428 : vector<16xi1> to vector<16xi32>
      %mul3A_430 = arith.muli %convert_element_type3A_429, %broadcast_in_dim3A_371 : vector<16xi32>
      %add3A_431 = arith.addi %add3A_419, %mul3A_430 : vector<16xi32>
      %lt3A_432 = arith.constant 2.500000e+00 : f32
      %lt3A_433 = vector.broadcast %lt3A_432 : f32 to vector<16xf32>
      %lt3A_434 = arith.cmpf olt, %while3A_389#3, %lt3A_433 : vector<16xf32>
      %convert_element_type3A_435 = arith.extui %lt3A_434 : vector<16xi1> to vector<16xi32>
      %mul3A_436 = arith.muli %convert_element_type3A_435, %broadcast_in_dim3A_375 : vector<16xi32>
      %add3A_437 = arith.addi %add3A_425, %mul3A_436 : vector<16xi32>
      %gt3A_438 = arith.constant 2.500000e+00 : f32
      %gt3A_439 = vector.broadcast %gt3A_438 : f32 to vector<16xf32>
      %gt3A_440 = arith.cmpf ogt, %while3A_389#4, %gt3A_439 : vector<16xf32>
      %convert_element_type3A_441 = arith.extui %gt3A_440 : vector<16xi1> to vector<16xi32>
      %mul3A_442 = arith.muli %convert_element_type3A_441, %broadcast_in_dim3A_371 : vector<16xi32>
      %add3A_443 = arith.addi %add3A_431, %mul3A_442 : vector<16xi32>
      %lt3A_444 = arith.constant 2.500000e+00 : f32
      %lt3A_445 = vector.broadcast %lt3A_444 : f32 to vector<16xf32>
      %lt3A_446 = arith.cmpf olt, %while3A_389#4, %lt3A_445 : vector<16xf32>
      %convert_element_type3A_447 = arith.extui %lt3A_446 : vector<16xi1> to vector<16xi32>
      %mul3A_448 = arith.muli %convert_element_type3A_447, %broadcast_in_dim3A_375 : vector<16xi32>
      %add3A_449 = arith.addi %add3A_437, %mul3A_448 : vector<16xi32>
      %add3A_450 = arith.constant 1 : i32
      %add3A_451 = arith.addi %mul3A_325, %add3A_450 : i32
      %dma_wait3A_452 = arith.constant 0 : i32
      %dma_wait3A_453 = arith.constant 0 : i32
      %dma_wait3A_454 = tpu.memref_slice %arg4[%dma_wait3A_452, %dma_wait3A_453] : memref<10000x128xf32, #tpu.memory_space<hbm>> -> memref<10000x128xf32, #tpu.memory_space<hbm>>
      tpu.wait_indirect_dma semaphore(%arg29 : memref<!tpu.dma_semaphore, #tpu.memory_space<semaphore_mem>>) src(%dma_wait3A_454 : memref<10000x128xf32, #tpu.memory_space<hbm>>) dst(%arg16 : memref<80x128xf32, #tpu.memory_space<vmem>>)
      %dma_wait3A_455 = arith.constant 0 : i32
      %dma_wait3A_456 = arith.constant 0 : i32
      %dma_wait3A_457 = tpu.memref_slice %arg5[%dma_wait3A_455, %dma_wait3A_456] : memref<10000x128xf32, #tpu.memory_space<hbm>> -> memref<10000x128xf32, #tpu.memory_space<hbm>>
      tpu.wait_indirect_dma semaphore(%arg33 : memref<!tpu.dma_semaphore, #tpu.memory_space<semaphore_mem>>) src(%dma_wait3A_457 : memref<10000x128xf32, #tpu.memory_space<hbm>>) dst(%arg20 : memref<80x128xf32, #tpu.memory_space<vmem>>)
      %add3A_458 = arith.constant 4 : i32
      %add3A_459 = arith.addi %add3A_451, %add3A_458 : i32
      %mul3A_460 = arith.constant 32 : i32
      %mul3A_461 = arith.muli %add3A_459, %mul3A_460 : i32
      %add3A_462 = arith.addi %add3A, %mul3A_461 : i32
      %min3A_463 = arith.constant 7999 : i32
      %min3A_464 = arith.minsi %add3A_462, %min3A_463 : i32
      %mul3A_465 = arith.constant 80 : i32
      %mul3A_466 = arith.muli %min3A_464, %mul3A_465 : i32
      %dma_start3A_467 = tpu.memref_slice %arg2[%mul3A_466] : memref<640000xi32, #tpu.memory_space<hbm>> -> memref<80xi32, #tpu.memory_space<hbm>>
      %dma_start3A_468 = tpu.memref_slice %arg2[%mul3A_466] : memref<640000xi32, #tpu.memory_space<hbm>> -> memref<80xi32, #tpu.memory_space<hbm>>
      tpu.enqueue_dma source(%dma_start3A_468 : memref<80xi32, #tpu.memory_space<hbm>>) target(%arg8 : memref<80xi32, #tpu.memory_space<vmem>>) target_semaphore(%arg25 : memref<!tpu.dma_semaphore, #tpu.memory_space<semaphore_mem>>)
      %dma_start3A_469 = tpu.memref_slice %arg3[%mul3A_466] : memref<640000xi32, #tpu.memory_space<hbm>> -> memref<80xi32, #tpu.memory_space<hbm>>
      %dma_start3A_470 = tpu.memref_slice %arg3[%mul3A_466] : memref<640000xi32, #tpu.memory_space<hbm>> -> memref<80xi32, #tpu.memory_space<hbm>>
      tpu.enqueue_dma source(%dma_start3A_470 : memref<80xi32, #tpu.memory_space<hbm>>) target(%arg12 : memref<80xi32, #tpu.memory_space<vmem>>) target_semaphore(%arg25 : memref<!tpu.dma_semaphore, #tpu.memory_space<semaphore_mem>>)
      %dma_wait3A_471 = arith.constant 0 : i32
      %dma_wait3A_472 = tpu.memref_slice %arg2[%dma_wait3A_471] : memref<640000xi32, #tpu.memory_space<hbm>> -> memref<80xi32, #tpu.memory_space<hbm>>
      %dma_wait3A_473 = arith.constant 0 : i32
      %dma_wait3A_474 = tpu.memref_slice %arg2[%dma_wait3A_473] : memref<640000xi32, #tpu.memory_space<hbm>> -> memref<80xi32, #tpu.memory_space<hbm>>
      tpu.wait_dma2 semaphore(%arg24 : memref<!tpu.dma_semaphore, #tpu.memory_space<semaphore_mem>>) src(%dma_wait3A_474 : memref<80xi32, #tpu.memory_space<hbm>>) dst(%arg7 : memref<80xi32, #tpu.memory_space<vmem>>)
      %dma_wait3A_475 = arith.constant 0 : i32
      %dma_wait3A_476 = tpu.memref_slice %arg3[%dma_wait3A_475] : memref<640000xi32, #tpu.memory_space<hbm>> -> memref<80xi32, #tpu.memory_space<hbm>>
      %dma_wait3A_477 = arith.constant 0 : i32
      %dma_wait3A_478 = tpu.memref_slice %arg3[%dma_wait3A_477] : memref<640000xi32, #tpu.memory_space<hbm>> -> memref<80xi32, #tpu.memory_space<hbm>>
      tpu.wait_dma2 semaphore(%arg24 : memref<!tpu.dma_semaphore, #tpu.memory_space<semaphore_mem>>) src(%dma_wait3A_478 : memref<80xi32, #tpu.memory_space<hbm>>) dst(%arg11 : memref<80xi32, #tpu.memory_space<vmem>>)
      %dma_start3A_479 = arith.constant 0 : i32
      %dma_start3A_480 = arith.constant 0 : i32
      %dma_start3A_481 = tpu.memref_slice %arg4[%dma_start3A_479, %dma_start3A_480] : memref<10000x128xf32, #tpu.memory_space<hbm>> -> memref<10000x128xf32, #tpu.memory_space<hbm>>
      tpu.enqueue_indirect_dma source(%dma_start3A_481 : memref<10000x128xf32, #tpu.memory_space<hbm>>) target(%arg15 : memref<80x128xf32, #tpu.memory_space<vmem>>) offsets(%arg7 : memref<80xi32, #tpu.memory_space<vmem>>) semaphore(%arg28 : memref<!tpu.dma_semaphore, #tpu.memory_space<semaphore_mem>>)
      %dma_start3A_482 = arith.constant 0 : i32
      %dma_start3A_483 = arith.constant 0 : i32
      %dma_start3A_484 = tpu.memref_slice %arg5[%dma_start3A_482, %dma_start3A_483] : memref<10000x128xf32, #tpu.memory_space<hbm>> -> memref<10000x128xf32, #tpu.memory_space<hbm>>
      tpu.enqueue_indirect_dma source(%dma_start3A_484 : memref<10000x128xf32, #tpu.memory_space<hbm>>) target(%arg19 : memref<80x128xf32, #tpu.memory_space<vmem>>) offsets(%arg11 : memref<80xi32, #tpu.memory_space<vmem>>) semaphore(%arg32 : memref<!tpu.dma_semaphore, #tpu.memory_space<semaphore_mem>>)
      %mul3A_485 = arith.constant 32 : i32
      %mul3A_486 = arith.muli %add3A_451, %mul3A_485 : i32
      %add3A_487 = arith.addi %add3A, %mul3A_486 : i32
      %lt3A_488 = arith.constant 8000 : i32
      %lt3A_489 = arith.cmpi slt, %add3A_487, %lt3A_488 : i32
      %convert_element_type3A_490 = arith.extui %lt3A_489 : i1 to i32
      %lt3A_491 = arith.constant 4000 : i32
      %lt3A_492 = arith.cmpi slt, %add3A_487, %lt3A_491 : i32
      %convert_element_type3A_493 = arith.extui %lt3A_492 : i1 to i32
      %mul3A_494 = arith.muli %convert_element_type3A_490, %convert_element_type3A_493 : i32
      %broadcast_in_dim3A_495 = vector.broadcast %mul3A_494 : i32 to vector<16xi32>
      %sub3A_496 = arith.constant 1 : i32
      %sub3A_497 = arith.subi %sub3A_496, %convert_element_type3A_493 : i32
      %mul3A_498 = arith.muli %convert_element_type3A_490, %sub3A_497 : i32
      %broadcast_in_dim3A_499 = vector.broadcast %mul3A_498 : i32 to vector<16xi32>
      %broadcast_in_dim3A_500 = arith.constant 0.000000e+00 : f32
      %broadcast_in_dim3A_501 = vector.broadcast %broadcast_in_dim3A_500 : f32 to vector<16xf32>
      %while3A_502 = arith.constant 0 : i32
      %while3A_503 = arith.constant 128 : i32
      %while3A_504 = arith.subi %while3A_503, %while3A_502 : i32
      %while3A_505 = arith.addi %while3A_502, %while3A_504 : i32
      %while3A_506 = arith.constant 1 : i32
      %while3A_507 = arith.divsi %while3A_504, %while3A_506 : i32
      %while3A_508 = arith.muli %while3A_507, %while3A_506 : i32
      %while3A_509 = arith.addi %while3A_502, %while3A_508 : i32
      %while3A_510 = arith.constant 1 : i32
      %while3A_511:5 = scf.for %while3A_822 = %while3A_502 to %while3A_509 step %while3A_510 iter_args(%while3A_823 = %broadcast_in_dim3A_501, %while3A_824 = %broadcast_in_dim3A_501, %while3A_825 = %broadcast_in_dim3A_501, %while3A_826 = %broadcast_in_dim3A_501, %while3A_827 = %broadcast_in_dim3A_501) -> (vector<16xf32>, vector<16xf32>, vector<16xf32>, vector<16xf32>, vector<16xf32>)  : i32 {
        %add3A_828 = vector.broadcast %while3A_822 : i32 to vector<16xi32>
        %add3A_829 = arith.addi %iota3A, %add3A_828 : vector<16xi32>
        %and3A = arith.constant 127 : i32
        %and3A_830 = vector.broadcast %and3A : i32 to vector<16xi32>
        %and3A_831 = arith.andi %add3A_829, %and3A_830 : vector<16xi32>
        %gather3A = tpu.vector_load_idx %arg16[%add3A_3, %and3A_831] : memref<80x128xf32, #tpu.memory_space<vmem>>[vector<16xi32>, vector<16xi32>], vector<16xf32>,
        %gather3A_832 = tpu.vector_load_idx %arg20[%add3A_3, %and3A_831] : memref<80x128xf32, #tpu.memory_space<vmem>>[vector<16xi32>, vector<16xi32>], vector<16xf32>,
        %sub3A_833 = arith.subf %gather3A, %gather3A_832 : vector<16xf32>
        %mul3A_834 = arith.mulf %sub3A_833, %sub3A_833 : vector<16xf32>
        %add3A_835 = arith.addf %while3A_823, %mul3A_834 : vector<16xf32>
        %gather3A_836 = tpu.vector_load_idx %arg16[%add3A_6, %and3A_831] : memref<80x128xf32, #tpu.memory_space<vmem>>[vector<16xi32>, vector<16xi32>], vector<16xf32>,
        %gather3A_837 = tpu.vector_load_idx %arg20[%add3A_6, %and3A_831] : memref<80x128xf32, #tpu.memory_space<vmem>>[vector<16xi32>, vector<16xi32>], vector<16xf32>,
        %sub3A_838 = arith.subf %gather3A_836, %gather3A_837 : vector<16xf32>
        %mul3A_839 = arith.mulf %sub3A_838, %sub3A_838 : vector<16xf32>
        %add3A_840 = arith.addf %while3A_824, %mul3A_839 : vector<16xf32>
        %gather3A_841 = tpu.vector_load_idx %arg16[%add3A_9, %and3A_831] : memref<80x128xf32, #tpu.memory_space<vmem>>[vector<16xi32>, vector<16xi32>], vector<16xf32>,
        %gather3A_842 = tpu.vector_load_idx %arg20[%add3A_9, %and3A_831] : memref<80x128xf32, #tpu.memory_space<vmem>>[vector<16xi32>, vector<16xi32>], vector<16xf32>,
        %sub3A_843 = arith.subf %gather3A_841, %gather3A_842 : vector<16xf32>
        %mul3A_844 = arith.mulf %sub3A_843, %sub3A_843 : vector<16xf32>
        %add3A_845 = arith.addf %while3A_825, %mul3A_844 : vector<16xf32>
        %gather3A_846 = tpu.vector_load_idx %arg16[%add3A_12, %and3A_831] : memref<80x128xf32, #tpu.memory_space<vmem>>[vector<16xi32>, vector<16xi32>], vector<16xf32>,
        %gather3A_847 = tpu.vector_load_idx %arg20[%add3A_12, %and3A_831] : memref<80x128xf32, #tpu.memory_space<vmem>>[vector<16xi32>, vector<16xi32>], vector<16xf32>,
        %sub3A_848 = arith.subf %gather3A_846, %gather3A_847 : vector<16xf32>
        %mul3A_849 = arith.mulf %sub3A_848, %sub3A_848 : vector<16xf32>
        %add3A_850 = arith.addf %while3A_826, %mul3A_849 : vector<16xf32>
        %gather3A_851 = tpu.vector_load_idx %arg16[%add3A_15, %and3A_831] : memref<80x128xf32, #tpu.memory_space<vmem>>[vector<16xi32>, vector<16xi32>], vector<16xf32>,
        %gather3A_852 = tpu.vector_load_idx %arg20[%add3A_15, %and3A_831] : memref<80x128xf32, #tpu.memory_space<vmem>>[vector<16xi32>, vector<16xi32>], vector<16xf32>,
        %sub3A_853 = arith.subf %gather3A_851, %gather3A_852 : vector<16xf32>
        %mul3A_854 = arith.mulf %sub3A_853, %sub3A_853 : vector<16xf32>
        %add3A_855 = arith.addf %while3A_827, %mul3A_854 : vector<16xf32>
        scf.yield %add3A_835, %add3A_840, %add3A_845, %add3A_850, %add3A_855 : vector<16xf32>, vector<16xf32>, vector<16xf32>, vector<16xf32>, vector<16xf32>
      }
      %while3A_512 = arith.constant 1 : i32
      %while3A_513:5 = scf.for %while3A_822 = %while3A_509 to %while3A_505 step %while3A_512 iter_args(%while3A_823 = %while3A_511#0, %while3A_824 = %while3A_511#1, %while3A_825 = %while3A_511#2, %while3A_826 = %while3A_511#3, %while3A_827 = %while3A_511#4) -> (vector<16xf32>, vector<16xf32>, vector<16xf32>, vector<16xf32>, vector<16xf32>)  : i32 {
        %add3A_828 = vector.broadcast %while3A_822 : i32 to vector<16xi32>
        %add3A_829 = arith.addi %iota3A, %add3A_828 : vector<16xi32>
        %and3A = arith.constant 127 : i32
        %and3A_830 = vector.broadcast %and3A : i32 to vector<16xi32>
        %and3A_831 = arith.andi %add3A_829, %and3A_830 : vector<16xi32>
        %gather3A = tpu.vector_load_idx %arg16[%add3A_3, %and3A_831] : memref<80x128xf32, #tpu.memory_space<vmem>>[vector<16xi32>, vector<16xi32>], vector<16xf32>,
        %gather3A_832 = tpu.vector_load_idx %arg20[%add3A_3, %and3A_831] : memref<80x128xf32, #tpu.memory_space<vmem>>[vector<16xi32>, vector<16xi32>], vector<16xf32>,
        %sub3A_833 = arith.subf %gather3A, %gather3A_832 : vector<16xf32>
        %mul3A_834 = arith.mulf %sub3A_833, %sub3A_833 : vector<16xf32>
        %add3A_835 = arith.addf %while3A_823, %mul3A_834 : vector<16xf32>
        %gather3A_836 = tpu.vector_load_idx %arg16[%add3A_6, %and3A_831] : memref<80x128xf32, #tpu.memory_space<vmem>>[vector<16xi32>, vector<16xi32>], vector<16xf32>,
        %gather3A_837 = tpu.vector_load_idx %arg20[%add3A_6, %and3A_831] : memref<80x128xf32, #tpu.memory_space<vmem>>[vector<16xi32>, vector<16xi32>], vector<16xf32>,
        %sub3A_838 = arith.subf %gather3A_836, %gather3A_837 : vector<16xf32>
        %mul3A_839 = arith.mulf %sub3A_838, %sub3A_838 : vector<16xf32>
        %add3A_840 = arith.addf %while3A_824, %mul3A_839 : vector<16xf32>
        %gather3A_841 = tpu.vector_load_idx %arg16[%add3A_9, %and3A_831] : memref<80x128xf32, #tpu.memory_space<vmem>>[vector<16xi32>, vector<16xi32>], vector<16xf32>,
        %gather3A_842 = tpu.vector_load_idx %arg20[%add3A_9, %and3A_831] : memref<80x128xf32, #tpu.memory_space<vmem>>[vector<16xi32>, vector<16xi32>], vector<16xf32>,
        %sub3A_843 = arith.subf %gather3A_841, %gather3A_842 : vector<16xf32>
        %mul3A_844 = arith.mulf %sub3A_843, %sub3A_843 : vector<16xf32>
        %add3A_845 = arith.addf %while3A_825, %mul3A_844 : vector<16xf32>
        %gather3A_846 = tpu.vector_load_idx %arg16[%add3A_12, %and3A_831] : memref<80x128xf32, #tpu.memory_space<vmem>>[vector<16xi32>, vector<16xi32>], vector<16xf32>,
        %gather3A_847 = tpu.vector_load_idx %arg20[%add3A_12, %and3A_831] : memref<80x128xf32, #tpu.memory_space<vmem>>[vector<16xi32>, vector<16xi32>], vector<16xf32>,
        %sub3A_848 = arith.subf %gather3A_846, %gather3A_847 : vector<16xf32>
        %mul3A_849 = arith.mulf %sub3A_848, %sub3A_848 : vector<16xf32>
        %add3A_850 = arith.addf %while3A_826, %mul3A_849 : vector<16xf32>
        %gather3A_851 = tpu.vector_load_idx %arg16[%add3A_15, %and3A_831] : memref<80x128xf32, #tpu.memory_space<vmem>>[vector<16xi32>, vector<16xi32>], vector<16xf32>,
        %gather3A_852 = tpu.vector_load_idx %arg20[%add3A_15, %and3A_831] : memref<80x128xf32, #tpu.memory_space<vmem>>[vector<16xi32>, vector<16xi32>], vector<16xf32>,
        %sub3A_853 = arith.subf %gather3A_851, %gather3A_852 : vector<16xf32>
        %mul3A_854 = arith.mulf %sub3A_853, %sub3A_853 : vector<16xf32>
        %add3A_855 = arith.addf %while3A_827, %mul3A_854 : vector<16xf32>
        scf.yield %add3A_835, %add3A_840, %add3A_845, %add3A_850, %add3A_855 : vector<16xf32>, vector<16xf32>, vector<16xf32>, vector<16xf32>, vector<16xf32>
      }
      %gt3A_514 = arith.constant 2.500000e+00 : f32
      %gt3A_515 = vector.broadcast %gt3A_514 : f32 to vector<16xf32>
      %gt3A_516 = arith.cmpf ogt, %while3A_513#0, %gt3A_515 : vector<16xf32>
      %convert_element_type3A_517 = arith.extui %gt3A_516 : vector<16xi1> to vector<16xi32>
      %mul3A_518 = arith.muli %convert_element_type3A_517, %broadcast_in_dim3A_495 : vector<16xi32>
      %add3A_519 = arith.addi %add3A_443, %mul3A_518 : vector<16xi32>
      %lt3A_520 = arith.constant 2.500000e+00 : f32
      %lt3A_521 = vector.broadcast %lt3A_520 : f32 to vector<16xf32>
      %lt3A_522 = arith.cmpf olt, %while3A_513#0, %lt3A_521 : vector<16xf32>
      %convert_element_type3A_523 = arith.extui %lt3A_522 : vector<16xi1> to vector<16xi32>
      %mul3A_524 = arith.muli %convert_element_type3A_523, %broadcast_in_dim3A_499 : vector<16xi32>
      %add3A_525 = arith.addi %add3A_449, %mul3A_524 : vector<16xi32>
      %gt3A_526 = arith.constant 2.500000e+00 : f32
      %gt3A_527 = vector.broadcast %gt3A_526 : f32 to vector<16xf32>
      %gt3A_528 = arith.cmpf ogt, %while3A_513#1, %gt3A_527 : vector<16xf32>
      %convert_element_type3A_529 = arith.extui %gt3A_528 : vector<16xi1> to vector<16xi32>
      %mul3A_530 = arith.muli %convert_element_type3A_529, %broadcast_in_dim3A_495 : vector<16xi32>
      %add3A_531 = arith.addi %add3A_519, %mul3A_530 : vector<16xi32>
      %lt3A_532 = arith.constant 2.500000e+00 : f32
      %lt3A_533 = vector.broadcast %lt3A_532 : f32 to vector<16xf32>
      %lt3A_534 = arith.cmpf olt, %while3A_513#1, %lt3A_533 : vector<16xf32>
      %convert_element_type3A_535 = arith.extui %lt3A_534 : vector<16xi1> to vector<16xi32>
      %mul3A_536 = arith.muli %convert_element_type3A_535, %broadcast_in_dim3A_499 : vector<16xi32>
      %add3A_537 = arith.addi %add3A_525, %mul3A_536 : vector<16xi32>
      %gt3A_538 = arith.constant 2.500000e+00 : f32
      %gt3A_539 = vector.broadcast %gt3A_538 : f32 to vector<16xf32>
      %gt3A_540 = arith.cmpf ogt, %while3A_513#2, %gt3A_539 : vector<16xf32>
      %convert_element_type3A_541 = arith.extui %gt3A_540 : vector<16xi1> to vector<16xi32>
      %mul3A_542 = arith.muli %convert_element_type3A_541, %broadcast_in_dim3A_495 : vector<16xi32>
      %add3A_543 = arith.addi %add3A_531, %mul3A_542 : vector<16xi32>
      %lt3A_544 = arith.constant 2.500000e+00 : f32
      %lt3A_545 = vector.broadcast %lt3A_544 : f32 to vector<16xf32>
      %lt3A_546 = arith.cmpf olt, %while3A_513#2, %lt3A_545 : vector<16xf32>
      %convert_element_type3A_547 = arith.extui %lt3A_546 : vector<16xi1> to vector<16xi32>
      %mul3A_548 = arith.muli %convert_element_type3A_547, %broadcast_in_dim3A_499 : vector<16xi32>
      %add3A_549 = arith.addi %add3A_537, %mul3A_548 : vector<16xi32>
      %gt3A_550 = arith.constant 2.500000e+00 : f32
      %gt3A_551 = vector.broadcast %gt3A_550 : f32 to vector<16xf32>
      %gt3A_552 = arith.cmpf ogt, %while3A_513#3, %gt3A_551 : vector<16xf32>
      %convert_element_type3A_553 = arith.extui %gt3A_552 : vector<16xi1> to vector<16xi32>
      %mul3A_554 = arith.muli %convert_element_type3A_553, %broadcast_in_dim3A_495 : vector<16xi32>
      %add3A_555 = arith.addi %add3A_543, %mul3A_554 : vector<16xi32>
      %lt3A_556 = arith.constant 2.500000e+00 : f32
      %lt3A_557 = vector.broadcast %lt3A_556 : f32 to vector<16xf32>
      %lt3A_558 = arith.cmpf olt, %while3A_513#3, %lt3A_557 : vector<16xf32>
      %convert_element_type3A_559 = arith.extui %lt3A_558 : vector<16xi1> to vector<16xi32>
      %mul3A_560 = arith.muli %convert_element_type3A_559, %broadcast_in_dim3A_499 : vector<16xi32>
      %add3A_561 = arith.addi %add3A_549, %mul3A_560 : vector<16xi32>
      %gt3A_562 = arith.constant 2.500000e+00 : f32
      %gt3A_563 = vector.broadcast %gt3A_562 : f32 to vector<16xf32>
      %gt3A_564 = arith.cmpf ogt, %while3A_513#4, %gt3A_563 : vector<16xf32>
      %convert_element_type3A_565 = arith.extui %gt3A_564 : vector<16xi1> to vector<16xi32>
      %mul3A_566 = arith.muli %convert_element_type3A_565, %broadcast_in_dim3A_495 : vector<16xi32>
      %add3A_567 = arith.addi %add3A_555, %mul3A_566 : vector<16xi32>
      %lt3A_568 = arith.constant 2.500000e+00 : f32
      %lt3A_569 = vector.broadcast %lt3A_568 : f32 to vector<16xf32>
      %lt3A_570 = arith.cmpf olt, %while3A_513#4, %lt3A_569 : vector<16xf32>
      %convert_element_type3A_571 = arith.extui %lt3A_570 : vector<16xi1> to vector<16xi32>
      %mul3A_572 = arith.muli %convert_element_type3A_571, %broadcast_in_dim3A_499 : vector<16xi32>
      %add3A_573 = arith.addi %add3A_561, %mul3A_572 : vector<16xi32>
      %add3A_574 = arith.constant 2 : i32
      %add3A_575 = arith.addi %mul3A_325, %add3A_574 : i32
      %dma_wait3A_576 = arith.constant 0 : i32
      %dma_wait3A_577 = arith.constant 0 : i32
      %dma_wait3A_578 = tpu.memref_slice %arg4[%dma_wait3A_576, %dma_wait3A_577] : memref<10000x128xf32, #tpu.memory_space<hbm>> -> memref<10000x128xf32, #tpu.memory_space<hbm>>
      tpu.wait_indirect_dma semaphore(%arg30 : memref<!tpu.dma_semaphore, #tpu.memory_space<semaphore_mem>>) src(%dma_wait3A_578 : memref<10000x128xf32, #tpu.memory_space<hbm>>) dst(%arg17 : memref<80x128xf32, #tpu.memory_space<vmem>>)
      %dma_wait3A_579 = arith.constant 0 : i32
      %dma_wait3A_580 = arith.constant 0 : i32
      %dma_wait3A_581 = tpu.memref_slice %arg5[%dma_wait3A_579, %dma_wait3A_580] : memref<10000x128xf32, #tpu.memory_space<hbm>> -> memref<10000x128xf32, #tpu.memory_space<hbm>>
      tpu.wait_indirect_dma semaphore(%arg34 : memref<!tpu.dma_semaphore, #tpu.memory_space<semaphore_mem>>) src(%dma_wait3A_581 : memref<10000x128xf32, #tpu.memory_space<hbm>>) dst(%arg21 : memref<80x128xf32, #tpu.memory_space<vmem>>)
      %add3A_582 = arith.constant 4 : i32
      %add3A_583 = arith.addi %add3A_575, %add3A_582 : i32
      %mul3A_584 = arith.constant 32 : i32
      %mul3A_585 = arith.muli %add3A_583, %mul3A_584 : i32
      %add3A_586 = arith.addi %add3A, %mul3A_585 : i32
      %min3A_587 = arith.constant 7999 : i32
      %min3A_588 = arith.minsi %add3A_586, %min3A_587 : i32
      %mul3A_589 = arith.constant 80 : i32
      %mul3A_590 = arith.muli %min3A_588, %mul3A_589 : i32
      %dma_start3A_591 = tpu.memref_slice %arg2[%mul3A_590] : memref<640000xi32, #tpu.memory_space<hbm>> -> memref<80xi32, #tpu.memory_space<hbm>>
      %dma_start3A_592 = tpu.memref_slice %arg2[%mul3A_590] : memref<640000xi32, #tpu.memory_space<hbm>> -> memref<80xi32, #tpu.memory_space<hbm>>
      tpu.enqueue_dma source(%dma_start3A_592 : memref<80xi32, #tpu.memory_space<hbm>>) target(%arg9 : memref<80xi32, #tpu.memory_space<vmem>>) target_semaphore(%arg26 : memref<!tpu.dma_semaphore, #tpu.memory_space<semaphore_mem>>)
      %dma_start3A_593 = tpu.memref_slice %arg3[%mul3A_590] : memref<640000xi32, #tpu.memory_space<hbm>> -> memref<80xi32, #tpu.memory_space<hbm>>
      %dma_start3A_594 = tpu.memref_slice %arg3[%mul3A_590] : memref<640000xi32, #tpu.memory_space<hbm>> -> memref<80xi32, #tpu.memory_space<hbm>>
      tpu.enqueue_dma source(%dma_start3A_594 : memref<80xi32, #tpu.memory_space<hbm>>) target(%arg13 : memref<80xi32, #tpu.memory_space<vmem>>) target_semaphore(%arg26 : memref<!tpu.dma_semaphore, #tpu.memory_space<semaphore_mem>>)
      %dma_wait3A_595 = arith.constant 0 : i32
      %dma_wait3A_596 = tpu.memref_slice %arg2[%dma_wait3A_595] : memref<640000xi32, #tpu.memory_space<hbm>> -> memref<80xi32, #tpu.memory_space<hbm>>
      %dma_wait3A_597 = arith.constant 0 : i32
      %dma_wait3A_598 = tpu.memref_slice %arg2[%dma_wait3A_597] : memref<640000xi32, #tpu.memory_space<hbm>> -> memref<80xi32, #tpu.memory_space<hbm>>
      tpu.wait_dma2 semaphore(%arg25 : memref<!tpu.dma_semaphore, #tpu.memory_space<semaphore_mem>>) src(%dma_wait3A_598 : memref<80xi32, #tpu.memory_space<hbm>>) dst(%arg8 : memref<80xi32, #tpu.memory_space<vmem>>)
      %dma_wait3A_599 = arith.constant 0 : i32
      %dma_wait3A_600 = tpu.memref_slice %arg3[%dma_wait3A_599] : memref<640000xi32, #tpu.memory_space<hbm>> -> memref<80xi32, #tpu.memory_space<hbm>>
      %dma_wait3A_601 = arith.constant 0 : i32
      %dma_wait3A_602 = tpu.memref_slice %arg3[%dma_wait3A_601] : memref<640000xi32, #tpu.memory_space<hbm>> -> memref<80xi32, #tpu.memory_space<hbm>>
      tpu.wait_dma2 semaphore(%arg25 : memref<!tpu.dma_semaphore, #tpu.memory_space<semaphore_mem>>) src(%dma_wait3A_602 : memref<80xi32, #tpu.memory_space<hbm>>) dst(%arg12 : memref<80xi32, #tpu.memory_space<vmem>>)
      %dma_start3A_603 = arith.constant 0 : i32
      %dma_start3A_604 = arith.constant 0 : i32
      %dma_start3A_605 = tpu.memref_slice %arg4[%dma_start3A_603, %dma_start3A_604] : memref<10000x128xf32, #tpu.memory_space<hbm>> -> memref<10000x128xf32, #tpu.memory_space<hbm>>
      tpu.enqueue_indirect_dma source(%dma_start3A_605 : memref<10000x128xf32, #tpu.memory_space<hbm>>) target(%arg16 : memref<80x128xf32, #tpu.memory_space<vmem>>) offsets(%arg8 : memref<80xi32, #tpu.memory_space<vmem>>) semaphore(%arg29 : memref<!tpu.dma_semaphore, #tpu.memory_space<semaphore_mem>>)
      %dma_start3A_606 = arith.constant 0 : i32
      %dma_start3A_607 = arith.constant 0 : i32
      %dma_start3A_608 = tpu.memref_slice %arg5[%dma_start3A_606, %dma_start3A_607] : memref<10000x128xf32, #tpu.memory_space<hbm>> -> memref<10000x128xf32, #tpu.memory_space<hbm>>
      tpu.enqueue_indirect_dma source(%dma_start3A_608 : memref<10000x128xf32, #tpu.memory_space<hbm>>) target(%arg20 : memref<80x128xf32, #tpu.memory_space<vmem>>) offsets(%arg12 : memref<80xi32, #tpu.memory_space<vmem>>) semaphore(%arg33 : memref<!tpu.dma_semaphore, #tpu.memory_space<semaphore_mem>>)
      %mul3A_609 = arith.constant 32 : i32
      %mul3A_610 = arith.muli %add3A_575, %mul3A_609 : i32
      %add3A_611 = arith.addi %add3A, %mul3A_610 : i32
      %lt3A_612 = arith.constant 8000 : i32
      %lt3A_613 = arith.cmpi slt, %add3A_611, %lt3A_612 : i32
      %convert_element_type3A_614 = arith.extui %lt3A_613 : i1 to i32
      %lt3A_615 = arith.constant 4000 : i32
      %lt3A_616 = arith.cmpi slt, %add3A_611, %lt3A_615 : i32
      %convert_element_type3A_617 = arith.extui %lt3A_616 : i1 to i32
      %mul3A_618 = arith.muli %convert_element_type3A_614, %convert_element_type3A_617 : i32
      %broadcast_in_dim3A_619 = vector.broadcast %mul3A_618 : i32 to vector<16xi32>
      %sub3A_620 = arith.constant 1 : i32
      %sub3A_621 = arith.subi %sub3A_620, %convert_element_type3A_617 : i32
      %mul3A_622 = arith.muli %convert_element_type3A_614, %sub3A_621 : i32
      %broadcast_in_dim3A_623 = vector.broadcast %mul3A_622 : i32 to vector<16xi32>
      %broadcast_in_dim3A_624 = arith.constant 0.000000e+00 : f32
      %broadcast_in_dim3A_625 = vector.broadcast %broadcast_in_dim3A_624 : f32 to vector<16xf32>
      %while3A_626 = arith.constant 0 : i32
      %while3A_627 = arith.constant 128 : i32
      %while3A_628 = arith.subi %while3A_627, %while3A_626 : i32
      %while3A_629 = arith.addi %while3A_626, %while3A_628 : i32
      %while3A_630 = arith.constant 1 : i32
      %while3A_631 = arith.divsi %while3A_628, %while3A_630 : i32
      %while3A_632 = arith.muli %while3A_631, %while3A_630 : i32
      %while3A_633 = arith.addi %while3A_626, %while3A_632 : i32
      %while3A_634 = arith.constant 1 : i32
      %while3A_635:5 = scf.for %while3A_822 = %while3A_626 to %while3A_633 step %while3A_634 iter_args(%while3A_823 = %broadcast_in_dim3A_625, %while3A_824 = %broadcast_in_dim3A_625, %while3A_825 = %broadcast_in_dim3A_625, %while3A_826 = %broadcast_in_dim3A_625, %while3A_827 = %broadcast_in_dim3A_625) -> (vector<16xf32>, vector<16xf32>, vector<16xf32>, vector<16xf32>, vector<16xf32>)  : i32 {
        %add3A_828 = vector.broadcast %while3A_822 : i32 to vector<16xi32>
        %add3A_829 = arith.addi %iota3A, %add3A_828 : vector<16xi32>
        %and3A = arith.constant 127 : i32
        %and3A_830 = vector.broadcast %and3A : i32 to vector<16xi32>
        %and3A_831 = arith.andi %add3A_829, %and3A_830 : vector<16xi32>
        %gather3A = tpu.vector_load_idx %arg17[%add3A_3, %and3A_831] : memref<80x128xf32, #tpu.memory_space<vmem>>[vector<16xi32>, vector<16xi32>], vector<16xf32>,
        %gather3A_832 = tpu.vector_load_idx %arg21[%add3A_3, %and3A_831] : memref<80x128xf32, #tpu.memory_space<vmem>>[vector<16xi32>, vector<16xi32>], vector<16xf32>,
        %sub3A_833 = arith.subf %gather3A, %gather3A_832 : vector<16xf32>
        %mul3A_834 = arith.mulf %sub3A_833, %sub3A_833 : vector<16xf32>
        %add3A_835 = arith.addf %while3A_823, %mul3A_834 : vector<16xf32>
        %gather3A_836 = tpu.vector_load_idx %arg17[%add3A_6, %and3A_831] : memref<80x128xf32, #tpu.memory_space<vmem>>[vector<16xi32>, vector<16xi32>], vector<16xf32>,
        %gather3A_837 = tpu.vector_load_idx %arg21[%add3A_6, %and3A_831] : memref<80x128xf32, #tpu.memory_space<vmem>>[vector<16xi32>, vector<16xi32>], vector<16xf32>,
        %sub3A_838 = arith.subf %gather3A_836, %gather3A_837 : vector<16xf32>
        %mul3A_839 = arith.mulf %sub3A_838, %sub3A_838 : vector<16xf32>
        %add3A_840 = arith.addf %while3A_824, %mul3A_839 : vector<16xf32>
        %gather3A_841 = tpu.vector_load_idx %arg17[%add3A_9, %and3A_831] : memref<80x128xf32, #tpu.memory_space<vmem>>[vector<16xi32>, vector<16xi32>], vector<16xf32>,
        %gather3A_842 = tpu.vector_load_idx %arg21[%add3A_9, %and3A_831] : memref<80x128xf32, #tpu.memory_space<vmem>>[vector<16xi32>, vector<16xi32>], vector<16xf32>,
        %sub3A_843 = arith.subf %gather3A_841, %gather3A_842 : vector<16xf32>
        %mul3A_844 = arith.mulf %sub3A_843, %sub3A_843 : vector<16xf32>
        %add3A_845 = arith.addf %while3A_825, %mul3A_844 : vector<16xf32>
        %gather3A_846 = tpu.vector_load_idx %arg17[%add3A_12, %and3A_831] : memref<80x128xf32, #tpu.memory_space<vmem>>[vector<16xi32>, vector<16xi32>], vector<16xf32>,
        %gather3A_847 = tpu.vector_load_idx %arg21[%add3A_12, %and3A_831] : memref<80x128xf32, #tpu.memory_space<vmem>>[vector<16xi32>, vector<16xi32>], vector<16xf32>,
        %sub3A_848 = arith.subf %gather3A_846, %gather3A_847 : vector<16xf32>
        %mul3A_849 = arith.mulf %sub3A_848, %sub3A_848 : vector<16xf32>
        %add3A_850 = arith.addf %while3A_826, %mul3A_849 : vector<16xf32>
        %gather3A_851 = tpu.vector_load_idx %arg17[%add3A_15, %and3A_831] : memref<80x128xf32, #tpu.memory_space<vmem>>[vector<16xi32>, vector<16xi32>], vector<16xf32>,
        %gather3A_852 = tpu.vector_load_idx %arg21[%add3A_15, %and3A_831] : memref<80x128xf32, #tpu.memory_space<vmem>>[vector<16xi32>, vector<16xi32>], vector<16xf32>,
        %sub3A_853 = arith.subf %gather3A_851, %gather3A_852 : vector<16xf32>
        %mul3A_854 = arith.mulf %sub3A_853, %sub3A_853 : vector<16xf32>
        %add3A_855 = arith.addf %while3A_827, %mul3A_854 : vector<16xf32>
        scf.yield %add3A_835, %add3A_840, %add3A_845, %add3A_850, %add3A_855 : vector<16xf32>, vector<16xf32>, vector<16xf32>, vector<16xf32>, vector<16xf32>
      }
      %while3A_636 = arith.constant 1 : i32
      %while3A_637:5 = scf.for %while3A_822 = %while3A_633 to %while3A_629 step %while3A_636 iter_args(%while3A_823 = %while3A_635#0, %while3A_824 = %while3A_635#1, %while3A_825 = %while3A_635#2, %while3A_826 = %while3A_635#3, %while3A_827 = %while3A_635#4) -> (vector<16xf32>, vector<16xf32>, vector<16xf32>, vector<16xf32>, vector<16xf32>)  : i32 {
        %add3A_828 = vector.broadcast %while3A_822 : i32 to vector<16xi32>
        %add3A_829 = arith.addi %iota3A, %add3A_828 : vector<16xi32>
        %and3A = arith.constant 127 : i32
        %and3A_830 = vector.broadcast %and3A : i32 to vector<16xi32>
        %and3A_831 = arith.andi %add3A_829, %and3A_830 : vector<16xi32>
        %gather3A = tpu.vector_load_idx %arg17[%add3A_3, %and3A_831] : memref<80x128xf32, #tpu.memory_space<vmem>>[vector<16xi32>, vector<16xi32>], vector<16xf32>,
        %gather3A_832 = tpu.vector_load_idx %arg21[%add3A_3, %and3A_831] : memref<80x128xf32, #tpu.memory_space<vmem>>[vector<16xi32>, vector<16xi32>], vector<16xf32>,
        %sub3A_833 = arith.subf %gather3A, %gather3A_832 : vector<16xf32>
        %mul3A_834 = arith.mulf %sub3A_833, %sub3A_833 : vector<16xf32>
        %add3A_835 = arith.addf %while3A_823, %mul3A_834 : vector<16xf32>
        %gather3A_836 = tpu.vector_load_idx %arg17[%add3A_6, %and3A_831] : memref<80x128xf32, #tpu.memory_space<vmem>>[vector<16xi32>, vector<16xi32>], vector<16xf32>,
        %gather3A_837 = tpu.vector_load_idx %arg21[%add3A_6, %and3A_831] : memref<80x128xf32, #tpu.memory_space<vmem>>[vector<16xi32>, vector<16xi32>], vector<16xf32>,
        %sub3A_838 = arith.subf %gather3A_836, %gather3A_837 : vector<16xf32>
        %mul3A_839 = arith.mulf %sub3A_838, %sub3A_838 : vector<16xf32>
        %add3A_840 = arith.addf %while3A_824, %mul3A_839 : vector<16xf32>
        %gather3A_841 = tpu.vector_load_idx %arg17[%add3A_9, %and3A_831] : memref<80x128xf32, #tpu.memory_space<vmem>>[vector<16xi32>, vector<16xi32>], vector<16xf32>,
        %gather3A_842 = tpu.vector_load_idx %arg21[%add3A_9, %and3A_831] : memref<80x128xf32, #tpu.memory_space<vmem>>[vector<16xi32>, vector<16xi32>], vector<16xf32>,
        %sub3A_843 = arith.subf %gather3A_841, %gather3A_842 : vector<16xf32>
        %mul3A_844 = arith.mulf %sub3A_843, %sub3A_843 : vector<16xf32>
        %add3A_845 = arith.addf %while3A_825, %mul3A_844 : vector<16xf32>
        %gather3A_846 = tpu.vector_load_idx %arg17[%add3A_12, %and3A_831] : memref<80x128xf32, #tpu.memory_space<vmem>>[vector<16xi32>, vector<16xi32>], vector<16xf32>,
        %gather3A_847 = tpu.vector_load_idx %arg21[%add3A_12, %and3A_831] : memref<80x128xf32, #tpu.memory_space<vmem>>[vector<16xi32>, vector<16xi32>], vector<16xf32>,
        %sub3A_848 = arith.subf %gather3A_846, %gather3A_847 : vector<16xf32>
        %mul3A_849 = arith.mulf %sub3A_848, %sub3A_848 : vector<16xf32>
        %add3A_850 = arith.addf %while3A_826, %mul3A_849 : vector<16xf32>
        %gather3A_851 = tpu.vector_load_idx %arg17[%add3A_15, %and3A_831] : memref<80x128xf32, #tpu.memory_space<vmem>>[vector<16xi32>, vector<16xi32>], vector<16xf32>,
        %gather3A_852 = tpu.vector_load_idx %arg21[%add3A_15, %and3A_831] : memref<80x128xf32, #tpu.memory_space<vmem>>[vector<16xi32>, vector<16xi32>], vector<16xf32>,
        %sub3A_853 = arith.subf %gather3A_851, %gather3A_852 : vector<16xf32>
        %mul3A_854 = arith.mulf %sub3A_853, %sub3A_853 : vector<16xf32>
        %add3A_855 = arith.addf %while3A_827, %mul3A_854 : vector<16xf32>
        scf.yield %add3A_835, %add3A_840, %add3A_845, %add3A_850, %add3A_855 : vector<16xf32>, vector<16xf32>, vector<16xf32>, vector<16xf32>, vector<16xf32>
      }
      %gt3A_638 = arith.constant 2.500000e+00 : f32
      %gt3A_639 = vector.broadcast %gt3A_638 : f32 to vector<16xf32>
      %gt3A_640 = arith.cmpf ogt, %while3A_637#0, %gt3A_639 : vector<16xf32>
      %convert_element_type3A_641 = arith.extui %gt3A_640 : vector<16xi1> to vector<16xi32>
      %mul3A_642 = arith.muli %convert_element_type3A_641, %broadcast_in_dim3A_619 : vector<16xi32>
      %add3A_643 = arith.addi %add3A_567, %mul3A_642 : vector<16xi32>
      %lt3A_644 = arith.constant 2.500000e+00 : f32
      %lt3A_645 = vector.broadcast %lt3A_644 : f32 to vector<16xf32>
      %lt3A_646 = arith.cmpf olt, %while3A_637#0, %lt3A_645 : vector<16xf32>
      %convert_element_type3A_647 = arith.extui %lt3A_646 : vector<16xi1> to vector<16xi32>
      %mul3A_648 = arith.muli %convert_element_type3A_647, %broadcast_in_dim3A_623 : vector<16xi32>
      %add3A_649 = arith.addi %add3A_573, %mul3A_648 : vector<16xi32>
      %gt3A_650 = arith.constant 2.500000e+00 : f32
      %gt3A_651 = vector.broadcast %gt3A_650 : f32 to vector<16xf32>
      %gt3A_652 = arith.cmpf ogt, %while3A_637#1, %gt3A_651 : vector<16xf32>
      %convert_element_type3A_653 = arith.extui %gt3A_652 : vector<16xi1> to vector<16xi32>
      %mul3A_654 = arith.muli %convert_element_type3A_653, %broadcast_in_dim3A_619 : vector<16xi32>
      %add3A_655 = arith.addi %add3A_643, %mul3A_654 : vector<16xi32>
      %lt3A_656 = arith.constant 2.500000e+00 : f32
      %lt3A_657 = vector.broadcast %lt3A_656 : f32 to vector<16xf32>
      %lt3A_658 = arith.cmpf olt, %while3A_637#1, %lt3A_657 : vector<16xf32>
      %convert_element_type3A_659 = arith.extui %lt3A_658 : vector<16xi1> to vector<16xi32>
      %mul3A_660 = arith.muli %convert_element_type3A_659, %broadcast_in_dim3A_623 : vector<16xi32>
      %add3A_661 = arith.addi %add3A_649, %mul3A_660 : vector<16xi32>
      %gt3A_662 = arith.constant 2.500000e+00 : f32
      %gt3A_663 = vector.broadcast %gt3A_662 : f32 to vector<16xf32>
      %gt3A_664 = arith.cmpf ogt, %while3A_637#2, %gt3A_663 : vector<16xf32>
      %convert_element_type3A_665 = arith.extui %gt3A_664 : vector<16xi1> to vector<16xi32>
      %mul3A_666 = arith.muli %convert_element_type3A_665, %broadcast_in_dim3A_619 : vector<16xi32>
      %add3A_667 = arith.addi %add3A_655, %mul3A_666 : vector<16xi32>
      %lt3A_668 = arith.constant 2.500000e+00 : f32
      %lt3A_669 = vector.broadcast %lt3A_668 : f32 to vector<16xf32>
      %lt3A_670 = arith.cmpf olt, %while3A_637#2, %lt3A_669 : vector<16xf32>
      %convert_element_type3A_671 = arith.extui %lt3A_670 : vector<16xi1> to vector<16xi32>
      %mul3A_672 = arith.muli %convert_element_type3A_671, %broadcast_in_dim3A_623 : vector<16xi32>
      %add3A_673 = arith.addi %add3A_661, %mul3A_672 : vector<16xi32>
      %gt3A_674 = arith.constant 2.500000e+00 : f32
      %gt3A_675 = vector.broadcast %gt3A_674 : f32 to vector<16xf32>
      %gt3A_676 = arith.cmpf ogt, %while3A_637#3, %gt3A_675 : vector<16xf32>
      %convert_element_type3A_677 = arith.extui %gt3A_676 : vector<16xi1> to vector<16xi32>
      %mul3A_678 = arith.muli %convert_element_type3A_677, %broadcast_in_dim3A_619 : vector<16xi32>
      %add3A_679 = arith.addi %add3A_667, %mul3A_678 : vector<16xi32>
      %lt3A_680 = arith.constant 2.500000e+00 : f32
      %lt3A_681 = vector.broadcast %lt3A_680 : f32 to vector<16xf32>
      %lt3A_682 = arith.cmpf olt, %while3A_637#3, %lt3A_681 : vector<16xf32>
      %convert_element_type3A_683 = arith.extui %lt3A_682 : vector<16xi1> to vector<16xi32>
      %mul3A_684 = arith.muli %convert_element_type3A_683, %broadcast_in_dim3A_623 : vector<16xi32>
      %add3A_685 = arith.addi %add3A_673, %mul3A_684 : vector<16xi32>
      %gt3A_686 = arith.constant 2.500000e+00 : f32
      %gt3A_687 = vector.broadcast %gt3A_686 : f32 to vector<16xf32>
      %gt3A_688 = arith.cmpf ogt, %while3A_637#4, %gt3A_687 : vector<16xf32>
      %convert_element_type3A_689 = arith.extui %gt3A_688 : vector<16xi1> to vector<16xi32>
      %mul3A_690 = arith.muli %convert_element_type3A_689, %broadcast_in_dim3A_619 : vector<16xi32>
      %add3A_691 = arith.addi %add3A_679, %mul3A_690 : vector<16xi32>
      %lt3A_692 = arith.constant 2.500000e+00 : f32
      %lt3A_693 = vector.broadcast %lt3A_692 : f32 to vector<16xf32>
      %lt3A_694 = arith.cmpf olt, %while3A_637#4, %lt3A_693 : vector<16xf32>
      %convert_element_type3A_695 = arith.extui %lt3A_694 : vector<16xi1> to vector<16xi32>
      %mul3A_696 = arith.muli %convert_element_type3A_695, %broadcast_in_dim3A_623 : vector<16xi32>
      %add3A_697 = arith.addi %add3A_685, %mul3A_696 : vector<16xi32>
      %add3A_698 = arith.constant 3 : i32
      %add3A_699 = arith.addi %mul3A_325, %add3A_698 : i32
      %dma_wait3A_700 = arith.constant 0 : i32
      %dma_wait3A_701 = arith.constant 0 : i32
      %dma_wait3A_702 = tpu.memref_slice %arg4[%dma_wait3A_700, %dma_wait3A_701] : memref<10000x128xf32, #tpu.memory_space<hbm>> -> memref<10000x128xf32, #tpu.memory_space<hbm>>
      tpu.wait_indirect_dma semaphore(%arg31 : memref<!tpu.dma_semaphore, #tpu.memory_space<semaphore_mem>>) src(%dma_wait3A_702 : memref<10000x128xf32, #tpu.memory_space<hbm>>) dst(%arg18 : memref<80x128xf32, #tpu.memory_space<vmem>>)
      %dma_wait3A_703 = arith.constant 0 : i32
      %dma_wait3A_704 = arith.constant 0 : i32
      %dma_wait3A_705 = tpu.memref_slice %arg5[%dma_wait3A_703, %dma_wait3A_704] : memref<10000x128xf32, #tpu.memory_space<hbm>> -> memref<10000x128xf32, #tpu.memory_space<hbm>>
      tpu.wait_indirect_dma semaphore(%arg35 : memref<!tpu.dma_semaphore, #tpu.memory_space<semaphore_mem>>) src(%dma_wait3A_705 : memref<10000x128xf32, #tpu.memory_space<hbm>>) dst(%arg22 : memref<80x128xf32, #tpu.memory_space<vmem>>)
      %add3A_706 = arith.constant 4 : i32
      %add3A_707 = arith.addi %add3A_699, %add3A_706 : i32
      %mul3A_708 = arith.constant 32 : i32
      %mul3A_709 = arith.muli %add3A_707, %mul3A_708 : i32
      %add3A_710 = arith.addi %add3A, %mul3A_709 : i32
      %min3A_711 = arith.constant 7999 : i32
      %min3A_712 = arith.minsi %add3A_710, %min3A_711 : i32
      %mul3A_713 = arith.constant 80 : i32
      %mul3A_714 = arith.muli %min3A_712, %mul3A_713 : i32
      %dma_start3A_715 = tpu.memref_slice %arg2[%mul3A_714] : memref<640000xi32, #tpu.memory_space<hbm>> -> memref<80xi32, #tpu.memory_space<hbm>>
      %dma_start3A_716 = tpu.memref_slice %arg2[%mul3A_714] : memref<640000xi32, #tpu.memory_space<hbm>> -> memref<80xi32, #tpu.memory_space<hbm>>
      tpu.enqueue_dma source(%dma_start3A_716 : memref<80xi32, #tpu.memory_space<hbm>>) target(%arg10 : memref<80xi32, #tpu.memory_space<vmem>>) target_semaphore(%arg27 : memref<!tpu.dma_semaphore, #tpu.memory_space<semaphore_mem>>)
      %dma_start3A_717 = tpu.memref_slice %arg3[%mul3A_714] : memref<640000xi32, #tpu.memory_space<hbm>> -> memref<80xi32, #tpu.memory_space<hbm>>
      %dma_start3A_718 = tpu.memref_slice %arg3[%mul3A_714] : memref<640000xi32, #tpu.memory_space<hbm>> -> memref<80xi32, #tpu.memory_space<hbm>>
      tpu.enqueue_dma source(%dma_start3A_718 : memref<80xi32, #tpu.memory_space<hbm>>) target(%arg14 : memref<80xi32, #tpu.memory_space<vmem>>) target_semaphore(%arg27 : memref<!tpu.dma_semaphore, #tpu.memory_space<semaphore_mem>>)
      %dma_wait3A_719 = arith.constant 0 : i32
      %dma_wait3A_720 = tpu.memref_slice %arg2[%dma_wait3A_719] : memref<640000xi32, #tpu.memory_space<hbm>> -> memref<80xi32, #tpu.memory_space<hbm>>
      %dma_wait3A_721 = arith.constant 0 : i32
      %dma_wait3A_722 = tpu.memref_slice %arg2[%dma_wait3A_721] : memref<640000xi32, #tpu.memory_space<hbm>> -> memref<80xi32, #tpu.memory_space<hbm>>
      tpu.wait_dma2 semaphore(%arg26 : memref<!tpu.dma_semaphore, #tpu.memory_space<semaphore_mem>>) src(%dma_wait3A_722 : memref<80xi32, #tpu.memory_space<hbm>>) dst(%arg9 : memref<80xi32, #tpu.memory_space<vmem>>)
      %dma_wait3A_723 = arith.constant 0 : i32
      %dma_wait3A_724 = tpu.memref_slice %arg3[%dma_wait3A_723] : memref<640000xi32, #tpu.memory_space<hbm>> -> memref<80xi32, #tpu.memory_space<hbm>>
      %dma_wait3A_725 = arith.constant 0 : i32
      %dma_wait3A_726 = tpu.memref_slice %arg3[%dma_wait3A_725] : memref<640000xi32, #tpu.memory_space<hbm>> -> memref<80xi32, #tpu.memory_space<hbm>>
      tpu.wait_dma2 semaphore(%arg26 : memref<!tpu.dma_semaphore, #tpu.memory_space<semaphore_mem>>) src(%dma_wait3A_726 : memref<80xi32, #tpu.memory_space<hbm>>) dst(%arg13 : memref<80xi32, #tpu.memory_space<vmem>>)
      %dma_start3A_727 = arith.constant 0 : i32
      %dma_start3A_728 = arith.constant 0 : i32
      %dma_start3A_729 = tpu.memref_slice %arg4[%dma_start3A_727, %dma_start3A_728] : memref<10000x128xf32, #tpu.memory_space<hbm>> -> memref<10000x128xf32, #tpu.memory_space<hbm>>
      tpu.enqueue_indirect_dma source(%dma_start3A_729 : memref<10000x128xf32, #tpu.memory_space<hbm>>) target(%arg17 : memref<80x128xf32, #tpu.memory_space<vmem>>) offsets(%arg9 : memref<80xi32, #tpu.memory_space<vmem>>) semaphore(%arg30 : memref<!tpu.dma_semaphore, #tpu.memory_space<semaphore_mem>>)
      %dma_start3A_730 = arith.constant 0 : i32
      %dma_start3A_731 = arith.constant 0 : i32
      %dma_start3A_732 = tpu.memref_slice %arg5[%dma_start3A_730, %dma_start3A_731] : memref<10000x128xf32, #tpu.memory_space<hbm>> -> memref<10000x128xf32, #tpu.memory_space<hbm>>
      tpu.enqueue_indirect_dma source(%dma_start3A_732 : memref<10000x128xf32, #tpu.memory_space<hbm>>) target(%arg21 : memref<80x128xf32, #tpu.memory_space<vmem>>) offsets(%arg13 : memref<80xi32, #tpu.memory_space<vmem>>) semaphore(%arg34 : memref<!tpu.dma_semaphore, #tpu.memory_space<semaphore_mem>>)
      %mul3A_733 = arith.constant 32 : i32
      %mul3A_734 = arith.muli %add3A_699, %mul3A_733 : i32
      %add3A_735 = arith.addi %add3A, %mul3A_734 : i32
      %lt3A_736 = arith.constant 8000 : i32
      %lt3A_737 = arith.cmpi slt, %add3A_735, %lt3A_736 : i32
      %convert_element_type3A_738 = arith.extui %lt3A_737 : i1 to i32
      %lt3A_739 = arith.constant 4000 : i32
      %lt3A_740 = arith.cmpi slt, %add3A_735, %lt3A_739 : i32
      %convert_element_type3A_741 = arith.extui %lt3A_740 : i1 to i32
      %mul3A_742 = arith.muli %convert_element_type3A_738, %convert_element_type3A_741 : i32
      %broadcast_in_dim3A_743 = vector.broadcast %mul3A_742 : i32 to vector<16xi32>
      %sub3A_744 = arith.constant 1 : i32
      %sub3A_745 = arith.subi %sub3A_744, %convert_element_type3A_741 : i32
      %mul3A_746 = arith.muli %convert_element_type3A_738, %sub3A_745 : i32
      %broadcast_in_dim3A_747 = vector.broadcast %mul3A_746 : i32 to vector<16xi32>
      %broadcast_in_dim3A_748 = arith.constant 0.000000e+00 : f32
      %broadcast_in_dim3A_749 = vector.broadcast %broadcast_in_dim3A_748 : f32 to vector<16xf32>
      %while3A_750 = arith.constant 0 : i32
      %while3A_751 = arith.constant 128 : i32
      %while3A_752 = arith.subi %while3A_751, %while3A_750 : i32
      %while3A_753 = arith.addi %while3A_750, %while3A_752 : i32
      %while3A_754 = arith.constant 1 : i32
      %while3A_755 = arith.divsi %while3A_752, %while3A_754 : i32
      %while3A_756 = arith.muli %while3A_755, %while3A_754 : i32
      %while3A_757 = arith.addi %while3A_750, %while3A_756 : i32
      %while3A_758 = arith.constant 1 : i32
      %while3A_759:5 = scf.for %while3A_822 = %while3A_750 to %while3A_757 step %while3A_758 iter_args(%while3A_823 = %broadcast_in_dim3A_749, %while3A_824 = %broadcast_in_dim3A_749, %while3A_825 = %broadcast_in_dim3A_749, %while3A_826 = %broadcast_in_dim3A_749, %while3A_827 = %broadcast_in_dim3A_749) -> (vector<16xf32>, vector<16xf32>, vector<16xf32>, vector<16xf32>, vector<16xf32>)  : i32 {
        %add3A_828 = vector.broadcast %while3A_822 : i32 to vector<16xi32>
        %add3A_829 = arith.addi %iota3A, %add3A_828 : vector<16xi32>
        %and3A = arith.constant 127 : i32
        %and3A_830 = vector.broadcast %and3A : i32 to vector<16xi32>
        %and3A_831 = arith.andi %add3A_829, %and3A_830 : vector<16xi32>
        %gather3A = tpu.vector_load_idx %arg18[%add3A_3, %and3A_831] : memref<80x128xf32, #tpu.memory_space<vmem>>[vector<16xi32>, vector<16xi32>], vector<16xf32>,
        %gather3A_832 = tpu.vector_load_idx %arg22[%add3A_3, %and3A_831] : memref<80x128xf32, #tpu.memory_space<vmem>>[vector<16xi32>, vector<16xi32>], vector<16xf32>,
        %sub3A_833 = arith.subf %gather3A, %gather3A_832 : vector<16xf32>
        %mul3A_834 = arith.mulf %sub3A_833, %sub3A_833 : vector<16xf32>
        %add3A_835 = arith.addf %while3A_823, %mul3A_834 : vector<16xf32>
        %gather3A_836 = tpu.vector_load_idx %arg18[%add3A_6, %and3A_831] : memref<80x128xf32, #tpu.memory_space<vmem>>[vector<16xi32>, vector<16xi32>], vector<16xf32>,
        %gather3A_837 = tpu.vector_load_idx %arg22[%add3A_6, %and3A_831] : memref<80x128xf32, #tpu.memory_space<vmem>>[vector<16xi32>, vector<16xi32>], vector<16xf32>,
        %sub3A_838 = arith.subf %gather3A_836, %gather3A_837 : vector<16xf32>
        %mul3A_839 = arith.mulf %sub3A_838, %sub3A_838 : vector<16xf32>
        %add3A_840 = arith.addf %while3A_824, %mul3A_839 : vector<16xf32>
        %gather3A_841 = tpu.vector_load_idx %arg18[%add3A_9, %and3A_831] : memref<80x128xf32, #tpu.memory_space<vmem>>[vector<16xi32>, vector<16xi32>], vector<16xf32>,
        %gather3A_842 = tpu.vector_load_idx %arg22[%add3A_9, %and3A_831] : memref<80x128xf32, #tpu.memory_space<vmem>>[vector<16xi32>, vector<16xi32>], vector<16xf32>,
        %sub3A_843 = arith.subf %gather3A_841, %gather3A_842 : vector<16xf32>
        %mul3A_844 = arith.mulf %sub3A_843, %sub3A_843 : vector<16xf32>
        %add3A_845 = arith.addf %while3A_825, %mul3A_844 : vector<16xf32>
        %gather3A_846 = tpu.vector_load_idx %arg18[%add3A_12, %and3A_831] : memref<80x128xf32, #tpu.memory_space<vmem>>[vector<16xi32>, vector<16xi32>], vector<16xf32>,
        %gather3A_847 = tpu.vector_load_idx %arg22[%add3A_12, %and3A_831] : memref<80x128xf32, #tpu.memory_space<vmem>>[vector<16xi32>, vector<16xi32>], vector<16xf32>,
        %sub3A_848 = arith.subf %gather3A_846, %gather3A_847 : vector<16xf32>
        %mul3A_849 = arith.mulf %sub3A_848, %sub3A_848 : vector<16xf32>
        %add3A_850 = arith.addf %while3A_826, %mul3A_849 : vector<16xf32>
        %gather3A_851 = tpu.vector_load_idx %arg18[%add3A_15, %and3A_831] : memref<80x128xf32, #tpu.memory_space<vmem>>[vector<16xi32>, vector<16xi32>], vector<16xf32>,
        %gather3A_852 = tpu.vector_load_idx %arg22[%add3A_15, %and3A_831] : memref<80x128xf32, #tpu.memory_space<vmem>>[vector<16xi32>, vector<16xi32>], vector<16xf32>,
        %sub3A_853 = arith.subf %gather3A_851, %gather3A_852 : vector<16xf32>
        %mul3A_854 = arith.mulf %sub3A_853, %sub3A_853 : vector<16xf32>
        %add3A_855 = arith.addf %while3A_827, %mul3A_854 : vector<16xf32>
        scf.yield %add3A_835, %add3A_840, %add3A_845, %add3A_850, %add3A_855 : vector<16xf32>, vector<16xf32>, vector<16xf32>, vector<16xf32>, vector<16xf32>
      }
      %while3A_760 = arith.constant 1 : i32
      %while3A_761:5 = scf.for %while3A_822 = %while3A_757 to %while3A_753 step %while3A_760 iter_args(%while3A_823 = %while3A_759#0, %while3A_824 = %while3A_759#1, %while3A_825 = %while3A_759#2, %while3A_826 = %while3A_759#3, %while3A_827 = %while3A_759#4) -> (vector<16xf32>, vector<16xf32>, vector<16xf32>, vector<16xf32>, vector<16xf32>)  : i32 {
        %add3A_828 = vector.broadcast %while3A_822 : i32 to vector<16xi32>
        %add3A_829 = arith.addi %iota3A, %add3A_828 : vector<16xi32>
        %and3A = arith.constant 127 : i32
        %and3A_830 = vector.broadcast %and3A : i32 to vector<16xi32>
        %and3A_831 = arith.andi %add3A_829, %and3A_830 : vector<16xi32>
        %gather3A = tpu.vector_load_idx %arg18[%add3A_3, %and3A_831] : memref<80x128xf32, #tpu.memory_space<vmem>>[vector<16xi32>, vector<16xi32>], vector<16xf32>,
        %gather3A_832 = tpu.vector_load_idx %arg22[%add3A_3, %and3A_831] : memref<80x128xf32, #tpu.memory_space<vmem>>[vector<16xi32>, vector<16xi32>], vector<16xf32>,
        %sub3A_833 = arith.subf %gather3A, %gather3A_832 : vector<16xf32>
        %mul3A_834 = arith.mulf %sub3A_833, %sub3A_833 : vector<16xf32>
        %add3A_835 = arith.addf %while3A_823, %mul3A_834 : vector<16xf32>
        %gather3A_836 = tpu.vector_load_idx %arg18[%add3A_6, %and3A_831] : memref<80x128xf32, #tpu.memory_space<vmem>>[vector<16xi32>, vector<16xi32>], vector<16xf32>,
        %gather3A_837 = tpu.vector_load_idx %arg22[%add3A_6, %and3A_831] : memref<80x128xf32, #tpu.memory_space<vmem>>[vector<16xi32>, vector<16xi32>], vector<16xf32>,
        %sub3A_838 = arith.subf %gather3A_836, %gather3A_837 : vector<16xf32>
        %mul3A_839 = arith.mulf %sub3A_838, %sub3A_838 : vector<16xf32>
        %add3A_840 = arith.addf %while3A_824, %mul3A_839 : vector<16xf32>
        %gather3A_841 = tpu.vector_load_idx %arg18[%add3A_9, %and3A_831] : memref<80x128xf32, #tpu.memory_space<vmem>>[vector<16xi32>, vector<16xi32>], vector<16xf32>,
        %gather3A_842 = tpu.vector_load_idx %arg22[%add3A_9, %and3A_831] : memref<80x128xf32, #tpu.memory_space<vmem>>[vector<16xi32>, vector<16xi32>], vector<16xf32>,
        %sub3A_843 = arith.subf %gather3A_841, %gather3A_842 : vector<16xf32>
        %mul3A_844 = arith.mulf %sub3A_843, %sub3A_843 : vector<16xf32>
        %add3A_845 = arith.addf %while3A_825, %mul3A_844 : vector<16xf32>
        %gather3A_846 = tpu.vector_load_idx %arg18[%add3A_12, %and3A_831] : memref<80x128xf32, #tpu.memory_space<vmem>>[vector<16xi32>, vector<16xi32>], vector<16xf32>,
        %gather3A_847 = tpu.vector_load_idx %arg22[%add3A_12, %and3A_831] : memref<80x128xf32, #tpu.memory_space<vmem>>[vector<16xi32>, vector<16xi32>], vector<16xf32>,
        %sub3A_848 = arith.subf %gather3A_846, %gather3A_847 : vector<16xf32>
        %mul3A_849 = arith.mulf %sub3A_848, %sub3A_848 : vector<16xf32>
        %add3A_850 = arith.addf %while3A_826, %mul3A_849 : vector<16xf32>
        %gather3A_851 = tpu.vector_load_idx %arg18[%add3A_15, %and3A_831] : memref<80x128xf32, #tpu.memory_space<vmem>>[vector<16xi32>, vector<16xi32>], vector<16xf32>,
        %gather3A_852 = tpu.vector_load_idx %arg22[%add3A_15, %and3A_831] : memref<80x128xf32, #tpu.memory_space<vmem>>[vector<16xi32>, vector<16xi32>], vector<16xf32>,
        %sub3A_853 = arith.subf %gather3A_851, %gather3A_852 : vector<16xf32>
        %mul3A_854 = arith.mulf %sub3A_853, %sub3A_853 : vector<16xf32>
        %add3A_855 = arith.addf %while3A_827, %mul3A_854 : vector<16xf32>
        scf.yield %add3A_835, %add3A_840, %add3A_845, %add3A_850, %add3A_855 : vector<16xf32>, vector<16xf32>, vector<16xf32>, vector<16xf32>, vector<16xf32>
      }
      %gt3A_762 = arith.constant 2.500000e+00 : f32
      %gt3A_763 = vector.broadcast %gt3A_762 : f32 to vector<16xf32>
      %gt3A_764 = arith.cmpf ogt, %while3A_761#0, %gt3A_763 : vector<16xf32>
      %convert_element_type3A_765 = arith.extui %gt3A_764 : vector<16xi1> to vector<16xi32>
      %mul3A_766 = arith.muli %convert_element_type3A_765, %broadcast_in_dim3A_743 : vector<16xi32>
      %add3A_767 = arith.addi %add3A_691, %mul3A_766 : vector<16xi32>
      %lt3A_768 = arith.constant 2.500000e+00 : f32
      %lt3A_769 = vector.broadcast %lt3A_768 : f32 to vector<16xf32>
      %lt3A_770 = arith.cmpf olt, %while3A_761#0, %lt3A_769 : vector<16xf32>
      %convert_element_type3A_771 = arith.extui %lt3A_770 : vector<16xi1> to vector<16xi32>
      %mul3A_772 = arith.muli %convert_element_type3A_771, %broadcast_in_dim3A_747 : vector<16xi32>
      %add3A_773 = arith.addi %add3A_697, %mul3A_772 : vector<16xi32>
      %gt3A_774 = arith.constant 2.500000e+00 : f32
      %gt3A_775 = vector.broadcast %gt3A_774 : f32 to vector<16xf32>
      %gt3A_776 = arith.cmpf ogt, %while3A_761#1, %gt3A_775 : vector<16xf32>
      %convert_element_type3A_777 = arith.extui %gt3A_776 : vector<16xi1> to vector<16xi32>
      %mul3A_778 = arith.muli %convert_element_type3A_777, %broadcast_in_dim3A_743 : vector<16xi32>
      %add3A_779 = arith.addi %add3A_767, %mul3A_778 : vector<16xi32>
      %lt3A_780 = arith.constant 2.500000e+00 : f32
      %lt3A_781 = vector.broadcast %lt3A_780 : f32 to vector<16xf32>
      %lt3A_782 = arith.cmpf olt, %while3A_761#1, %lt3A_781 : vector<16xf32>
      %convert_element_type3A_783 = arith.extui %lt3A_782 : vector<16xi1> to vector<16xi32>
      %mul3A_784 = arith.muli %convert_element_type3A_783, %broadcast_in_dim3A_747 : vector<16xi32>
      %add3A_785 = arith.addi %add3A_773, %mul3A_784 : vector<16xi32>
      %gt3A_786 = arith.constant 2.500000e+00 : f32
      %gt3A_787 = vector.broadcast %gt3A_786 : f32 to vector<16xf32>
      %gt3A_788 = arith.cmpf ogt, %while3A_761#2, %gt3A_787 : vector<16xf32>
      %convert_element_type3A_789 = arith.extui %gt3A_788 : vector<16xi1> to vector<16xi32>
      %mul3A_790 = arith.muli %convert_element_type3A_789, %broadcast_in_dim3A_743 : vector<16xi32>
      %add3A_791 = arith.addi %add3A_779, %mul3A_790 : vector<16xi32>
      %lt3A_792 = arith.constant 2.500000e+00 : f32
      %lt3A_793 = vector.broadcast %lt3A_792 : f32 to vector<16xf32>
      %lt3A_794 = arith.cmpf olt, %while3A_761#2, %lt3A_793 : vector<16xf32>
      %convert_element_type3A_795 = arith.extui %lt3A_794 : vector<16xi1> to vector<16xi32>
      %mul3A_796 = arith.muli %convert_element_type3A_795, %broadcast_in_dim3A_747 : vector<16xi32>
      %add3A_797 = arith.addi %add3A_785, %mul3A_796 : vector<16xi32>
      %gt3A_798 = arith.constant 2.500000e+00 : f32
      %gt3A_799 = vector.broadcast %gt3A_798 : f32 to vector<16xf32>
      %gt3A_800 = arith.cmpf ogt, %while3A_761#3, %gt3A_799 : vector<16xf32>
      %convert_element_type3A_801 = arith.extui %gt3A_800 : vector<16xi1> to vector<16xi32>
      %mul3A_802 = arith.muli %convert_element_type3A_801, %broadcast_in_dim3A_743 : vector<16xi32>
      %add3A_803 = arith.addi %add3A_791, %mul3A_802 : vector<16xi32>
      %lt3A_804 = arith.constant 2.500000e+00 : f32
      %lt3A_805 = vector.broadcast %lt3A_804 : f32 to vector<16xf32>
      %lt3A_806 = arith.cmpf olt, %while3A_761#3, %lt3A_805 : vector<16xf32>
      %convert_element_type3A_807 = arith.extui %lt3A_806 : vector<16xi1> to vector<16xi32>
      %mul3A_808 = arith.muli %convert_element_type3A_807, %broadcast_in_dim3A_747 : vector<16xi32>
      %add3A_809 = arith.addi %add3A_797, %mul3A_808 : vector<16xi32>
      %gt3A_810 = arith.constant 2.500000e+00 : f32
      %gt3A_811 = vector.broadcast %gt3A_810 : f32 to vector<16xf32>
      %gt3A_812 = arith.cmpf ogt, %while3A_761#4, %gt3A_811 : vector<16xf32>
      %convert_element_type3A_813 = arith.extui %gt3A_812 : vector<16xi1> to vector<16xi32>
      %mul3A_814 = arith.muli %convert_element_type3A_813, %broadcast_in_dim3A_743 : vector<16xi32>
      %add3A_815 = arith.addi %add3A_803, %mul3A_814 : vector<16xi32>
      %lt3A_816 = arith.constant 2.500000e+00 : f32
      %lt3A_817 = vector.broadcast %lt3A_816 : f32 to vector<16xf32>
      %lt3A_818 = arith.cmpf olt, %while3A_761#4, %lt3A_817 : vector<16xf32>
      %convert_element_type3A_819 = arith.extui %lt3A_818 : vector<16xi1> to vector<16xi32>
      %mul3A_820 = arith.muli %convert_element_type3A_819, %broadcast_in_dim3A_747 : vector<16xi32>
      %add3A_821 = arith.addi %add3A_809, %mul3A_820 : vector<16xi32>
      scf.yield %add3A_815, %add3A_821 : vector<16xi32>, vector<16xi32>
    }
    %while3A_113 = arith.constant 1 : i32
    %while3A_114:2 = scf.for %while3A_321 = %while3A_110 to %while3A_106 step %while3A_113 iter_args(%while3A_322 = %while3A_112#0, %while3A_323 = %while3A_112#1) -> (vector<16xi32>, vector<16xi32>)  : i32 {
      %mul3A_324 = arith.constant 4 : i32
      %mul3A_325 = arith.muli %while3A_321, %mul3A_324 : i32
      %add3A_326 = arith.constant 0 : i32
      %add3A_327 = arith.addi %mul3A_325, %add3A_326 : i32
      %dma_wait3A_328 = arith.constant 0 : i32
      %dma_wait3A_329 = arith.constant 0 : i32
      %dma_wait3A_330 = tpu.memref_slice %arg4[%dma_wait3A_328, %dma_wait3A_329] : memref<10000x128xf32, #tpu.memory_space<hbm>> -> memref<10000x128xf32, #tpu.memory_space<hbm>>
      tpu.wait_indirect_dma semaphore(%arg28 : memref<!tpu.dma_semaphore, #tpu.memory_space<semaphore_mem>>) src(%dma_wait3A_330 : memref<10000x128xf32, #tpu.memory_space<hbm>>) dst(%arg15 : memref<80x128xf32, #tpu.memory_space<vmem>>)
      %dma_wait3A_331 = arith.constant 0 : i32
      %dma_wait3A_332 = arith.constant 0 : i32
      %dma_wait3A_333 = tpu.memref_slice %arg5[%dma_wait3A_331, %dma_wait3A_332] : memref<10000x128xf32, #tpu.memory_space<hbm>> -> memref<10000x128xf32, #tpu.memory_space<hbm>>
      tpu.wait_indirect_dma semaphore(%arg32 : memref<!tpu.dma_semaphore, #tpu.memory_space<semaphore_mem>>) src(%dma_wait3A_333 : memref<10000x128xf32, #tpu.memory_space<hbm>>) dst(%arg19 : memref<80x128xf32, #tpu.memory_space<vmem>>)
      %add3A_334 = arith.constant 4 : i32
      %add3A_335 = arith.addi %add3A_327, %add3A_334 : i32
      %mul3A_336 = arith.constant 32 : i32
      %mul3A_337 = arith.muli %add3A_335, %mul3A_336 : i32
      %add3A_338 = arith.addi %add3A, %mul3A_337 : i32
      %min3A_339 = arith.constant 7999 : i32
      %min3A_340 = arith.minsi %add3A_338, %min3A_339 : i32
      %mul3A_341 = arith.constant 80 : i32
      %mul3A_342 = arith.muli %min3A_340, %mul3A_341 : i32
      %dma_start3A_343 = tpu.memref_slice %arg2[%mul3A_342] : memref<640000xi32, #tpu.memory_space<hbm>> -> memref<80xi32, #tpu.memory_space<hbm>>
      %dma_start3A_344 = tpu.memref_slice %arg2[%mul3A_342] : memref<640000xi32, #tpu.memory_space<hbm>> -> memref<80xi32, #tpu.memory_space<hbm>>
      tpu.enqueue_dma source(%dma_start3A_344 : memref<80xi32, #tpu.memory_space<hbm>>) target(%arg7 : memref<80xi32, #tpu.memory_space<vmem>>) target_semaphore(%arg24 : memref<!tpu.dma_semaphore, #tpu.memory_space<semaphore_mem>>)
      %dma_start3A_345 = tpu.memref_slice %arg3[%mul3A_342] : memref<640000xi32, #tpu.memory_space<hbm>> -> memref<80xi32, #tpu.memory_space<hbm>>
      %dma_start3A_346 = tpu.memref_slice %arg3[%mul3A_342] : memref<640000xi32, #tpu.memory_space<hbm>> -> memref<80xi32, #tpu.memory_space<hbm>>
      tpu.enqueue_dma source(%dma_start3A_346 : memref<80xi32, #tpu.memory_space<hbm>>) target(%arg11 : memref<80xi32, #tpu.memory_space<vmem>>) target_semaphore(%arg24 : memref<!tpu.dma_semaphore, #tpu.memory_space<semaphore_mem>>)
      %dma_wait3A_347 = arith.constant 0 : i32
      %dma_wait3A_348 = tpu.memref_slice %arg2[%dma_wait3A_347] : memref<640000xi32, #tpu.memory_space<hbm>> -> memref<80xi32, #tpu.memory_space<hbm>>
      %dma_wait3A_349 = arith.constant 0 : i32
      %dma_wait3A_350 = tpu.memref_slice %arg2[%dma_wait3A_349] : memref<640000xi32, #tpu.memory_space<hbm>> -> memref<80xi32, #tpu.memory_space<hbm>>
      tpu.wait_dma2 semaphore(%arg27 : memref<!tpu.dma_semaphore, #tpu.memory_space<semaphore_mem>>) src(%dma_wait3A_350 : memref<80xi32, #tpu.memory_space<hbm>>) dst(%arg10 : memref<80xi32, #tpu.memory_space<vmem>>)
      %dma_wait3A_351 = arith.constant 0 : i32
      %dma_wait3A_352 = tpu.memref_slice %arg3[%dma_wait3A_351] : memref<640000xi32, #tpu.memory_space<hbm>> -> memref<80xi32, #tpu.memory_space<hbm>>
      %dma_wait3A_353 = arith.constant 0 : i32
      %dma_wait3A_354 = tpu.memref_slice %arg3[%dma_wait3A_353] : memref<640000xi32, #tpu.memory_space<hbm>> -> memref<80xi32, #tpu.memory_space<hbm>>
      tpu.wait_dma2 semaphore(%arg27 : memref<!tpu.dma_semaphore, #tpu.memory_space<semaphore_mem>>) src(%dma_wait3A_354 : memref<80xi32, #tpu.memory_space<hbm>>) dst(%arg14 : memref<80xi32, #tpu.memory_space<vmem>>)
      %dma_start3A_355 = arith.constant 0 : i32
      %dma_start3A_356 = arith.constant 0 : i32
      %dma_start3A_357 = tpu.memref_slice %arg4[%dma_start3A_355, %dma_start3A_356] : memref<10000x128xf32, #tpu.memory_space<hbm>> -> memref<10000x128xf32, #tpu.memory_space<hbm>>
      tpu.enqueue_indirect_dma source(%dma_start3A_357 : memref<10000x128xf32, #tpu.memory_space<hbm>>) target(%arg18 : memref<80x128xf32, #tpu.memory_space<vmem>>) offsets(%arg10 : memref<80xi32, #tpu.memory_space<vmem>>) semaphore(%arg31 : memref<!tpu.dma_semaphore, #tpu.memory_space<semaphore_mem>>)
      %dma_start3A_358 = arith.constant 0 : i32
      %dma_start3A_359 = arith.constant 0 : i32
      %dma_start3A_360 = tpu.memref_slice %arg5[%dma_start3A_358, %dma_start3A_359] : memref<10000x128xf32, #tpu.memory_space<hbm>> -> memref<10000x128xf32, #tpu.memory_space<hbm>>
      tpu.enqueue_indirect_dma source(%dma_start3A_360 : memref<10000x128xf32, #tpu.memory_space<hbm>>) target(%arg22 : memref<80x128xf32, #tpu.memory_space<vmem>>) offsets(%arg14 : memref<80xi32, #tpu.memory_space<vmem>>) semaphore(%arg35 : memref<!tpu.dma_semaphore, #tpu.memory_space<semaphore_mem>>)
      %mul3A_361 = arith.constant 32 : i32
      %mul3A_362 = arith.muli %add3A_327, %mul3A_361 : i32
      %add3A_363 = arith.addi %add3A, %mul3A_362 : i32
      %lt3A_364 = arith.constant 8000 : i32
      %lt3A_365 = arith.cmpi slt, %add3A_363, %lt3A_364 : i32
      %convert_element_type3A_366 = arith.extui %lt3A_365 : i1 to i32
      %lt3A_367 = arith.constant 4000 : i32
      %lt3A_368 = arith.cmpi slt, %add3A_363, %lt3A_367 : i32
      %convert_element_type3A_369 = arith.extui %lt3A_368 : i1 to i32
      %mul3A_370 = arith.muli %convert_element_type3A_366, %convert_element_type3A_369 : i32
      %broadcast_in_dim3A_371 = vector.broadcast %mul3A_370 : i32 to vector<16xi32>
      %sub3A_372 = arith.constant 1 : i32
      %sub3A_373 = arith.subi %sub3A_372, %convert_element_type3A_369 : i32
      %mul3A_374 = arith.muli %convert_element_type3A_366, %sub3A_373 : i32
      %broadcast_in_dim3A_375 = vector.broadcast %mul3A_374 : i32 to vector<16xi32>
      %broadcast_in_dim3A_376 = arith.constant 0.000000e+00 : f32
      %broadcast_in_dim3A_377 = vector.broadcast %broadcast_in_dim3A_376 : f32 to vector<16xf32>
      %while3A_378 = arith.constant 0 : i32
      %while3A_379 = arith.constant 128 : i32
      %while3A_380 = arith.subi %while3A_379, %while3A_378 : i32
      %while3A_381 = arith.addi %while3A_378, %while3A_380 : i32
      %while3A_382 = arith.constant 1 : i32
      %while3A_383 = arith.divsi %while3A_380, %while3A_382 : i32
      %while3A_384 = arith.muli %while3A_383, %while3A_382 : i32
      %while3A_385 = arith.addi %while3A_378, %while3A_384 : i32
      %while3A_386 = arith.constant 1 : i32
      %while3A_387:5 = scf.for %while3A_822 = %while3A_378 to %while3A_385 step %while3A_386 iter_args(%while3A_823 = %broadcast_in_dim3A_377, %while3A_824 = %broadcast_in_dim3A_377, %while3A_825 = %broadcast_in_dim3A_377, %while3A_826 = %broadcast_in_dim3A_377, %while3A_827 = %broadcast_in_dim3A_377) -> (vector<16xf32>, vector<16xf32>, vector<16xf32>, vector<16xf32>, vector<16xf32>)  : i32 {
        %add3A_828 = vector.broadcast %while3A_822 : i32 to vector<16xi32>
        %add3A_829 = arith.addi %iota3A, %add3A_828 : vector<16xi32>
        %and3A = arith.constant 127 : i32
        %and3A_830 = vector.broadcast %and3A : i32 to vector<16xi32>
        %and3A_831 = arith.andi %add3A_829, %and3A_830 : vector<16xi32>
        %gather3A = tpu.vector_load_idx %arg15[%add3A_3, %and3A_831] : memref<80x128xf32, #tpu.memory_space<vmem>>[vector<16xi32>, vector<16xi32>], vector<16xf32>,
        %gather3A_832 = tpu.vector_load_idx %arg19[%add3A_3, %and3A_831] : memref<80x128xf32, #tpu.memory_space<vmem>>[vector<16xi32>, vector<16xi32>], vector<16xf32>,
        %sub3A_833 = arith.subf %gather3A, %gather3A_832 : vector<16xf32>
        %mul3A_834 = arith.mulf %sub3A_833, %sub3A_833 : vector<16xf32>
        %add3A_835 = arith.addf %while3A_823, %mul3A_834 : vector<16xf32>
        %gather3A_836 = tpu.vector_load_idx %arg15[%add3A_6, %and3A_831] : memref<80x128xf32, #tpu.memory_space<vmem>>[vector<16xi32>, vector<16xi32>], vector<16xf32>,
        %gather3A_837 = tpu.vector_load_idx %arg19[%add3A_6, %and3A_831] : memref<80x128xf32, #tpu.memory_space<vmem>>[vector<16xi32>, vector<16xi32>], vector<16xf32>,
        %sub3A_838 = arith.subf %gather3A_836, %gather3A_837 : vector<16xf32>
        %mul3A_839 = arith.mulf %sub3A_838, %sub3A_838 : vector<16xf32>
        %add3A_840 = arith.addf %while3A_824, %mul3A_839 : vector<16xf32>
        %gather3A_841 = tpu.vector_load_idx %arg15[%add3A_9, %and3A_831] : memref<80x128xf32, #tpu.memory_space<vmem>>[vector<16xi32>, vector<16xi32>], vector<16xf32>,
        %gather3A_842 = tpu.vector_load_idx %arg19[%add3A_9, %and3A_831] : memref<80x128xf32, #tpu.memory_space<vmem>>[vector<16xi32>, vector<16xi32>], vector<16xf32>,
        %sub3A_843 = arith.subf %gather3A_841, %gather3A_842 : vector<16xf32>
        %mul3A_844 = arith.mulf %sub3A_843, %sub3A_843 : vector<16xf32>
        %add3A_845 = arith.addf %while3A_825, %mul3A_844 : vector<16xf32>
        %gather3A_846 = tpu.vector_load_idx %arg15[%add3A_12, %and3A_831] : memref<80x128xf32, #tpu.memory_space<vmem>>[vector<16xi32>, vector<16xi32>], vector<16xf32>,
        %gather3A_847 = tpu.vector_load_idx %arg19[%add3A_12, %and3A_831] : memref<80x128xf32, #tpu.memory_space<vmem>>[vector<16xi32>, vector<16xi32>], vector<16xf32>,
        %sub3A_848 = arith.subf %gather3A_846, %gather3A_847 : vector<16xf32>
        %mul3A_849 = arith.mulf %sub3A_848, %sub3A_848 : vector<16xf32>
        %add3A_850 = arith.addf %while3A_826, %mul3A_849 : vector<16xf32>
        %gather3A_851 = tpu.vector_load_idx %arg15[%add3A_15, %and3A_831] : memref<80x128xf32, #tpu.memory_space<vmem>>[vector<16xi32>, vector<16xi32>], vector<16xf32>,
        %gather3A_852 = tpu.vector_load_idx %arg19[%add3A_15, %and3A_831] : memref<80x128xf32, #tpu.memory_space<vmem>>[vector<16xi32>, vector<16xi32>], vector<16xf32>,
        %sub3A_853 = arith.subf %gather3A_851, %gather3A_852 : vector<16xf32>
        %mul3A_854 = arith.mulf %sub3A_853, %sub3A_853 : vector<16xf32>
        %add3A_855 = arith.addf %while3A_827, %mul3A_854 : vector<16xf32>
        scf.yield %add3A_835, %add3A_840, %add3A_845, %add3A_850, %add3A_855 : vector<16xf32>, vector<16xf32>, vector<16xf32>, vector<16xf32>, vector<16xf32>
      }
      %while3A_388 = arith.constant 1 : i32
      %while3A_389:5 = scf.for %while3A_822 = %while3A_385 to %while3A_381 step %while3A_388 iter_args(%while3A_823 = %while3A_387#0, %while3A_824 = %while3A_387#1, %while3A_825 = %while3A_387#2, %while3A_826 = %while3A_387#3, %while3A_827 = %while3A_387#4) -> (vector<16xf32>, vector<16xf32>, vector<16xf32>, vector<16xf32>, vector<16xf32>)  : i32 {
        %add3A_828 = vector.broadcast %while3A_822 : i32 to vector<16xi32>
        %add3A_829 = arith.addi %iota3A, %add3A_828 : vector<16xi32>
        %and3A = arith.constant 127 : i32
        %and3A_830 = vector.broadcast %and3A : i32 to vector<16xi32>
        %and3A_831 = arith.andi %add3A_829, %and3A_830 : vector<16xi32>
        %gather3A = tpu.vector_load_idx %arg15[%add3A_3, %and3A_831] : memref<80x128xf32, #tpu.memory_space<vmem>>[vector<16xi32>, vector<16xi32>], vector<16xf32>,
        %gather3A_832 = tpu.vector_load_idx %arg19[%add3A_3, %and3A_831] : memref<80x128xf32, #tpu.memory_space<vmem>>[vector<16xi32>, vector<16xi32>], vector<16xf32>,
        %sub3A_833 = arith.subf %gather3A, %gather3A_832 : vector<16xf32>
        %mul3A_834 = arith.mulf %sub3A_833, %sub3A_833 : vector<16xf32>
        %add3A_835 = arith.addf %while3A_823, %mul3A_834 : vector<16xf32>
        %gather3A_836 = tpu.vector_load_idx %arg15[%add3A_6, %and3A_831] : memref<80x128xf32, #tpu.memory_space<vmem>>[vector<16xi32>, vector<16xi32>], vector<16xf32>,
        %gather3A_837 = tpu.vector_load_idx %arg19[%add3A_6, %and3A_831] : memref<80x128xf32, #tpu.memory_space<vmem>>[vector<16xi32>, vector<16xi32>], vector<16xf32>,
        %sub3A_838 = arith.subf %gather3A_836, %gather3A_837 : vector<16xf32>
        %mul3A_839 = arith.mulf %sub3A_838, %sub3A_838 : vector<16xf32>
        %add3A_840 = arith.addf %while3A_824, %mul3A_839 : vector<16xf32>
        %gather3A_841 = tpu.vector_load_idx %arg15[%add3A_9, %and3A_831] : memref<80x128xf32, #tpu.memory_space<vmem>>[vector<16xi32>, vector<16xi32>], vector<16xf32>,
        %gather3A_842 = tpu.vector_load_idx %arg19[%add3A_9, %and3A_831] : memref<80x128xf32, #tpu.memory_space<vmem>>[vector<16xi32>, vector<16xi32>], vector<16xf32>,
        %sub3A_843 = arith.subf %gather3A_841, %gather3A_842 : vector<16xf32>
        %mul3A_844 = arith.mulf %sub3A_843, %sub3A_843 : vector<16xf32>
        %add3A_845 = arith.addf %while3A_825, %mul3A_844 : vector<16xf32>
        %gather3A_846 = tpu.vector_load_idx %arg15[%add3A_12, %and3A_831] : memref<80x128xf32, #tpu.memory_space<vmem>>[vector<16xi32>, vector<16xi32>], vector<16xf32>,
        %gather3A_847 = tpu.vector_load_idx %arg19[%add3A_12, %and3A_831] : memref<80x128xf32, #tpu.memory_space<vmem>>[vector<16xi32>, vector<16xi32>], vector<16xf32>,
        %sub3A_848 = arith.subf %gather3A_846, %gather3A_847 : vector<16xf32>
        %mul3A_849 = arith.mulf %sub3A_848, %sub3A_848 : vector<16xf32>
        %add3A_850 = arith.addf %while3A_826, %mul3A_849 : vector<16xf32>
        %gather3A_851 = tpu.vector_load_idx %arg15[%add3A_15, %and3A_831] : memref<80x128xf32, #tpu.memory_space<vmem>>[vector<16xi32>, vector<16xi32>], vector<16xf32>,
        %gather3A_852 = tpu.vector_load_idx %arg19[%add3A_15, %and3A_831] : memref<80x128xf32, #tpu.memory_space<vmem>>[vector<16xi32>, vector<16xi32>], vector<16xf32>,
        %sub3A_853 = arith.subf %gather3A_851, %gather3A_852 : vector<16xf32>
        %mul3A_854 = arith.mulf %sub3A_853, %sub3A_853 : vector<16xf32>
        %add3A_855 = arith.addf %while3A_827, %mul3A_854 : vector<16xf32>
        scf.yield %add3A_835, %add3A_840, %add3A_845, %add3A_850, %add3A_855 : vector<16xf32>, vector<16xf32>, vector<16xf32>, vector<16xf32>, vector<16xf32>
      }
      %gt3A_390 = arith.constant 2.500000e+00 : f32
      %gt3A_391 = vector.broadcast %gt3A_390 : f32 to vector<16xf32>
      %gt3A_392 = arith.cmpf ogt, %while3A_389#0, %gt3A_391 : vector<16xf32>
      %convert_element_type3A_393 = arith.extui %gt3A_392 : vector<16xi1> to vector<16xi32>
      %mul3A_394 = arith.muli %convert_element_type3A_393, %broadcast_in_dim3A_371 : vector<16xi32>
      %add3A_395 = arith.addi %while3A_322, %mul3A_394 : vector<16xi32>
      %lt3A_396 = arith.constant 2.500000e+00 : f32
      %lt3A_397 = vector.broadcast %lt3A_396 : f32 to vector<16xf32>
      %lt3A_398 = arith.cmpf olt, %while3A_389#0, %lt3A_397 : vector<16xf32>
      %convert_element_type3A_399 = arith.extui %lt3A_398 : vector<16xi1> to vector<16xi32>
      %mul3A_400 = arith.muli %convert_element_type3A_399, %broadcast_in_dim3A_375 : vector<16xi32>
      %add3A_401 = arith.addi %while3A_323, %mul3A_400 : vector<16xi32>
      %gt3A_402 = arith.constant 2.500000e+00 : f32
      %gt3A_403 = vector.broadcast %gt3A_402 : f32 to vector<16xf32>
      %gt3A_404 = arith.cmpf ogt, %while3A_389#1, %gt3A_403 : vector<16xf32>
      %convert_element_type3A_405 = arith.extui %gt3A_404 : vector<16xi1> to vector<16xi32>
      %mul3A_406 = arith.muli %convert_element_type3A_405, %broadcast_in_dim3A_371 : vector<16xi32>
      %add3A_407 = arith.addi %add3A_395, %mul3A_406 : vector<16xi32>
      %lt3A_408 = arith.constant 2.500000e+00 : f32
      %lt3A_409 = vector.broadcast %lt3A_408 : f32 to vector<16xf32>
      %lt3A_410 = arith.cmpf olt, %while3A_389#1, %lt3A_409 : vector<16xf32>
      %convert_element_type3A_411 = arith.extui %lt3A_410 : vector<16xi1> to vector<16xi32>
      %mul3A_412 = arith.muli %convert_element_type3A_411, %broadcast_in_dim3A_375 : vector<16xi32>
      %add3A_413 = arith.addi %add3A_401, %mul3A_412 : vector<16xi32>
      %gt3A_414 = arith.constant 2.500000e+00 : f32
      %gt3A_415 = vector.broadcast %gt3A_414 : f32 to vector<16xf32>
      %gt3A_416 = arith.cmpf ogt, %while3A_389#2, %gt3A_415 : vector<16xf32>
      %convert_element_type3A_417 = arith.extui %gt3A_416 : vector<16xi1> to vector<16xi32>
      %mul3A_418 = arith.muli %convert_element_type3A_417, %broadcast_in_dim3A_371 : vector<16xi32>
      %add3A_419 = arith.addi %add3A_407, %mul3A_418 : vector<16xi32>
      %lt3A_420 = arith.constant 2.500000e+00 : f32
      %lt3A_421 = vector.broadcast %lt3A_420 : f32 to vector<16xf32>
      %lt3A_422 = arith.cmpf olt, %while3A_389#2, %lt3A_421 : vector<16xf32>
      %convert_element_type3A_423 = arith.extui %lt3A_422 : vector<16xi1> to vector<16xi32>
      %mul3A_424 = arith.muli %convert_element_type3A_423, %broadcast_in_dim3A_375 : vector<16xi32>
      %add3A_425 = arith.addi %add3A_413, %mul3A_424 : vector<16xi32>
      %gt3A_426 = arith.constant 2.500000e+00 : f32
      %gt3A_427 = vector.broadcast %gt3A_426 : f32 to vector<16xf32>
      %gt3A_428 = arith.cmpf ogt, %while3A_389#3, %gt3A_427 : vector<16xf32>
      %convert_element_type3A_429 = arith.extui %gt3A_428 : vector<16xi1> to vector<16xi32>
      %mul3A_430 = arith.muli %convert_element_type3A_429, %broadcast_in_dim3A_371 : vector<16xi32>
      %add3A_431 = arith.addi %add3A_419, %mul3A_430 : vector<16xi32>
      %lt3A_432 = arith.constant 2.500000e+00 : f32
      %lt3A_433 = vector.broadcast %lt3A_432 : f32 to vector<16xf32>
      %lt3A_434 = arith.cmpf olt, %while3A_389#3, %lt3A_433 : vector<16xf32>
      %convert_element_type3A_435 = arith.extui %lt3A_434 : vector<16xi1> to vector<16xi32>
      %mul3A_436 = arith.muli %convert_element_type3A_435, %broadcast_in_dim3A_375 : vector<16xi32>
      %add3A_437 = arith.addi %add3A_425, %mul3A_436 : vector<16xi32>
      %gt3A_438 = arith.constant 2.500000e+00 : f32
      %gt3A_439 = vector.broadcast %gt3A_438 : f32 to vector<16xf32>
      %gt3A_440 = arith.cmpf ogt, %while3A_389#4, %gt3A_439 : vector<16xf32>
      %convert_element_type3A_441 = arith.extui %gt3A_440 : vector<16xi1> to vector<16xi32>
      %mul3A_442 = arith.muli %convert_element_type3A_441, %broadcast_in_dim3A_371 : vector<16xi32>
      %add3A_443 = arith.addi %add3A_431, %mul3A_442 : vector<16xi32>
      %lt3A_444 = arith.constant 2.500000e+00 : f32
      %lt3A_445 = vector.broadcast %lt3A_444 : f32 to vector<16xf32>
      %lt3A_446 = arith.cmpf olt, %while3A_389#4, %lt3A_445 : vector<16xf32>
      %convert_element_type3A_447 = arith.extui %lt3A_446 : vector<16xi1> to vector<16xi32>
      %mul3A_448 = arith.muli %convert_element_type3A_447, %broadcast_in_dim3A_375 : vector<16xi32>
      %add3A_449 = arith.addi %add3A_437, %mul3A_448 : vector<16xi32>
      %add3A_450 = arith.constant 1 : i32
      %add3A_451 = arith.addi %mul3A_325, %add3A_450 : i32
      %dma_wait3A_452 = arith.constant 0 : i32
      %dma_wait3A_453 = arith.constant 0 : i32
      %dma_wait3A_454 = tpu.memref_slice %arg4[%dma_wait3A_452, %dma_wait3A_453] : memref<10000x128xf32, #tpu.memory_space<hbm>> -> memref<10000x128xf32, #tpu.memory_space<hbm>>
      tpu.wait_indirect_dma semaphore(%arg29 : memref<!tpu.dma_semaphore, #tpu.memory_space<semaphore_mem>>) src(%dma_wait3A_454 : memref<10000x128xf32, #tpu.memory_space<hbm>>) dst(%arg16 : memref<80x128xf32, #tpu.memory_space<vmem>>)
      %dma_wait3A_455 = arith.constant 0 : i32
      %dma_wait3A_456 = arith.constant 0 : i32
      %dma_wait3A_457 = tpu.memref_slice %arg5[%dma_wait3A_455, %dma_wait3A_456] : memref<10000x128xf32, #tpu.memory_space<hbm>> -> memref<10000x128xf32, #tpu.memory_space<hbm>>
      tpu.wait_indirect_dma semaphore(%arg33 : memref<!tpu.dma_semaphore, #tpu.memory_space<semaphore_mem>>) src(%dma_wait3A_457 : memref<10000x128xf32, #tpu.memory_space<hbm>>) dst(%arg20 : memref<80x128xf32, #tpu.memory_space<vmem>>)
      %add3A_458 = arith.constant 4 : i32
      %add3A_459 = arith.addi %add3A_451, %add3A_458 : i32
      %mul3A_460 = arith.constant 32 : i32
      %mul3A_461 = arith.muli %add3A_459, %mul3A_460 : i32
      %add3A_462 = arith.addi %add3A, %mul3A_461 : i32
      %min3A_463 = arith.constant 7999 : i32
      %min3A_464 = arith.minsi %add3A_462, %min3A_463 : i32
      %mul3A_465 = arith.constant 80 : i32
      %mul3A_466 = arith.muli %min3A_464, %mul3A_465 : i32
      %dma_start3A_467 = tpu.memref_slice %arg2[%mul3A_466] : memref<640000xi32, #tpu.memory_space<hbm>> -> memref<80xi32, #tpu.memory_space<hbm>>
      %dma_start3A_468 = tpu.memref_slice %arg2[%mul3A_466] : memref<640000xi32, #tpu.memory_space<hbm>> -> memref<80xi32, #tpu.memory_space<hbm>>
      tpu.enqueue_dma source(%dma_start3A_468 : memref<80xi32, #tpu.memory_space<hbm>>) target(%arg8 : memref<80xi32, #tpu.memory_space<vmem>>) target_semaphore(%arg25 : memref<!tpu.dma_semaphore, #tpu.memory_space<semaphore_mem>>)
      %dma_start3A_469 = tpu.memref_slice %arg3[%mul3A_466] : memref<640000xi32, #tpu.memory_space<hbm>> -> memref<80xi32, #tpu.memory_space<hbm>>
      %dma_start3A_470 = tpu.memref_slice %arg3[%mul3A_466] : memref<640000xi32, #tpu.memory_space<hbm>> -> memref<80xi32, #tpu.memory_space<hbm>>
      tpu.enqueue_dma source(%dma_start3A_470 : memref<80xi32, #tpu.memory_space<hbm>>) target(%arg12 : memref<80xi32, #tpu.memory_space<vmem>>) target_semaphore(%arg25 : memref<!tpu.dma_semaphore, #tpu.memory_space<semaphore_mem>>)
      %dma_wait3A_471 = arith.constant 0 : i32
      %dma_wait3A_472 = tpu.memref_slice %arg2[%dma_wait3A_471] : memref<640000xi32, #tpu.memory_space<hbm>> -> memref<80xi32, #tpu.memory_space<hbm>>
      %dma_wait3A_473 = arith.constant 0 : i32
      %dma_wait3A_474 = tpu.memref_slice %arg2[%dma_wait3A_473] : memref<640000xi32, #tpu.memory_space<hbm>> -> memref<80xi32, #tpu.memory_space<hbm>>
      tpu.wait_dma2 semaphore(%arg24 : memref<!tpu.dma_semaphore, #tpu.memory_space<semaphore_mem>>) src(%dma_wait3A_474 : memref<80xi32, #tpu.memory_space<hbm>>) dst(%arg7 : memref<80xi32, #tpu.memory_space<vmem>>)
      %dma_wait3A_475 = arith.constant 0 : i32
      %dma_wait3A_476 = tpu.memref_slice %arg3[%dma_wait3A_475] : memref<640000xi32, #tpu.memory_space<hbm>> -> memref<80xi32, #tpu.memory_space<hbm>>
      %dma_wait3A_477 = arith.constant 0 : i32
      %dma_wait3A_478 = tpu.memref_slice %arg3[%dma_wait3A_477] : memref<640000xi32, #tpu.memory_space<hbm>> -> memref<80xi32, #tpu.memory_space<hbm>>
      tpu.wait_dma2 semaphore(%arg24 : memref<!tpu.dma_semaphore, #tpu.memory_space<semaphore_mem>>) src(%dma_wait3A_478 : memref<80xi32, #tpu.memory_space<hbm>>) dst(%arg11 : memref<80xi32, #tpu.memory_space<vmem>>)
      %dma_start3A_479 = arith.constant 0 : i32
      %dma_start3A_480 = arith.constant 0 : i32
      %dma_start3A_481 = tpu.memref_slice %arg4[%dma_start3A_479, %dma_start3A_480] : memref<10000x128xf32, #tpu.memory_space<hbm>> -> memref<10000x128xf32, #tpu.memory_space<hbm>>
      tpu.enqueue_indirect_dma source(%dma_start3A_481 : memref<10000x128xf32, #tpu.memory_space<hbm>>) target(%arg15 : memref<80x128xf32, #tpu.memory_space<vmem>>) offsets(%arg7 : memref<80xi32, #tpu.memory_space<vmem>>) semaphore(%arg28 : memref<!tpu.dma_semaphore, #tpu.memory_space<semaphore_mem>>)
      %dma_start3A_482 = arith.constant 0 : i32
      %dma_start3A_483 = arith.constant 0 : i32
      %dma_start3A_484 = tpu.memref_slice %arg5[%dma_start3A_482, %dma_start3A_483] : memref<10000x128xf32, #tpu.memory_space<hbm>> -> memref<10000x128xf32, #tpu.memory_space<hbm>>
      tpu.enqueue_indirect_dma source(%dma_start3A_484 : memref<10000x128xf32, #tpu.memory_space<hbm>>) target(%arg19 : memref<80x128xf32, #tpu.memory_space<vmem>>) offsets(%arg11 : memref<80xi32, #tpu.memory_space<vmem>>) semaphore(%arg32 : memref<!tpu.dma_semaphore, #tpu.memory_space<semaphore_mem>>)
      %mul3A_485 = arith.constant 32 : i32
      %mul3A_486 = arith.muli %add3A_451, %mul3A_485 : i32
      %add3A_487 = arith.addi %add3A, %mul3A_486 : i32
      %lt3A_488 = arith.constant 8000 : i32
      %lt3A_489 = arith.cmpi slt, %add3A_487, %lt3A_488 : i32
      %convert_element_type3A_490 = arith.extui %lt3A_489 : i1 to i32
      %lt3A_491 = arith.constant 4000 : i32
      %lt3A_492 = arith.cmpi slt, %add3A_487, %lt3A_491 : i32
      %convert_element_type3A_493 = arith.extui %lt3A_492 : i1 to i32
      %mul3A_494 = arith.muli %convert_element_type3A_490, %convert_element_type3A_493 : i32
      %broadcast_in_dim3A_495 = vector.broadcast %mul3A_494 : i32 to vector<16xi32>
      %sub3A_496 = arith.constant 1 : i32
      %sub3A_497 = arith.subi %sub3A_496, %convert_element_type3A_493 : i32
      %mul3A_498 = arith.muli %convert_element_type3A_490, %sub3A_497 : i32
      %broadcast_in_dim3A_499 = vector.broadcast %mul3A_498 : i32 to vector<16xi32>
      %broadcast_in_dim3A_500 = arith.constant 0.000000e+00 : f32
      %broadcast_in_dim3A_501 = vector.broadcast %broadcast_in_dim3A_500 : f32 to vector<16xf32>
      %while3A_502 = arith.constant 0 : i32
      %while3A_503 = arith.constant 128 : i32
      %while3A_504 = arith.subi %while3A_503, %while3A_502 : i32
      %while3A_505 = arith.addi %while3A_502, %while3A_504 : i32
      %while3A_506 = arith.constant 1 : i32
      %while3A_507 = arith.divsi %while3A_504, %while3A_506 : i32
      %while3A_508 = arith.muli %while3A_507, %while3A_506 : i32
      %while3A_509 = arith.addi %while3A_502, %while3A_508 : i32
      %while3A_510 = arith.constant 1 : i32
      %while3A_511:5 = scf.for %while3A_822 = %while3A_502 to %while3A_509 step %while3A_510 iter_args(%while3A_823 = %broadcast_in_dim3A_501, %while3A_824 = %broadcast_in_dim3A_501, %while3A_825 = %broadcast_in_dim3A_501, %while3A_826 = %broadcast_in_dim3A_501, %while3A_827 = %broadcast_in_dim3A_501) -> (vector<16xf32>, vector<16xf32>, vector<16xf32>, vector<16xf32>, vector<16xf32>)  : i32 {
        %add3A_828 = vector.broadcast %while3A_822 : i32 to vector<16xi32>
        %add3A_829 = arith.addi %iota3A, %add3A_828 : vector<16xi32>
        %and3A = arith.constant 127 : i32
        %and3A_830 = vector.broadcast %and3A : i32 to vector<16xi32>
        %and3A_831 = arith.andi %add3A_829, %and3A_830 : vector<16xi32>
        %gather3A = tpu.vector_load_idx %arg16[%add3A_3, %and3A_831] : memref<80x128xf32, #tpu.memory_space<vmem>>[vector<16xi32>, vector<16xi32>], vector<16xf32>,
        %gather3A_832 = tpu.vector_load_idx %arg20[%add3A_3, %and3A_831] : memref<80x128xf32, #tpu.memory_space<vmem>>[vector<16xi32>, vector<16xi32>], vector<16xf32>,
        %sub3A_833 = arith.subf %gather3A, %gather3A_832 : vector<16xf32>
        %mul3A_834 = arith.mulf %sub3A_833, %sub3A_833 : vector<16xf32>
        %add3A_835 = arith.addf %while3A_823, %mul3A_834 : vector<16xf32>
        %gather3A_836 = tpu.vector_load_idx %arg16[%add3A_6, %and3A_831] : memref<80x128xf32, #tpu.memory_space<vmem>>[vector<16xi32>, vector<16xi32>], vector<16xf32>,
        %gather3A_837 = tpu.vector_load_idx %arg20[%add3A_6, %and3A_831] : memref<80x128xf32, #tpu.memory_space<vmem>>[vector<16xi32>, vector<16xi32>], vector<16xf32>,
        %sub3A_838 = arith.subf %gather3A_836, %gather3A_837 : vector<16xf32>
        %mul3A_839 = arith.mulf %sub3A_838, %sub3A_838 : vector<16xf32>
        %add3A_840 = arith.addf %while3A_824, %mul3A_839 : vector<16xf32>
        %gather3A_841 = tpu.vector_load_idx %arg16[%add3A_9, %and3A_831] : memref<80x128xf32, #tpu.memory_space<vmem>>[vector<16xi32>, vector<16xi32>], vector<16xf32>,
        %gather3A_842 = tpu.vector_load_idx %arg20[%add3A_9, %and3A_831] : memref<80x128xf32, #tpu.memory_space<vmem>>[vector<16xi32>, vector<16xi32>], vector<16xf32>,
        %sub3A_843 = arith.subf %gather3A_841, %gather3A_842 : vector<16xf32>
        %mul3A_844 = arith.mulf %sub3A_843, %sub3A_843 : vector<16xf32>
        %add3A_845 = arith.addf %while3A_825, %mul3A_844 : vector<16xf32>
        %gather3A_846 = tpu.vector_load_idx %arg16[%add3A_12, %and3A_831] : memref<80x128xf32, #tpu.memory_space<vmem>>[vector<16xi32>, vector<16xi32>], vector<16xf32>,
        %gather3A_847 = tpu.vector_load_idx %arg20[%add3A_12, %and3A_831] : memref<80x128xf32, #tpu.memory_space<vmem>>[vector<16xi32>, vector<16xi32>], vector<16xf32>,
        %sub3A_848 = arith.subf %gather3A_846, %gather3A_847 : vector<16xf32>
        %mul3A_849 = arith.mulf %sub3A_848, %sub3A_848 : vector<16xf32>
        %add3A_850 = arith.addf %while3A_826, %mul3A_849 : vector<16xf32>
        %gather3A_851 = tpu.vector_load_idx %arg16[%add3A_15, %and3A_831] : memref<80x128xf32, #tpu.memory_space<vmem>>[vector<16xi32>, vector<16xi32>], vector<16xf32>,
        %gather3A_852 = tpu.vector_load_idx %arg20[%add3A_15, %and3A_831] : memref<80x128xf32, #tpu.memory_space<vmem>>[vector<16xi32>, vector<16xi32>], vector<16xf32>,
        %sub3A_853 = arith.subf %gather3A_851, %gather3A_852 : vector<16xf32>
        %mul3A_854 = arith.mulf %sub3A_853, %sub3A_853 : vector<16xf32>
        %add3A_855 = arith.addf %while3A_827, %mul3A_854 : vector<16xf32>
        scf.yield %add3A_835, %add3A_840, %add3A_845, %add3A_850, %add3A_855 : vector<16xf32>, vector<16xf32>, vector<16xf32>, vector<16xf32>, vector<16xf32>
      }
      %while3A_512 = arith.constant 1 : i32
      %while3A_513:5 = scf.for %while3A_822 = %while3A_509 to %while3A_505 step %while3A_512 iter_args(%while3A_823 = %while3A_511#0, %while3A_824 = %while3A_511#1, %while3A_825 = %while3A_511#2, %while3A_826 = %while3A_511#3, %while3A_827 = %while3A_511#4) -> (vector<16xf32>, vector<16xf32>, vector<16xf32>, vector<16xf32>, vector<16xf32>)  : i32 {
        %add3A_828 = vector.broadcast %while3A_822 : i32 to vector<16xi32>
        %add3A_829 = arith.addi %iota3A, %add3A_828 : vector<16xi32>
        %and3A = arith.constant 127 : i32
        %and3A_830 = vector.broadcast %and3A : i32 to vector<16xi32>
        %and3A_831 = arith.andi %add3A_829, %and3A_830 : vector<16xi32>
        %gather3A = tpu.vector_load_idx %arg16[%add3A_3, %and3A_831] : memref<80x128xf32, #tpu.memory_space<vmem>>[vector<16xi32>, vector<16xi32>], vector<16xf32>,
        %gather3A_832 = tpu.vector_load_idx %arg20[%add3A_3, %and3A_831] : memref<80x128xf32, #tpu.memory_space<vmem>>[vector<16xi32>, vector<16xi32>], vector<16xf32>,
        %sub3A_833 = arith.subf %gather3A, %gather3A_832 : vector<16xf32>
        %mul3A_834 = arith.mulf %sub3A_833, %sub3A_833 : vector<16xf32>
        %add3A_835 = arith.addf %while3A_823, %mul3A_834 : vector<16xf32>
        %gather3A_836 = tpu.vector_load_idx %arg16[%add3A_6, %and3A_831] : memref<80x128xf32, #tpu.memory_space<vmem>>[vector<16xi32>, vector<16xi32>], vector<16xf32>,
        %gather3A_837 = tpu.vector_load_idx %arg20[%add3A_6, %and3A_831] : memref<80x128xf32, #tpu.memory_space<vmem>>[vector<16xi32>, vector<16xi32>], vector<16xf32>,
        %sub3A_838 = arith.subf %gather3A_836, %gather3A_837 : vector<16xf32>
        %mul3A_839 = arith.mulf %sub3A_838, %sub3A_838 : vector<16xf32>
        %add3A_840 = arith.addf %while3A_824, %mul3A_839 : vector<16xf32>
        %gather3A_841 = tpu.vector_load_idx %arg16[%add3A_9, %and3A_831] : memref<80x128xf32, #tpu.memory_space<vmem>>[vector<16xi32>, vector<16xi32>], vector<16xf32>,
        %gather3A_842 = tpu.vector_load_idx %arg20[%add3A_9, %and3A_831] : memref<80x128xf32, #tpu.memory_space<vmem>>[vector<16xi32>, vector<16xi32>], vector<16xf32>,
        %sub3A_843 = arith.subf %gather3A_841, %gather3A_842 : vector<16xf32>
        %mul3A_844 = arith.mulf %sub3A_843, %sub3A_843 : vector<16xf32>
        %add3A_845 = arith.addf %while3A_825, %mul3A_844 : vector<16xf32>
        %gather3A_846 = tpu.vector_load_idx %arg16[%add3A_12, %and3A_831] : memref<80x128xf32, #tpu.memory_space<vmem>>[vector<16xi32>, vector<16xi32>], vector<16xf32>,
        %gather3A_847 = tpu.vector_load_idx %arg20[%add3A_12, %and3A_831] : memref<80x128xf32, #tpu.memory_space<vmem>>[vector<16xi32>, vector<16xi32>], vector<16xf32>,
        %sub3A_848 = arith.subf %gather3A_846, %gather3A_847 : vector<16xf32>
        %mul3A_849 = arith.mulf %sub3A_848, %sub3A_848 : vector<16xf32>
        %add3A_850 = arith.addf %while3A_826, %mul3A_849 : vector<16xf32>
        %gather3A_851 = tpu.vector_load_idx %arg16[%add3A_15, %and3A_831] : memref<80x128xf32, #tpu.memory_space<vmem>>[vector<16xi32>, vector<16xi32>], vector<16xf32>,
        %gather3A_852 = tpu.vector_load_idx %arg20[%add3A_15, %and3A_831] : memref<80x128xf32, #tpu.memory_space<vmem>>[vector<16xi32>, vector<16xi32>], vector<16xf32>,
        %sub3A_853 = arith.subf %gather3A_851, %gather3A_852 : vector<16xf32>
        %mul3A_854 = arith.mulf %sub3A_853, %sub3A_853 : vector<16xf32>
        %add3A_855 = arith.addf %while3A_827, %mul3A_854 : vector<16xf32>
        scf.yield %add3A_835, %add3A_840, %add3A_845, %add3A_850, %add3A_855 : vector<16xf32>, vector<16xf32>, vector<16xf32>, vector<16xf32>, vector<16xf32>
      }
      %gt3A_514 = arith.constant 2.500000e+00 : f32
      %gt3A_515 = vector.broadcast %gt3A_514 : f32 to vector<16xf32>
      %gt3A_516 = arith.cmpf ogt, %while3A_513#0, %gt3A_515 : vector<16xf32>
      %convert_element_type3A_517 = arith.extui %gt3A_516 : vector<16xi1> to vector<16xi32>
      %mul3A_518 = arith.muli %convert_element_type3A_517, %broadcast_in_dim3A_495 : vector<16xi32>
      %add3A_519 = arith.addi %add3A_443, %mul3A_518 : vector<16xi32>
      %lt3A_520 = arith.constant 2.500000e+00 : f32
      %lt3A_521 = vector.broadcast %lt3A_520 : f32 to vector<16xf32>
      %lt3A_522 = arith.cmpf olt, %while3A_513#0, %lt3A_521 : vector<16xf32>
      %convert_element_type3A_523 = arith.extui %lt3A_522 : vector<16xi1> to vector<16xi32>
      %mul3A_524 = arith.muli %convert_element_type3A_523, %broadcast_in_dim3A_499 : vector<16xi32>
      %add3A_525 = arith.addi %add3A_449, %mul3A_524 : vector<16xi32>
      %gt3A_526 = arith.constant 2.500000e+00 : f32
      %gt3A_527 = vector.broadcast %gt3A_526 : f32 to vector<16xf32>
      %gt3A_528 = arith.cmpf ogt, %while3A_513#1, %gt3A_527 : vector<16xf32>
      %convert_element_type3A_529 = arith.extui %gt3A_528 : vector<16xi1> to vector<16xi32>
      %mul3A_530 = arith.muli %convert_element_type3A_529, %broadcast_in_dim3A_495 : vector<16xi32>
      %add3A_531 = arith.addi %add3A_519, %mul3A_530 : vector<16xi32>
      %lt3A_532 = arith.constant 2.500000e+00 : f32
      %lt3A_533 = vector.broadcast %lt3A_532 : f32 to vector<16xf32>
      %lt3A_534 = arith.cmpf olt, %while3A_513#1, %lt3A_533 : vector<16xf32>
      %convert_element_type3A_535 = arith.extui %lt3A_534 : vector<16xi1> to vector<16xi32>
      %mul3A_536 = arith.muli %convert_element_type3A_535, %broadcast_in_dim3A_499 : vector<16xi32>
      %add3A_537 = arith.addi %add3A_525, %mul3A_536 : vector<16xi32>
      %gt3A_538 = arith.constant 2.500000e+00 : f32
      %gt3A_539 = vector.broadcast %gt3A_538 : f32 to vector<16xf32>
      %gt3A_540 = arith.cmpf ogt, %while3A_513#2, %gt3A_539 : vector<16xf32>
      %convert_element_type3A_541 = arith.extui %gt3A_540 : vector<16xi1> to vector<16xi32>
      %mul3A_542 = arith.muli %convert_element_type3A_541, %broadcast_in_dim3A_495 : vector<16xi32>
      %add3A_543 = arith.addi %add3A_531, %mul3A_542 : vector<16xi32>
      %lt3A_544 = arith.constant 2.500000e+00 : f32
      %lt3A_545 = vector.broadcast %lt3A_544 : f32 to vector<16xf32>
      %lt3A_546 = arith.cmpf olt, %while3A_513#2, %lt3A_545 : vector<16xf32>
      %convert_element_type3A_547 = arith.extui %lt3A_546 : vector<16xi1> to vector<16xi32>
      %mul3A_548 = arith.muli %convert_element_type3A_547, %broadcast_in_dim3A_499 : vector<16xi32>
      %add3A_549 = arith.addi %add3A_537, %mul3A_548 : vector<16xi32>
      %gt3A_550 = arith.constant 2.500000e+00 : f32
      %gt3A_551 = vector.broadcast %gt3A_550 : f32 to vector<16xf32>
      %gt3A_552 = arith.cmpf ogt, %while3A_513#3, %gt3A_551 : vector<16xf32>
      %convert_element_type3A_553 = arith.extui %gt3A_552 : vector<16xi1> to vector<16xi32>
      %mul3A_554 = arith.muli %convert_element_type3A_553, %broadcast_in_dim3A_495 : vector<16xi32>
      %add3A_555 = arith.addi %add3A_543, %mul3A_554 : vector<16xi32>
      %lt3A_556 = arith.constant 2.500000e+00 : f32
      %lt3A_557 = vector.broadcast %lt3A_556 : f32 to vector<16xf32>
      %lt3A_558 = arith.cmpf olt, %while3A_513#3, %lt3A_557 : vector<16xf32>
      %convert_element_type3A_559 = arith.extui %lt3A_558 : vector<16xi1> to vector<16xi32>
      %mul3A_560 = arith.muli %convert_element_type3A_559, %broadcast_in_dim3A_499 : vector<16xi32>
      %add3A_561 = arith.addi %add3A_549, %mul3A_560 : vector<16xi32>
      %gt3A_562 = arith.constant 2.500000e+00 : f32
      %gt3A_563 = vector.broadcast %gt3A_562 : f32 to vector<16xf32>
      %gt3A_564 = arith.cmpf ogt, %while3A_513#4, %gt3A_563 : vector<16xf32>
      %convert_element_type3A_565 = arith.extui %gt3A_564 : vector<16xi1> to vector<16xi32>
      %mul3A_566 = arith.muli %convert_element_type3A_565, %broadcast_in_dim3A_495 : vector<16xi32>
      %add3A_567 = arith.addi %add3A_555, %mul3A_566 : vector<16xi32>
      %lt3A_568 = arith.constant 2.500000e+00 : f32
      %lt3A_569 = vector.broadcast %lt3A_568 : f32 to vector<16xf32>
      %lt3A_570 = arith.cmpf olt, %while3A_513#4, %lt3A_569 : vector<16xf32>
      %convert_element_type3A_571 = arith.extui %lt3A_570 : vector<16xi1> to vector<16xi32>
      %mul3A_572 = arith.muli %convert_element_type3A_571, %broadcast_in_dim3A_499 : vector<16xi32>
      %add3A_573 = arith.addi %add3A_561, %mul3A_572 : vector<16xi32>
      %add3A_574 = arith.constant 2 : i32
      %add3A_575 = arith.addi %mul3A_325, %add3A_574 : i32
      %dma_wait3A_576 = arith.constant 0 : i32
      %dma_wait3A_577 = arith.constant 0 : i32
      %dma_wait3A_578 = tpu.memref_slice %arg4[%dma_wait3A_576, %dma_wait3A_577] : memref<10000x128xf32, #tpu.memory_space<hbm>> -> memref<10000x128xf32, #tpu.memory_space<hbm>>
      tpu.wait_indirect_dma semaphore(%arg30 : memref<!tpu.dma_semaphore, #tpu.memory_space<semaphore_mem>>) src(%dma_wait3A_578 : memref<10000x128xf32, #tpu.memory_space<hbm>>) dst(%arg17 : memref<80x128xf32, #tpu.memory_space<vmem>>)
      %dma_wait3A_579 = arith.constant 0 : i32
      %dma_wait3A_580 = arith.constant 0 : i32
      %dma_wait3A_581 = tpu.memref_slice %arg5[%dma_wait3A_579, %dma_wait3A_580] : memref<10000x128xf32, #tpu.memory_space<hbm>> -> memref<10000x128xf32, #tpu.memory_space<hbm>>
      tpu.wait_indirect_dma semaphore(%arg34 : memref<!tpu.dma_semaphore, #tpu.memory_space<semaphore_mem>>) src(%dma_wait3A_581 : memref<10000x128xf32, #tpu.memory_space<hbm>>) dst(%arg21 : memref<80x128xf32, #tpu.memory_space<vmem>>)
      %add3A_582 = arith.constant 4 : i32
      %add3A_583 = arith.addi %add3A_575, %add3A_582 : i32
      %mul3A_584 = arith.constant 32 : i32
      %mul3A_585 = arith.muli %add3A_583, %mul3A_584 : i32
      %add3A_586 = arith.addi %add3A, %mul3A_585 : i32
      %min3A_587 = arith.constant 7999 : i32
      %min3A_588 = arith.minsi %add3A_586, %min3A_587 : i32
      %mul3A_589 = arith.constant 80 : i32
      %mul3A_590 = arith.muli %min3A_588, %mul3A_589 : i32
      %dma_start3A_591 = tpu.memref_slice %arg2[%mul3A_590] : memref<640000xi32, #tpu.memory_space<hbm>> -> memref<80xi32, #tpu.memory_space<hbm>>
      %dma_start3A_592 = tpu.memref_slice %arg2[%mul3A_590] : memref<640000xi32, #tpu.memory_space<hbm>> -> memref<80xi32, #tpu.memory_space<hbm>>
      tpu.enqueue_dma source(%dma_start3A_592 : memref<80xi32, #tpu.memory_space<hbm>>) target(%arg9 : memref<80xi32, #tpu.memory_space<vmem>>) target_semaphore(%arg26 : memref<!tpu.dma_semaphore, #tpu.memory_space<semaphore_mem>>)
      %dma_start3A_593 = tpu.memref_slice %arg3[%mul3A_590] : memref<640000xi32, #tpu.memory_space<hbm>> -> memref<80xi32, #tpu.memory_space<hbm>>
      %dma_start3A_594 = tpu.memref_slice %arg3[%mul3A_590] : memref<640000xi32, #tpu.memory_space<hbm>> -> memref<80xi32, #tpu.memory_space<hbm>>
      tpu.enqueue_dma source(%dma_start3A_594 : memref<80xi32, #tpu.memory_space<hbm>>) target(%arg13 : memref<80xi32, #tpu.memory_space<vmem>>) target_semaphore(%arg26 : memref<!tpu.dma_semaphore, #tpu.memory_space<semaphore_mem>>)
      %dma_wait3A_595 = arith.constant 0 : i32
      %dma_wait3A_596 = tpu.memref_slice %arg2[%dma_wait3A_595] : memref<640000xi32, #tpu.memory_space<hbm>> -> memref<80xi32, #tpu.memory_space<hbm>>
      %dma_wait3A_597 = arith.constant 0 : i32
      %dma_wait3A_598 = tpu.memref_slice %arg2[%dma_wait3A_597] : memref<640000xi32, #tpu.memory_space<hbm>> -> memref<80xi32, #tpu.memory_space<hbm>>
      tpu.wait_dma2 semaphore(%arg25 : memref<!tpu.dma_semaphore, #tpu.memory_space<semaphore_mem>>) src(%dma_wait3A_598 : memref<80xi32, #tpu.memory_space<hbm>>) dst(%arg8 : memref<80xi32, #tpu.memory_space<vmem>>)
      %dma_wait3A_599 = arith.constant 0 : i32
      %dma_wait3A_600 = tpu.memref_slice %arg3[%dma_wait3A_599] : memref<640000xi32, #tpu.memory_space<hbm>> -> memref<80xi32, #tpu.memory_space<hbm>>
      %dma_wait3A_601 = arith.constant 0 : i32
      %dma_wait3A_602 = tpu.memref_slice %arg3[%dma_wait3A_601] : memref<640000xi32, #tpu.memory_space<hbm>> -> memref<80xi32, #tpu.memory_space<hbm>>
      tpu.wait_dma2 semaphore(%arg25 : memref<!tpu.dma_semaphore, #tpu.memory_space<semaphore_mem>>) src(%dma_wait3A_602 : memref<80xi32, #tpu.memory_space<hbm>>) dst(%arg12 : memref<80xi32, #tpu.memory_space<vmem>>)
      %dma_start3A_603 = arith.constant 0 : i32
      %dma_start3A_604 = arith.constant 0 : i32
      %dma_start3A_605 = tpu.memref_slice %arg4[%dma_start3A_603, %dma_start3A_604] : memref<10000x128xf32, #tpu.memory_space<hbm>> -> memref<10000x128xf32, #tpu.memory_space<hbm>>
      tpu.enqueue_indirect_dma source(%dma_start3A_605 : memref<10000x128xf32, #tpu.memory_space<hbm>>) target(%arg16 : memref<80x128xf32, #tpu.memory_space<vmem>>) offsets(%arg8 : memref<80xi32, #tpu.memory_space<vmem>>) semaphore(%arg29 : memref<!tpu.dma_semaphore, #tpu.memory_space<semaphore_mem>>)
      %dma_start3A_606 = arith.constant 0 : i32
      %dma_start3A_607 = arith.constant 0 : i32
      %dma_start3A_608 = tpu.memref_slice %arg5[%dma_start3A_606, %dma_start3A_607] : memref<10000x128xf32, #tpu.memory_space<hbm>> -> memref<10000x128xf32, #tpu.memory_space<hbm>>
      tpu.enqueue_indirect_dma source(%dma_start3A_608 : memref<10000x128xf32, #tpu.memory_space<hbm>>) target(%arg20 : memref<80x128xf32, #tpu.memory_space<vmem>>) offsets(%arg12 : memref<80xi32, #tpu.memory_space<vmem>>) semaphore(%arg33 : memref<!tpu.dma_semaphore, #tpu.memory_space<semaphore_mem>>)
      %mul3A_609 = arith.constant 32 : i32
      %mul3A_610 = arith.muli %add3A_575, %mul3A_609 : i32
      %add3A_611 = arith.addi %add3A, %mul3A_610 : i32
      %lt3A_612 = arith.constant 8000 : i32
      %lt3A_613 = arith.cmpi slt, %add3A_611, %lt3A_612 : i32
      %convert_element_type3A_614 = arith.extui %lt3A_613 : i1 to i32
      %lt3A_615 = arith.constant 4000 : i32
      %lt3A_616 = arith.cmpi slt, %add3A_611, %lt3A_615 : i32
      %convert_element_type3A_617 = arith.extui %lt3A_616 : i1 to i32
      %mul3A_618 = arith.muli %convert_element_type3A_614, %convert_element_type3A_617 : i32
      %broadcast_in_dim3A_619 = vector.broadcast %mul3A_618 : i32 to vector<16xi32>
      %sub3A_620 = arith.constant 1 : i32
      %sub3A_621 = arith.subi %sub3A_620, %convert_element_type3A_617 : i32
      %mul3A_622 = arith.muli %convert_element_type3A_614, %sub3A_621 : i32
      %broadcast_in_dim3A_623 = vector.broadcast %mul3A_622 : i32 to vector<16xi32>
      %broadcast_in_dim3A_624 = arith.constant 0.000000e+00 : f32
      %broadcast_in_dim3A_625 = vector.broadcast %broadcast_in_dim3A_624 : f32 to vector<16xf32>
      %while3A_626 = arith.constant 0 : i32
      %while3A_627 = arith.constant 128 : i32
      %while3A_628 = arith.subi %while3A_627, %while3A_626 : i32
      %while3A_629 = arith.addi %while3A_626, %while3A_628 : i32
      %while3A_630 = arith.constant 1 : i32
      %while3A_631 = arith.divsi %while3A_628, %while3A_630 : i32
      %while3A_632 = arith.muli %while3A_631, %while3A_630 : i32
      %while3A_633 = arith.addi %while3A_626, %while3A_632 : i32
      %while3A_634 = arith.constant 1 : i32
      %while3A_635:5 = scf.for %while3A_822 = %while3A_626 to %while3A_633 step %while3A_634 iter_args(%while3A_823 = %broadcast_in_dim3A_625, %while3A_824 = %broadcast_in_dim3A_625, %while3A_825 = %broadcast_in_dim3A_625, %while3A_826 = %broadcast_in_dim3A_625, %while3A_827 = %broadcast_in_dim3A_625) -> (vector<16xf32>, vector<16xf32>, vector<16xf32>, vector<16xf32>, vector<16xf32>)  : i32 {
        %add3A_828 = vector.broadcast %while3A_822 : i32 to vector<16xi32>
        %add3A_829 = arith.addi %iota3A, %add3A_828 : vector<16xi32>
        %and3A = arith.constant 127 : i32
        %and3A_830 = vector.broadcast %and3A : i32 to vector<16xi32>
        %and3A_831 = arith.andi %add3A_829, %and3A_830 : vector<16xi32>
        %gather3A = tpu.vector_load_idx %arg17[%add3A_3, %and3A_831] : memref<80x128xf32, #tpu.memory_space<vmem>>[vector<16xi32>, vector<16xi32>], vector<16xf32>,
        %gather3A_832 = tpu.vector_load_idx %arg21[%add3A_3, %and3A_831] : memref<80x128xf32, #tpu.memory_space<vmem>>[vector<16xi32>, vector<16xi32>], vector<16xf32>,
        %sub3A_833 = arith.subf %gather3A, %gather3A_832 : vector<16xf32>
        %mul3A_834 = arith.mulf %sub3A_833, %sub3A_833 : vector<16xf32>
        %add3A_835 = arith.addf %while3A_823, %mul3A_834 : vector<16xf32>
        %gather3A_836 = tpu.vector_load_idx %arg17[%add3A_6, %and3A_831] : memref<80x128xf32, #tpu.memory_space<vmem>>[vector<16xi32>, vector<16xi32>], vector<16xf32>,
        %gather3A_837 = tpu.vector_load_idx %arg21[%add3A_6, %and3A_831] : memref<80x128xf32, #tpu.memory_space<vmem>>[vector<16xi32>, vector<16xi32>], vector<16xf32>,
        %sub3A_838 = arith.subf %gather3A_836, %gather3A_837 : vector<16xf32>
        %mul3A_839 = arith.mulf %sub3A_838, %sub3A_838 : vector<16xf32>
        %add3A_840 = arith.addf %while3A_824, %mul3A_839 : vector<16xf32>
        %gather3A_841 = tpu.vector_load_idx %arg17[%add3A_9, %and3A_831] : memref<80x128xf32, #tpu.memory_space<vmem>>[vector<16xi32>, vector<16xi32>], vector<16xf32>,
        %gather3A_842 = tpu.vector_load_idx %arg21[%add3A_9, %and3A_831] : memref<80x128xf32, #tpu.memory_space<vmem>>[vector<16xi32>, vector<16xi32>], vector<16xf32>,
        %sub3A_843 = arith.subf %gather3A_841, %gather3A_842 : vector<16xf32>
        %mul3A_844 = arith.mulf %sub3A_843, %sub3A_843 : vector<16xf32>
        %add3A_845 = arith.addf %while3A_825, %mul3A_844 : vector<16xf32>
        %gather3A_846 = tpu.vector_load_idx %arg17[%add3A_12, %and3A_831] : memref<80x128xf32, #tpu.memory_space<vmem>>[vector<16xi32>, vector<16xi32>], vector<16xf32>,
        %gather3A_847 = tpu.vector_load_idx %arg21[%add3A_12, %and3A_831] : memref<80x128xf32, #tpu.memory_space<vmem>>[vector<16xi32>, vector<16xi32>], vector<16xf32>,
        %sub3A_848 = arith.subf %gather3A_846, %gather3A_847 : vector<16xf32>
        %mul3A_849 = arith.mulf %sub3A_848, %sub3A_848 : vector<16xf32>
        %add3A_850 = arith.addf %while3A_826, %mul3A_849 : vector<16xf32>
        %gather3A_851 = tpu.vector_load_idx %arg17[%add3A_15, %and3A_831] : memref<80x128xf32, #tpu.memory_space<vmem>>[vector<16xi32>, vector<16xi32>], vector<16xf32>,
        %gather3A_852 = tpu.vector_load_idx %arg21[%add3A_15, %and3A_831] : memref<80x128xf32, #tpu.memory_space<vmem>>[vector<16xi32>, vector<16xi32>], vector<16xf32>,
        %sub3A_853 = arith.subf %gather3A_851, %gather3A_852 : vector<16xf32>
        %mul3A_854 = arith.mulf %sub3A_853, %sub3A_853 : vector<16xf32>
        %add3A_855 = arith.addf %while3A_827, %mul3A_854 : vector<16xf32>
        scf.yield %add3A_835, %add3A_840, %add3A_845, %add3A_850, %add3A_855 : vector<16xf32>, vector<16xf32>, vector<16xf32>, vector<16xf32>, vector<16xf32>
      }
      %while3A_636 = arith.constant 1 : i32
      %while3A_637:5 = scf.for %while3A_822 = %while3A_633 to %while3A_629 step %while3A_636 iter_args(%while3A_823 = %while3A_635#0, %while3A_824 = %while3A_635#1, %while3A_825 = %while3A_635#2, %while3A_826 = %while3A_635#3, %while3A_827 = %while3A_635#4) -> (vector<16xf32>, vector<16xf32>, vector<16xf32>, vector<16xf32>, vector<16xf32>)  : i32 {
        %add3A_828 = vector.broadcast %while3A_822 : i32 to vector<16xi32>
        %add3A_829 = arith.addi %iota3A, %add3A_828 : vector<16xi32>
        %and3A = arith.constant 127 : i32
        %and3A_830 = vector.broadcast %and3A : i32 to vector<16xi32>
        %and3A_831 = arith.andi %add3A_829, %and3A_830 : vector<16xi32>
        %gather3A = tpu.vector_load_idx %arg17[%add3A_3, %and3A_831] : memref<80x128xf32, #tpu.memory_space<vmem>>[vector<16xi32>, vector<16xi32>], vector<16xf32>,
        %gather3A_832 = tpu.vector_load_idx %arg21[%add3A_3, %and3A_831] : memref<80x128xf32, #tpu.memory_space<vmem>>[vector<16xi32>, vector<16xi32>], vector<16xf32>,
        %sub3A_833 = arith.subf %gather3A, %gather3A_832 : vector<16xf32>
        %mul3A_834 = arith.mulf %sub3A_833, %sub3A_833 : vector<16xf32>
        %add3A_835 = arith.addf %while3A_823, %mul3A_834 : vector<16xf32>
        %gather3A_836 = tpu.vector_load_idx %arg17[%add3A_6, %and3A_831] : memref<80x128xf32, #tpu.memory_space<vmem>>[vector<16xi32>, vector<16xi32>], vector<16xf32>,
        %gather3A_837 = tpu.vector_load_idx %arg21[%add3A_6, %and3A_831] : memref<80x128xf32, #tpu.memory_space<vmem>>[vector<16xi32>, vector<16xi32>], vector<16xf32>,
        %sub3A_838 = arith.subf %gather3A_836, %gather3A_837 : vector<16xf32>
        %mul3A_839 = arith.mulf %sub3A_838, %sub3A_838 : vector<16xf32>
        %add3A_840 = arith.addf %while3A_824, %mul3A_839 : vector<16xf32>
        %gather3A_841 = tpu.vector_load_idx %arg17[%add3A_9, %and3A_831] : memref<80x128xf32, #tpu.memory_space<vmem>>[vector<16xi32>, vector<16xi32>], vector<16xf32>,
        %gather3A_842 = tpu.vector_load_idx %arg21[%add3A_9, %and3A_831] : memref<80x128xf32, #tpu.memory_space<vmem>>[vector<16xi32>, vector<16xi32>], vector<16xf32>,
        %sub3A_843 = arith.subf %gather3A_841, %gather3A_842 : vector<16xf32>
        %mul3A_844 = arith.mulf %sub3A_843, %sub3A_843 : vector<16xf32>
        %add3A_845 = arith.addf %while3A_825, %mul3A_844 : vector<16xf32>
        %gather3A_846 = tpu.vector_load_idx %arg17[%add3A_12, %and3A_831] : memref<80x128xf32, #tpu.memory_space<vmem>>[vector<16xi32>, vector<16xi32>], vector<16xf32>,
        %gather3A_847 = tpu.vector_load_idx %arg21[%add3A_12, %and3A_831] : memref<80x128xf32, #tpu.memory_space<vmem>>[vector<16xi32>, vector<16xi32>], vector<16xf32>,
        %sub3A_848 = arith.subf %gather3A_846, %gather3A_847 : vector<16xf32>
        %mul3A_849 = arith.mulf %sub3A_848, %sub3A_848 : vector<16xf32>
        %add3A_850 = arith.addf %while3A_826, %mul3A_849 : vector<16xf32>
        %gather3A_851 = tpu.vector_load_idx %arg17[%add3A_15, %and3A_831] : memref<80x128xf32, #tpu.memory_space<vmem>>[vector<16xi32>, vector<16xi32>], vector<16xf32>,
        %gather3A_852 = tpu.vector_load_idx %arg21[%add3A_15, %and3A_831] : memref<80x128xf32, #tpu.memory_space<vmem>>[vector<16xi32>, vector<16xi32>], vector<16xf32>,
        %sub3A_853 = arith.subf %gather3A_851, %gather3A_852 : vector<16xf32>
        %mul3A_854 = arith.mulf %sub3A_853, %sub3A_853 : vector<16xf32>
        %add3A_855 = arith.addf %while3A_827, %mul3A_854 : vector<16xf32>
        scf.yield %add3A_835, %add3A_840, %add3A_845, %add3A_850, %add3A_855 : vector<16xf32>, vector<16xf32>, vector<16xf32>, vector<16xf32>, vector<16xf32>
      }
      %gt3A_638 = arith.constant 2.500000e+00 : f32
      %gt3A_639 = vector.broadcast %gt3A_638 : f32 to vector<16xf32>
      %gt3A_640 = arith.cmpf ogt, %while3A_637#0, %gt3A_639 : vector<16xf32>
      %convert_element_type3A_641 = arith.extui %gt3A_640 : vector<16xi1> to vector<16xi32>
      %mul3A_642 = arith.muli %convert_element_type3A_641, %broadcast_in_dim3A_619 : vector<16xi32>
      %add3A_643 = arith.addi %add3A_567, %mul3A_642 : vector<16xi32>
      %lt3A_644 = arith.constant 2.500000e+00 : f32
      %lt3A_645 = vector.broadcast %lt3A_644 : f32 to vector<16xf32>
      %lt3A_646 = arith.cmpf olt, %while3A_637#0, %lt3A_645 : vector<16xf32>
      %convert_element_type3A_647 = arith.extui %lt3A_646 : vector<16xi1> to vector<16xi32>
      %mul3A_648 = arith.muli %convert_element_type3A_647, %broadcast_in_dim3A_623 : vector<16xi32>
      %add3A_649 = arith.addi %add3A_573, %mul3A_648 : vector<16xi32>
      %gt3A_650 = arith.constant 2.500000e+00 : f32
      %gt3A_651 = vector.broadcast %gt3A_650 : f32 to vector<16xf32>
      %gt3A_652 = arith.cmpf ogt, %while3A_637#1, %gt3A_651 : vector<16xf32>
      %convert_element_type3A_653 = arith.extui %gt3A_652 : vector<16xi1> to vector<16xi32>
      %mul3A_654 = arith.muli %convert_element_type3A_653, %broadcast_in_dim3A_619 : vector<16xi32>
      %add3A_655 = arith.addi %add3A_643, %mul3A_654 : vector<16xi32>
      %lt3A_656 = arith.constant 2.500000e+00 : f32
      %lt3A_657 = vector.broadcast %lt3A_656 : f32 to vector<16xf32>
      %lt3A_658 = arith.cmpf olt, %while3A_637#1, %lt3A_657 : vector<16xf32>
      %convert_element_type3A_659 = arith.extui %lt3A_658 : vector<16xi1> to vector<16xi32>
      %mul3A_660 = arith.muli %convert_element_type3A_659, %broadcast_in_dim3A_623 : vector<16xi32>
      %add3A_661 = arith.addi %add3A_649, %mul3A_660 : vector<16xi32>
      %gt3A_662 = arith.constant 2.500000e+00 : f32
      %gt3A_663 = vector.broadcast %gt3A_662 : f32 to vector<16xf32>
      %gt3A_664 = arith.cmpf ogt, %while3A_637#2, %gt3A_663 : vector<16xf32>
      %convert_element_type3A_665 = arith.extui %gt3A_664 : vector<16xi1> to vector<16xi32>
      %mul3A_666 = arith.muli %convert_element_type3A_665, %broadcast_in_dim3A_619 : vector<16xi32>
      %add3A_667 = arith.addi %add3A_655, %mul3A_666 : vector<16xi32>
      %lt3A_668 = arith.constant 2.500000e+00 : f32
      %lt3A_669 = vector.broadcast %lt3A_668 : f32 to vector<16xf32>
      %lt3A_670 = arith.cmpf olt, %while3A_637#2, %lt3A_669 : vector<16xf32>
      %convert_element_type3A_671 = arith.extui %lt3A_670 : vector<16xi1> to vector<16xi32>
      %mul3A_672 = arith.muli %convert_element_type3A_671, %broadcast_in_dim3A_623 : vector<16xi32>
      %add3A_673 = arith.addi %add3A_661, %mul3A_672 : vector<16xi32>
      %gt3A_674 = arith.constant 2.500000e+00 : f32
      %gt3A_675 = vector.broadcast %gt3A_674 : f32 to vector<16xf32>
      %gt3A_676 = arith.cmpf ogt, %while3A_637#3, %gt3A_675 : vector<16xf32>
      %convert_element_type3A_677 = arith.extui %gt3A_676 : vector<16xi1> to vector<16xi32>
      %mul3A_678 = arith.muli %convert_element_type3A_677, %broadcast_in_dim3A_619 : vector<16xi32>
      %add3A_679 = arith.addi %add3A_667, %mul3A_678 : vector<16xi32>
      %lt3A_680 = arith.constant 2.500000e+00 : f32
      %lt3A_681 = vector.broadcast %lt3A_680 : f32 to vector<16xf32>
      %lt3A_682 = arith.cmpf olt, %while3A_637#3, %lt3A_681 : vector<16xf32>
      %convert_element_type3A_683 = arith.extui %lt3A_682 : vector<16xi1> to vector<16xi32>
      %mul3A_684 = arith.muli %convert_element_type3A_683, %broadcast_in_dim3A_623 : vector<16xi32>
      %add3A_685 = arith.addi %add3A_673, %mul3A_684 : vector<16xi32>
      %gt3A_686 = arith.constant 2.500000e+00 : f32
      %gt3A_687 = vector.broadcast %gt3A_686 : f32 to vector<16xf32>
      %gt3A_688 = arith.cmpf ogt, %while3A_637#4, %gt3A_687 : vector<16xf32>
      %convert_element_type3A_689 = arith.extui %gt3A_688 : vector<16xi1> to vector<16xi32>
      %mul3A_690 = arith.muli %convert_element_type3A_689, %broadcast_in_dim3A_619 : vector<16xi32>
      %add3A_691 = arith.addi %add3A_679, %mul3A_690 : vector<16xi32>
      %lt3A_692 = arith.constant 2.500000e+00 : f32
      %lt3A_693 = vector.broadcast %lt3A_692 : f32 to vector<16xf32>
      %lt3A_694 = arith.cmpf olt, %while3A_637#4, %lt3A_693 : vector<16xf32>
      %convert_element_type3A_695 = arith.extui %lt3A_694 : vector<16xi1> to vector<16xi32>
      %mul3A_696 = arith.muli %convert_element_type3A_695, %broadcast_in_dim3A_623 : vector<16xi32>
      %add3A_697 = arith.addi %add3A_685, %mul3A_696 : vector<16xi32>
      %add3A_698 = arith.constant 3 : i32
      %add3A_699 = arith.addi %mul3A_325, %add3A_698 : i32
      %dma_wait3A_700 = arith.constant 0 : i32
      %dma_wait3A_701 = arith.constant 0 : i32
      %dma_wait3A_702 = tpu.memref_slice %arg4[%dma_wait3A_700, %dma_wait3A_701] : memref<10000x128xf32, #tpu.memory_space<hbm>> -> memref<10000x128xf32, #tpu.memory_space<hbm>>
      tpu.wait_indirect_dma semaphore(%arg31 : memref<!tpu.dma_semaphore, #tpu.memory_space<semaphore_mem>>) src(%dma_wait3A_702 : memref<10000x128xf32, #tpu.memory_space<hbm>>) dst(%arg18 : memref<80x128xf32, #tpu.memory_space<vmem>>)
      %dma_wait3A_703 = arith.constant 0 : i32
      %dma_wait3A_704 = arith.constant 0 : i32
      %dma_wait3A_705 = tpu.memref_slice %arg5[%dma_wait3A_703, %dma_wait3A_704] : memref<10000x128xf32, #tpu.memory_space<hbm>> -> memref<10000x128xf32, #tpu.memory_space<hbm>>
      tpu.wait_indirect_dma semaphore(%arg35 : memref<!tpu.dma_semaphore, #tpu.memory_space<semaphore_mem>>) src(%dma_wait3A_705 : memref<10000x128xf32, #tpu.memory_space<hbm>>) dst(%arg22 : memref<80x128xf32, #tpu.memory_space<vmem>>)
      %add3A_706 = arith.constant 4 : i32
      %add3A_707 = arith.addi %add3A_699, %add3A_706 : i32
      %mul3A_708 = arith.constant 32 : i32
      %mul3A_709 = arith.muli %add3A_707, %mul3A_708 : i32
      %add3A_710 = arith.addi %add3A, %mul3A_709 : i32
      %min3A_711 = arith.constant 7999 : i32
      %min3A_712 = arith.minsi %add3A_710, %min3A_711 : i32
      %mul3A_713 = arith.constant 80 : i32
      %mul3A_714 = arith.muli %min3A_712, %mul3A_713 : i32
      %dma_start3A_715 = tpu.memref_slice %arg2[%mul3A_714] : memref<640000xi32, #tpu.memory_space<hbm>> -> memref<80xi32, #tpu.memory_space<hbm>>
      %dma_start3A_716 = tpu.memref_slice %arg2[%mul3A_714] : memref<640000xi32, #tpu.memory_space<hbm>> -> memref<80xi32, #tpu.memory_space<hbm>>
      tpu.enqueue_dma source(%dma_start3A_716 : memref<80xi32, #tpu.memory_space<hbm>>) target(%arg10 : memref<80xi32, #tpu.memory_space<vmem>>) target_semaphore(%arg27 : memref<!tpu.dma_semaphore, #tpu.memory_space<semaphore_mem>>)
      %dma_start3A_717 = tpu.memref_slice %arg3[%mul3A_714] : memref<640000xi32, #tpu.memory_space<hbm>> -> memref<80xi32, #tpu.memory_space<hbm>>
      %dma_start3A_718 = tpu.memref_slice %arg3[%mul3A_714] : memref<640000xi32, #tpu.memory_space<hbm>> -> memref<80xi32, #tpu.memory_space<hbm>>
      tpu.enqueue_dma source(%dma_start3A_718 : memref<80xi32, #tpu.memory_space<hbm>>) target(%arg14 : memref<80xi32, #tpu.memory_space<vmem>>) target_semaphore(%arg27 : memref<!tpu.dma_semaphore, #tpu.memory_space<semaphore_mem>>)
      %dma_wait3A_719 = arith.constant 0 : i32
      %dma_wait3A_720 = tpu.memref_slice %arg2[%dma_wait3A_719] : memref<640000xi32, #tpu.memory_space<hbm>> -> memref<80xi32, #tpu.memory_space<hbm>>
      %dma_wait3A_721 = arith.constant 0 : i32
      %dma_wait3A_722 = tpu.memref_slice %arg2[%dma_wait3A_721] : memref<640000xi32, #tpu.memory_space<hbm>> -> memref<80xi32, #tpu.memory_space<hbm>>
      tpu.wait_dma2 semaphore(%arg26 : memref<!tpu.dma_semaphore, #tpu.memory_space<semaphore_mem>>) src(%dma_wait3A_722 : memref<80xi32, #tpu.memory_space<hbm>>) dst(%arg9 : memref<80xi32, #tpu.memory_space<vmem>>)
      %dma_wait3A_723 = arith.constant 0 : i32
      %dma_wait3A_724 = tpu.memref_slice %arg3[%dma_wait3A_723] : memref<640000xi32, #tpu.memory_space<hbm>> -> memref<80xi32, #tpu.memory_space<hbm>>
      %dma_wait3A_725 = arith.constant 0 : i32
      %dma_wait3A_726 = tpu.memref_slice %arg3[%dma_wait3A_725] : memref<640000xi32, #tpu.memory_space<hbm>> -> memref<80xi32, #tpu.memory_space<hbm>>
      tpu.wait_dma2 semaphore(%arg26 : memref<!tpu.dma_semaphore, #tpu.memory_space<semaphore_mem>>) src(%dma_wait3A_726 : memref<80xi32, #tpu.memory_space<hbm>>) dst(%arg13 : memref<80xi32, #tpu.memory_space<vmem>>)
      %dma_start3A_727 = arith.constant 0 : i32
      %dma_start3A_728 = arith.constant 0 : i32
      %dma_start3A_729 = tpu.memref_slice %arg4[%dma_start3A_727, %dma_start3A_728] : memref<10000x128xf32, #tpu.memory_space<hbm>> -> memref<10000x128xf32, #tpu.memory_space<hbm>>
      tpu.enqueue_indirect_dma source(%dma_start3A_729 : memref<10000x128xf32, #tpu.memory_space<hbm>>) target(%arg17 : memref<80x128xf32, #tpu.memory_space<vmem>>) offsets(%arg9 : memref<80xi32, #tpu.memory_space<vmem>>) semaphore(%arg30 : memref<!tpu.dma_semaphore, #tpu.memory_space<semaphore_mem>>)
      %dma_start3A_730 = arith.constant 0 : i32
      %dma_start3A_731 = arith.constant 0 : i32
      %dma_start3A_732 = tpu.memref_slice %arg5[%dma_start3A_730, %dma_start3A_731] : memref<10000x128xf32, #tpu.memory_space<hbm>> -> memref<10000x128xf32, #tpu.memory_space<hbm>>
      tpu.enqueue_indirect_dma source(%dma_start3A_732 : memref<10000x128xf32, #tpu.memory_space<hbm>>) target(%arg21 : memref<80x128xf32, #tpu.memory_space<vmem>>) offsets(%arg13 : memref<80xi32, #tpu.memory_space<vmem>>) semaphore(%arg34 : memref<!tpu.dma_semaphore, #tpu.memory_space<semaphore_mem>>)
      %mul3A_733 = arith.constant 32 : i32
      %mul3A_734 = arith.muli %add3A_699, %mul3A_733 : i32
      %add3A_735 = arith.addi %add3A, %mul3A_734 : i32
      %lt3A_736 = arith.constant 8000 : i32
      %lt3A_737 = arith.cmpi slt, %add3A_735, %lt3A_736 : i32
      %convert_element_type3A_738 = arith.extui %lt3A_737 : i1 to i32
      %lt3A_739 = arith.constant 4000 : i32
      %lt3A_740 = arith.cmpi slt, %add3A_735, %lt3A_739 : i32
      %convert_element_type3A_741 = arith.extui %lt3A_740 : i1 to i32
      %mul3A_742 = arith.muli %convert_element_type3A_738, %convert_element_type3A_741 : i32
      %broadcast_in_dim3A_743 = vector.broadcast %mul3A_742 : i32 to vector<16xi32>
      %sub3A_744 = arith.constant 1 : i32
      %sub3A_745 = arith.subi %sub3A_744, %convert_element_type3A_741 : i32
      %mul3A_746 = arith.muli %convert_element_type3A_738, %sub3A_745 : i32
      %broadcast_in_dim3A_747 = vector.broadcast %mul3A_746 : i32 to vector<16xi32>
      %broadcast_in_dim3A_748 = arith.constant 0.000000e+00 : f32
      %broadcast_in_dim3A_749 = vector.broadcast %broadcast_in_dim3A_748 : f32 to vector<16xf32>
      %while3A_750 = arith.constant 0 : i32
      %while3A_751 = arith.constant 128 : i32
      %while3A_752 = arith.subi %while3A_751, %while3A_750 : i32
      %while3A_753 = arith.addi %while3A_750, %while3A_752 : i32
      %while3A_754 = arith.constant 1 : i32
      %while3A_755 = arith.divsi %while3A_752, %while3A_754 : i32
      %while3A_756 = arith.muli %while3A_755, %while3A_754 : i32
      %while3A_757 = arith.addi %while3A_750, %while3A_756 : i32
      %while3A_758 = arith.constant 1 : i32
      %while3A_759:5 = scf.for %while3A_822 = %while3A_750 to %while3A_757 step %while3A_758 iter_args(%while3A_823 = %broadcast_in_dim3A_749, %while3A_824 = %broadcast_in_dim3A_749, %while3A_825 = %broadcast_in_dim3A_749, %while3A_826 = %broadcast_in_dim3A_749, %while3A_827 = %broadcast_in_dim3A_749) -> (vector<16xf32>, vector<16xf32>, vector<16xf32>, vector<16xf32>, vector<16xf32>)  : i32 {
        %add3A_828 = vector.broadcast %while3A_822 : i32 to vector<16xi32>
        %add3A_829 = arith.addi %iota3A, %add3A_828 : vector<16xi32>
        %and3A = arith.constant 127 : i32
        %and3A_830 = vector.broadcast %and3A : i32 to vector<16xi32>
        %and3A_831 = arith.andi %add3A_829, %and3A_830 : vector<16xi32>
        %gather3A = tpu.vector_load_idx %arg18[%add3A_3, %and3A_831] : memref<80x128xf32, #tpu.memory_space<vmem>>[vector<16xi32>, vector<16xi32>], vector<16xf32>,
        %gather3A_832 = tpu.vector_load_idx %arg22[%add3A_3, %and3A_831] : memref<80x128xf32, #tpu.memory_space<vmem>>[vector<16xi32>, vector<16xi32>], vector<16xf32>,
        %sub3A_833 = arith.subf %gather3A, %gather3A_832 : vector<16xf32>
        %mul3A_834 = arith.mulf %sub3A_833, %sub3A_833 : vector<16xf32>
        %add3A_835 = arith.addf %while3A_823, %mul3A_834 : vector<16xf32>
        %gather3A_836 = tpu.vector_load_idx %arg18[%add3A_6, %and3A_831] : memref<80x128xf32, #tpu.memory_space<vmem>>[vector<16xi32>, vector<16xi32>], vector<16xf32>,
        %gather3A_837 = tpu.vector_load_idx %arg22[%add3A_6, %and3A_831] : memref<80x128xf32, #tpu.memory_space<vmem>>[vector<16xi32>, vector<16xi32>], vector<16xf32>,
        %sub3A_838 = arith.subf %gather3A_836, %gather3A_837 : vector<16xf32>
        %mul3A_839 = arith.mulf %sub3A_838, %sub3A_838 : vector<16xf32>
        %add3A_840 = arith.addf %while3A_824, %mul3A_839 : vector<16xf32>
        %gather3A_841 = tpu.vector_load_idx %arg18[%add3A_9, %and3A_831] : memref<80x128xf32, #tpu.memory_space<vmem>>[vector<16xi32>, vector<16xi32>], vector<16xf32>,
        %gather3A_842 = tpu.vector_load_idx %arg22[%add3A_9, %and3A_831] : memref<80x128xf32, #tpu.memory_space<vmem>>[vector<16xi32>, vector<16xi32>], vector<16xf32>,
        %sub3A_843 = arith.subf %gather3A_841, %gather3A_842 : vector<16xf32>
        %mul3A_844 = arith.mulf %sub3A_843, %sub3A_843 : vector<16xf32>
        %add3A_845 = arith.addf %while3A_825, %mul3A_844 : vector<16xf32>
        %gather3A_846 = tpu.vector_load_idx %arg18[%add3A_12, %and3A_831] : memref<80x128xf32, #tpu.memory_space<vmem>>[vector<16xi32>, vector<16xi32>], vector<16xf32>,
        %gather3A_847 = tpu.vector_load_idx %arg22[%add3A_12, %and3A_831] : memref<80x128xf32, #tpu.memory_space<vmem>>[vector<16xi32>, vector<16xi32>], vector<16xf32>,
        %sub3A_848 = arith.subf %gather3A_846, %gather3A_847 : vector<16xf32>
        %mul3A_849 = arith.mulf %sub3A_848, %sub3A_848 : vector<16xf32>
        %add3A_850 = arith.addf %while3A_826, %mul3A_849 : vector<16xf32>
        %gather3A_851 = tpu.vector_load_idx %arg18[%add3A_15, %and3A_831] : memref<80x128xf32, #tpu.memory_space<vmem>>[vector<16xi32>, vector<16xi32>], vector<16xf32>,
        %gather3A_852 = tpu.vector_load_idx %arg22[%add3A_15, %and3A_831] : memref<80x128xf32, #tpu.memory_space<vmem>>[vector<16xi32>, vector<16xi32>], vector<16xf32>,
        %sub3A_853 = arith.subf %gather3A_851, %gather3A_852 : vector<16xf32>
        %mul3A_854 = arith.mulf %sub3A_853, %sub3A_853 : vector<16xf32>
        %add3A_855 = arith.addf %while3A_827, %mul3A_854 : vector<16xf32>
        scf.yield %add3A_835, %add3A_840, %add3A_845, %add3A_850, %add3A_855 : vector<16xf32>, vector<16xf32>, vector<16xf32>, vector<16xf32>, vector<16xf32>
      }
      %while3A_760 = arith.constant 1 : i32
      %while3A_761:5 = scf.for %while3A_822 = %while3A_757 to %while3A_753 step %while3A_760 iter_args(%while3A_823 = %while3A_759#0, %while3A_824 = %while3A_759#1, %while3A_825 = %while3A_759#2, %while3A_826 = %while3A_759#3, %while3A_827 = %while3A_759#4) -> (vector<16xf32>, vector<16xf32>, vector<16xf32>, vector<16xf32>, vector<16xf32>)  : i32 {
        %add3A_828 = vector.broadcast %while3A_822 : i32 to vector<16xi32>
        %add3A_829 = arith.addi %iota3A, %add3A_828 : vector<16xi32>
        %and3A = arith.constant 127 : i32
        %and3A_830 = vector.broadcast %and3A : i32 to vector<16xi32>
        %and3A_831 = arith.andi %add3A_829, %and3A_830 : vector<16xi32>
        %gather3A = tpu.vector_load_idx %arg18[%add3A_3, %and3A_831] : memref<80x128xf32, #tpu.memory_space<vmem>>[vector<16xi32>, vector<16xi32>], vector<16xf32>,
        %gather3A_832 = tpu.vector_load_idx %arg22[%add3A_3, %and3A_831] : memref<80x128xf32, #tpu.memory_space<vmem>>[vector<16xi32>, vector<16xi32>], vector<16xf32>,
        %sub3A_833 = arith.subf %gather3A, %gather3A_832 : vector<16xf32>
        %mul3A_834 = arith.mulf %sub3A_833, %sub3A_833 : vector<16xf32>
        %add3A_835 = arith.addf %while3A_823, %mul3A_834 : vector<16xf32>
        %gather3A_836 = tpu.vector_load_idx %arg18[%add3A_6, %and3A_831] : memref<80x128xf32, #tpu.memory_space<vmem>>[vector<16xi32>, vector<16xi32>], vector<16xf32>,
        %gather3A_837 = tpu.vector_load_idx %arg22[%add3A_6, %and3A_831] : memref<80x128xf32, #tpu.memory_space<vmem>>[vector<16xi32>, vector<16xi32>], vector<16xf32>,
        %sub3A_838 = arith.subf %gather3A_836, %gather3A_837 : vector<16xf32>
        %mul3A_839 = arith.mulf %sub3A_838, %sub3A_838 : vector<16xf32>
        %add3A_840 = arith.addf %while3A_824, %mul3A_839 : vector<16xf32>
        %gather3A_841 = tpu.vector_load_idx %arg18[%add3A_9, %and3A_831] : memref<80x128xf32, #tpu.memory_space<vmem>>[vector<16xi32>, vector<16xi32>], vector<16xf32>,
        %gather3A_842 = tpu.vector_load_idx %arg22[%add3A_9, %and3A_831] : memref<80x128xf32, #tpu.memory_space<vmem>>[vector<16xi32>, vector<16xi32>], vector<16xf32>,
        %sub3A_843 = arith.subf %gather3A_841, %gather3A_842 : vector<16xf32>
        %mul3A_844 = arith.mulf %sub3A_843, %sub3A_843 : vector<16xf32>
        %add3A_845 = arith.addf %while3A_825, %mul3A_844 : vector<16xf32>
        %gather3A_846 = tpu.vector_load_idx %arg18[%add3A_12, %and3A_831] : memref<80x128xf32, #tpu.memory_space<vmem>>[vector<16xi32>, vector<16xi32>], vector<16xf32>,
        %gather3A_847 = tpu.vector_load_idx %arg22[%add3A_12, %and3A_831] : memref<80x128xf32, #tpu.memory_space<vmem>>[vector<16xi32>, vector<16xi32>], vector<16xf32>,
        %sub3A_848 = arith.subf %gather3A_846, %gather3A_847 : vector<16xf32>
        %mul3A_849 = arith.mulf %sub3A_848, %sub3A_848 : vector<16xf32>
        %add3A_850 = arith.addf %while3A_826, %mul3A_849 : vector<16xf32>
        %gather3A_851 = tpu.vector_load_idx %arg18[%add3A_15, %and3A_831] : memref<80x128xf32, #tpu.memory_space<vmem>>[vector<16xi32>, vector<16xi32>], vector<16xf32>,
        %gather3A_852 = tpu.vector_load_idx %arg22[%add3A_15, %and3A_831] : memref<80x128xf32, #tpu.memory_space<vmem>>[vector<16xi32>, vector<16xi32>], vector<16xf32>,
        %sub3A_853 = arith.subf %gather3A_851, %gather3A_852 : vector<16xf32>
        %mul3A_854 = arith.mulf %sub3A_853, %sub3A_853 : vector<16xf32>
        %add3A_855 = arith.addf %while3A_827, %mul3A_854 : vector<16xf32>
        scf.yield %add3A_835, %add3A_840, %add3A_845, %add3A_850, %add3A_855 : vector<16xf32>, vector<16xf32>, vector<16xf32>, vector<16xf32>, vector<16xf32>
      }
      %gt3A_762 = arith.constant 2.500000e+00 : f32
      %gt3A_763 = vector.broadcast %gt3A_762 : f32 to vector<16xf32>
      %gt3A_764 = arith.cmpf ogt, %while3A_761#0, %gt3A_763 : vector<16xf32>
      %convert_element_type3A_765 = arith.extui %gt3A_764 : vector<16xi1> to vector<16xi32>
      %mul3A_766 = arith.muli %convert_element_type3A_765, %broadcast_in_dim3A_743 : vector<16xi32>
      %add3A_767 = arith.addi %add3A_691, %mul3A_766 : vector<16xi32>
      %lt3A_768 = arith.constant 2.500000e+00 : f32
      %lt3A_769 = vector.broadcast %lt3A_768 : f32 to vector<16xf32>
      %lt3A_770 = arith.cmpf olt, %while3A_761#0, %lt3A_769 : vector<16xf32>
      %convert_element_type3A_771 = arith.extui %lt3A_770 : vector<16xi1> to vector<16xi32>
      %mul3A_772 = arith.muli %convert_element_type3A_771, %broadcast_in_dim3A_747 : vector<16xi32>
      %add3A_773 = arith.addi %add3A_697, %mul3A_772 : vector<16xi32>
      %gt3A_774 = arith.constant 2.500000e+00 : f32
      %gt3A_775 = vector.broadcast %gt3A_774 : f32 to vector<16xf32>
      %gt3A_776 = arith.cmpf ogt, %while3A_761#1, %gt3A_775 : vector<16xf32>
      %convert_element_type3A_777 = arith.extui %gt3A_776 : vector<16xi1> to vector<16xi32>
      %mul3A_778 = arith.muli %convert_element_type3A_777, %broadcast_in_dim3A_743 : vector<16xi32>
      %add3A_779 = arith.addi %add3A_767, %mul3A_778 : vector<16xi32>
      %lt3A_780 = arith.constant 2.500000e+00 : f32
      %lt3A_781 = vector.broadcast %lt3A_780 : f32 to vector<16xf32>
      %lt3A_782 = arith.cmpf olt, %while3A_761#1, %lt3A_781 : vector<16xf32>
      %convert_element_type3A_783 = arith.extui %lt3A_782 : vector<16xi1> to vector<16xi32>
      %mul3A_784 = arith.muli %convert_element_type3A_783, %broadcast_in_dim3A_747 : vector<16xi32>
      %add3A_785 = arith.addi %add3A_773, %mul3A_784 : vector<16xi32>
      %gt3A_786 = arith.constant 2.500000e+00 : f32
      %gt3A_787 = vector.broadcast %gt3A_786 : f32 to vector<16xf32>
      %gt3A_788 = arith.cmpf ogt, %while3A_761#2, %gt3A_787 : vector<16xf32>
      %convert_element_type3A_789 = arith.extui %gt3A_788 : vector<16xi1> to vector<16xi32>
      %mul3A_790 = arith.muli %convert_element_type3A_789, %broadcast_in_dim3A_743 : vector<16xi32>
      %add3A_791 = arith.addi %add3A_779, %mul3A_790 : vector<16xi32>
      %lt3A_792 = arith.constant 2.500000e+00 : f32
      %lt3A_793 = vector.broadcast %lt3A_792 : f32 to vector<16xf32>
      %lt3A_794 = arith.cmpf olt, %while3A_761#2, %lt3A_793 : vector<16xf32>
      %convert_element_type3A_795 = arith.extui %lt3A_794 : vector<16xi1> to vector<16xi32>
      %mul3A_796 = arith.muli %convert_element_type3A_795, %broadcast_in_dim3A_747 : vector<16xi32>
      %add3A_797 = arith.addi %add3A_785, %mul3A_796 : vector<16xi32>
      %gt3A_798 = arith.constant 2.500000e+00 : f32
      %gt3A_799 = vector.broadcast %gt3A_798 : f32 to vector<16xf32>
      %gt3A_800 = arith.cmpf ogt, %while3A_761#3, %gt3A_799 : vector<16xf32>
      %convert_element_type3A_801 = arith.extui %gt3A_800 : vector<16xi1> to vector<16xi32>
      %mul3A_802 = arith.muli %convert_element_type3A_801, %broadcast_in_dim3A_743 : vector<16xi32>
      %add3A_803 = arith.addi %add3A_791, %mul3A_802 : vector<16xi32>
      %lt3A_804 = arith.constant 2.500000e+00 : f32
      %lt3A_805 = vector.broadcast %lt3A_804 : f32 to vector<16xf32>
      %lt3A_806 = arith.cmpf olt, %while3A_761#3, %lt3A_805 : vector<16xf32>
      %convert_element_type3A_807 = arith.extui %lt3A_806 : vector<16xi1> to vector<16xi32>
      %mul3A_808 = arith.muli %convert_element_type3A_807, %broadcast_in_dim3A_747 : vector<16xi32>
      %add3A_809 = arith.addi %add3A_797, %mul3A_808 : vector<16xi32>
      %gt3A_810 = arith.constant 2.500000e+00 : f32
      %gt3A_811 = vector.broadcast %gt3A_810 : f32 to vector<16xf32>
      %gt3A_812 = arith.cmpf ogt, %while3A_761#4, %gt3A_811 : vector<16xf32>
      %convert_element_type3A_813 = arith.extui %gt3A_812 : vector<16xi1> to vector<16xi32>
      %mul3A_814 = arith.muli %convert_element_type3A_813, %broadcast_in_dim3A_743 : vector<16xi32>
      %add3A_815 = arith.addi %add3A_803, %mul3A_814 : vector<16xi32>
      %lt3A_816 = arith.constant 2.500000e+00 : f32
      %lt3A_817 = vector.broadcast %lt3A_816 : f32 to vector<16xf32>
      %lt3A_818 = arith.cmpf olt, %while3A_761#4, %lt3A_817 : vector<16xf32>
      %convert_element_type3A_819 = arith.extui %lt3A_818 : vector<16xi1> to vector<16xi32>
      %mul3A_820 = arith.muli %convert_element_type3A_819, %broadcast_in_dim3A_747 : vector<16xi32>
      %add3A_821 = arith.addi %add3A_809, %mul3A_820 : vector<16xi32>
      scf.yield %add3A_815, %add3A_821 : vector<16xi32>, vector<16xi32>
    }
    %dma_wait3A_115 = arith.constant 0 : i32
    %dma_wait3A_116 = arith.constant 0 : i32
    %dma_wait3A_117 = tpu.memref_slice %arg4[%dma_wait3A_115, %dma_wait3A_116] : memref<10000x128xf32, #tpu.memory_space<hbm>> -> memref<10000x128xf32, #tpu.memory_space<hbm>>
    tpu.wait_indirect_dma semaphore(%arg28 : memref<!tpu.dma_semaphore, #tpu.memory_space<semaphore_mem>>) src(%dma_wait3A_117 : memref<10000x128xf32, #tpu.memory_space<hbm>>) dst(%arg15 : memref<80x128xf32, #tpu.memory_space<vmem>>)
    %dma_wait3A_118 = arith.constant 0 : i32
    %dma_wait3A_119 = arith.constant 0 : i32
    %dma_wait3A_120 = tpu.memref_slice %arg5[%dma_wait3A_118, %dma_wait3A_119] : memref<10000x128xf32, #tpu.memory_space<hbm>> -> memref<10000x128xf32, #tpu.memory_space<hbm>>
    tpu.wait_indirect_dma semaphore(%arg32 : memref<!tpu.dma_semaphore, #tpu.memory_space<semaphore_mem>>) src(%dma_wait3A_120 : memref<10000x128xf32, #tpu.memory_space<hbm>>) dst(%arg19 : memref<80x128xf32, #tpu.memory_space<vmem>>)
    %mul3A_121 = arith.constant 248 : i32
    %mul3A_122 = arith.constant 32 : i32
    %mul3A_123 = arith.muli %mul3A_121, %mul3A_122 : i32
    %add3A_124 = arith.addi %add3A, %mul3A_123 : i32
    %lt3A = arith.constant 8000 : i32
    %lt3A_125 = arith.cmpi slt, %add3A_124, %lt3A : i32
    %convert_element_type3A = arith.extui %lt3A_125 : i1 to i32
    %lt3A_126 = arith.constant 4000 : i32
    %lt3A_127 = arith.cmpi slt, %add3A_124, %lt3A_126 : i32
    %convert_element_type3A_128 = arith.extui %lt3A_127 : i1 to i32
    %mul3A_129 = arith.muli %convert_element_type3A, %convert_element_type3A_128 : i32
    %broadcast_in_dim3A_130 = vector.broadcast %mul3A_129 : i32 to vector<16xi32>
    %sub3A = arith.constant 1 : i32
    %sub3A_131 = arith.subi %sub3A, %convert_element_type3A_128 : i32
    %mul3A_132 = arith.muli %convert_element_type3A, %sub3A_131 : i32
    %broadcast_in_dim3A_133 = vector.broadcast %mul3A_132 : i32 to vector<16xi32>
    %broadcast_in_dim3A_134 = arith.constant 0.000000e+00 : f32
    %broadcast_in_dim3A_135 = vector.broadcast %broadcast_in_dim3A_134 : f32 to vector<16xf32>
    %while3A_136 = arith.constant 0 : i32
    %while3A_137 = arith.constant 128 : i32
    %while3A_138 = arith.subi %while3A_137, %while3A_136 : i32
    %while3A_139 = arith.addi %while3A_136, %while3A_138 : i32
    %while3A_140 = arith.constant 1 : i32
    %while3A_141 = arith.divsi %while3A_138, %while3A_140 : i32
    %while3A_142 = arith.muli %while3A_141, %while3A_140 : i32
    %while3A_143 = arith.addi %while3A_136, %while3A_142 : i32
    %while3A_144 = arith.constant 1 : i32
    %while3A_145:5 = scf.for %while3A_321 = %while3A_136 to %while3A_143 step %while3A_144 iter_args(%while3A_322 = %broadcast_in_dim3A_135, %while3A_323 = %broadcast_in_dim3A_135, %while3A_324 = %broadcast_in_dim3A_135, %while3A_325 = %broadcast_in_dim3A_135, %while3A_326 = %broadcast_in_dim3A_135) -> (vector<16xf32>, vector<16xf32>, vector<16xf32>, vector<16xf32>, vector<16xf32>)  : i32 {
      %add3A_327 = vector.broadcast %while3A_321 : i32 to vector<16xi32>
      %add3A_328 = arith.addi %iota3A, %add3A_327 : vector<16xi32>
      %and3A = arith.constant 127 : i32
      %and3A_329 = vector.broadcast %and3A : i32 to vector<16xi32>
      %and3A_330 = arith.andi %add3A_328, %and3A_329 : vector<16xi32>
      %gather3A = tpu.vector_load_idx %arg15[%add3A_3, %and3A_330] : memref<80x128xf32, #tpu.memory_space<vmem>>[vector<16xi32>, vector<16xi32>], vector<16xf32>,
      %gather3A_331 = tpu.vector_load_idx %arg19[%add3A_3, %and3A_330] : memref<80x128xf32, #tpu.memory_space<vmem>>[vector<16xi32>, vector<16xi32>], vector<16xf32>,
      %sub3A_332 = arith.subf %gather3A, %gather3A_331 : vector<16xf32>
      %mul3A_333 = arith.mulf %sub3A_332, %sub3A_332 : vector<16xf32>
      %add3A_334 = arith.addf %while3A_322, %mul3A_333 : vector<16xf32>
      %gather3A_335 = tpu.vector_load_idx %arg15[%add3A_6, %and3A_330] : memref<80x128xf32, #tpu.memory_space<vmem>>[vector<16xi32>, vector<16xi32>], vector<16xf32>,
      %gather3A_336 = tpu.vector_load_idx %arg19[%add3A_6, %and3A_330] : memref<80x128xf32, #tpu.memory_space<vmem>>[vector<16xi32>, vector<16xi32>], vector<16xf32>,
      %sub3A_337 = arith.subf %gather3A_335, %gather3A_336 : vector<16xf32>
      %mul3A_338 = arith.mulf %sub3A_337, %sub3A_337 : vector<16xf32>
      %add3A_339 = arith.addf %while3A_323, %mul3A_338 : vector<16xf32>
      %gather3A_340 = tpu.vector_load_idx %arg15[%add3A_9, %and3A_330] : memref<80x128xf32, #tpu.memory_space<vmem>>[vector<16xi32>, vector<16xi32>], vector<16xf32>,
      %gather3A_341 = tpu.vector_load_idx %arg19[%add3A_9, %and3A_330] : memref<80x128xf32, #tpu.memory_space<vmem>>[vector<16xi32>, vector<16xi32>], vector<16xf32>,
      %sub3A_342 = arith.subf %gather3A_340, %gather3A_341 : vector<16xf32>
      %mul3A_343 = arith.mulf %sub3A_342, %sub3A_342 : vector<16xf32>
      %add3A_344 = arith.addf %while3A_324, %mul3A_343 : vector<16xf32>
      %gather3A_345 = tpu.vector_load_idx %arg15[%add3A_12, %and3A_330] : memref<80x128xf32, #tpu.memory_space<vmem>>[vector<16xi32>, vector<16xi32>], vector<16xf32>,
      %gather3A_346 = tpu.vector_load_idx %arg19[%add3A_12, %and3A_330] : memref<80x128xf32, #tpu.memory_space<vmem>>[vector<16xi32>, vector<16xi32>], vector<16xf32>,
      %sub3A_347 = arith.subf %gather3A_345, %gather3A_346 : vector<16xf32>
      %mul3A_348 = arith.mulf %sub3A_347, %sub3A_347 : vector<16xf32>
      %add3A_349 = arith.addf %while3A_325, %mul3A_348 : vector<16xf32>
      %gather3A_350 = tpu.vector_load_idx %arg15[%add3A_15, %and3A_330] : memref<80x128xf32, #tpu.memory_space<vmem>>[vector<16xi32>, vector<16xi32>], vector<16xf32>,
      %gather3A_351 = tpu.vector_load_idx %arg19[%add3A_15, %and3A_330] : memref<80x128xf32, #tpu.memory_space<vmem>>[vector<16xi32>, vector<16xi32>], vector<16xf32>,
      %sub3A_352 = arith.subf %gather3A_350, %gather3A_351 : vector<16xf32>
      %mul3A_353 = arith.mulf %sub3A_352, %sub3A_352 : vector<16xf32>
      %add3A_354 = arith.addf %while3A_326, %mul3A_353 : vector<16xf32>
      scf.yield %add3A_334, %add3A_339, %add3A_344, %add3A_349, %add3A_354 : vector<16xf32>, vector<16xf32>, vector<16xf32>, vector<16xf32>, vector<16xf32>
    }
    %while3A_146 = arith.constant 1 : i32
    %while3A_147:5 = scf.for %while3A_321 = %while3A_143 to %while3A_139 step %while3A_146 iter_args(%while3A_322 = %while3A_145#0, %while3A_323 = %while3A_145#1, %while3A_324 = %while3A_145#2, %while3A_325 = %while3A_145#3, %while3A_326 = %while3A_145#4) -> (vector<16xf32>, vector<16xf32>, vector<16xf32>, vector<16xf32>, vector<16xf32>)  : i32 {
      %add3A_327 = vector.broadcast %while3A_321 : i32 to vector<16xi32>
      %add3A_328 = arith.addi %iota3A, %add3A_327 : vector<16xi32>
      %and3A = arith.constant 127 : i32
      %and3A_329 = vector.broadcast %and3A : i32 to vector<16xi32>
      %and3A_330 = arith.andi %add3A_328, %and3A_329 : vector<16xi32>
      %gather3A = tpu.vector_load_idx %arg15[%add3A_3, %and3A_330] : memref<80x128xf32, #tpu.memory_space<vmem>>[vector<16xi32>, vector<16xi32>], vector<16xf32>,
      %gather3A_331 = tpu.vector_load_idx %arg19[%add3A_3, %and3A_330] : memref<80x128xf32, #tpu.memory_space<vmem>>[vector<16xi32>, vector<16xi32>], vector<16xf32>,
      %sub3A_332 = arith.subf %gather3A, %gather3A_331 : vector<16xf32>
      %mul3A_333 = arith.mulf %sub3A_332, %sub3A_332 : vector<16xf32>
      %add3A_334 = arith.addf %while3A_322, %mul3A_333 : vector<16xf32>
      %gather3A_335 = tpu.vector_load_idx %arg15[%add3A_6, %and3A_330] : memref<80x128xf32, #tpu.memory_space<vmem>>[vector<16xi32>, vector<16xi32>], vector<16xf32>,
      %gather3A_336 = tpu.vector_load_idx %arg19[%add3A_6, %and3A_330] : memref<80x128xf32, #tpu.memory_space<vmem>>[vector<16xi32>, vector<16xi32>], vector<16xf32>,
      %sub3A_337 = arith.subf %gather3A_335, %gather3A_336 : vector<16xf32>
      %mul3A_338 = arith.mulf %sub3A_337, %sub3A_337 : vector<16xf32>
      %add3A_339 = arith.addf %while3A_323, %mul3A_338 : vector<16xf32>
      %gather3A_340 = tpu.vector_load_idx %arg15[%add3A_9, %and3A_330] : memref<80x128xf32, #tpu.memory_space<vmem>>[vector<16xi32>, vector<16xi32>], vector<16xf32>,
      %gather3A_341 = tpu.vector_load_idx %arg19[%add3A_9, %and3A_330] : memref<80x128xf32, #tpu.memory_space<vmem>>[vector<16xi32>, vector<16xi32>], vector<16xf32>,
      %sub3A_342 = arith.subf %gather3A_340, %gather3A_341 : vector<16xf32>
      %mul3A_343 = arith.mulf %sub3A_342, %sub3A_342 : vector<16xf32>
      %add3A_344 = arith.addf %while3A_324, %mul3A_343 : vector<16xf32>
      %gather3A_345 = tpu.vector_load_idx %arg15[%add3A_12, %and3A_330] : memref<80x128xf32, #tpu.memory_space<vmem>>[vector<16xi32>, vector<16xi32>], vector<16xf32>,
      %gather3A_346 = tpu.vector_load_idx %arg19[%add3A_12, %and3A_330] : memref<80x128xf32, #tpu.memory_space<vmem>>[vector<16xi32>, vector<16xi32>], vector<16xf32>,
      %sub3A_347 = arith.subf %gather3A_345, %gather3A_346 : vector<16xf32>
      %mul3A_348 = arith.mulf %sub3A_347, %sub3A_347 : vector<16xf32>
      %add3A_349 = arith.addf %while3A_325, %mul3A_348 : vector<16xf32>
      %gather3A_350 = tpu.vector_load_idx %arg15[%add3A_15, %and3A_330] : memref<80x128xf32, #tpu.memory_space<vmem>>[vector<16xi32>, vector<16xi32>], vector<16xf32>,
      %gather3A_351 = tpu.vector_load_idx %arg19[%add3A_15, %and3A_330] : memref<80x128xf32, #tpu.memory_space<vmem>>[vector<16xi32>, vector<16xi32>], vector<16xf32>,
      %sub3A_352 = arith.subf %gather3A_350, %gather3A_351 : vector<16xf32>
      %mul3A_353 = arith.mulf %sub3A_352, %sub3A_352 : vector<16xf32>
      %add3A_354 = arith.addf %while3A_326, %mul3A_353 : vector<16xf32>
      scf.yield %add3A_334, %add3A_339, %add3A_344, %add3A_349, %add3A_354 : vector<16xf32>, vector<16xf32>, vector<16xf32>, vector<16xf32>, vector<16xf32>
    }
    %gt3A = arith.constant 2.500000e+00 : f32
    %gt3A_148 = vector.broadcast %gt3A : f32 to vector<16xf32>
    %gt3A_149 = arith.cmpf ogt, %while3A_147#0, %gt3A_148 : vector<16xf32>
    %convert_element_type3A_150 = arith.extui %gt3A_149 : vector<16xi1> to vector<16xi32>
    %mul3A_151 = arith.muli %convert_element_type3A_150, %broadcast_in_dim3A_130 : vector<16xi32>
    %add3A_152 = arith.addi %while3A_114#0, %mul3A_151 : vector<16xi32>
    %lt3A_153 = arith.constant 2.500000e+00 : f32
    %lt3A_154 = vector.broadcast %lt3A_153 : f32 to vector<16xf32>
    %lt3A_155 = arith.cmpf olt, %while3A_147#0, %lt3A_154 : vector<16xf32>
    %convert_element_type3A_156 = arith.extui %lt3A_155 : vector<16xi1> to vector<16xi32>
    %mul3A_157 = arith.muli %convert_element_type3A_156, %broadcast_in_dim3A_133 : vector<16xi32>
    %add3A_158 = arith.addi %while3A_114#1, %mul3A_157 : vector<16xi32>
    %gt3A_159 = arith.constant 2.500000e+00 : f32
    %gt3A_160 = vector.broadcast %gt3A_159 : f32 to vector<16xf32>
    %gt3A_161 = arith.cmpf ogt, %while3A_147#1, %gt3A_160 : vector<16xf32>
    %convert_element_type3A_162 = arith.extui %gt3A_161 : vector<16xi1> to vector<16xi32>
    %mul3A_163 = arith.muli %convert_element_type3A_162, %broadcast_in_dim3A_130 : vector<16xi32>
    %add3A_164 = arith.addi %add3A_152, %mul3A_163 : vector<16xi32>
    %lt3A_165 = arith.constant 2.500000e+00 : f32
    %lt3A_166 = vector.broadcast %lt3A_165 : f32 to vector<16xf32>
    %lt3A_167 = arith.cmpf olt, %while3A_147#1, %lt3A_166 : vector<16xf32>
    %convert_element_type3A_168 = arith.extui %lt3A_167 : vector<16xi1> to vector<16xi32>
    %mul3A_169 = arith.muli %convert_element_type3A_168, %broadcast_in_dim3A_133 : vector<16xi32>
    %add3A_170 = arith.addi %add3A_158, %mul3A_169 : vector<16xi32>
    %gt3A_171 = arith.constant 2.500000e+00 : f32
    %gt3A_172 = vector.broadcast %gt3A_171 : f32 to vector<16xf32>
    %gt3A_173 = arith.cmpf ogt, %while3A_147#2, %gt3A_172 : vector<16xf32>
    %convert_element_type3A_174 = arith.extui %gt3A_173 : vector<16xi1> to vector<16xi32>
    %mul3A_175 = arith.muli %convert_element_type3A_174, %broadcast_in_dim3A_130 : vector<16xi32>
    %add3A_176 = arith.addi %add3A_164, %mul3A_175 : vector<16xi32>
    %lt3A_177 = arith.constant 2.500000e+00 : f32
    %lt3A_178 = vector.broadcast %lt3A_177 : f32 to vector<16xf32>
    %lt3A_179 = arith.cmpf olt, %while3A_147#2, %lt3A_178 : vector<16xf32>
    %convert_element_type3A_180 = arith.extui %lt3A_179 : vector<16xi1> to vector<16xi32>
    %mul3A_181 = arith.muli %convert_element_type3A_180, %broadcast_in_dim3A_133 : vector<16xi32>
    %add3A_182 = arith.addi %add3A_170, %mul3A_181 : vector<16xi32>
    %gt3A_183 = arith.constant 2.500000e+00 : f32
    %gt3A_184 = vector.broadcast %gt3A_183 : f32 to vector<16xf32>
    %gt3A_185 = arith.cmpf ogt, %while3A_147#3, %gt3A_184 : vector<16xf32>
    %convert_element_type3A_186 = arith.extui %gt3A_185 : vector<16xi1> to vector<16xi32>
    %mul3A_187 = arith.muli %convert_element_type3A_186, %broadcast_in_dim3A_130 : vector<16xi32>
    %add3A_188 = arith.addi %add3A_176, %mul3A_187 : vector<16xi32>
    %lt3A_189 = arith.constant 2.500000e+00 : f32
    %lt3A_190 = vector.broadcast %lt3A_189 : f32 to vector<16xf32>
    %lt3A_191 = arith.cmpf olt, %while3A_147#3, %lt3A_190 : vector<16xf32>
    %convert_element_type3A_192 = arith.extui %lt3A_191 : vector<16xi1> to vector<16xi32>
    %mul3A_193 = arith.muli %convert_element_type3A_192, %broadcast_in_dim3A_133 : vector<16xi32>
    %add3A_194 = arith.addi %add3A_182, %mul3A_193 : vector<16xi32>
    %gt3A_195 = arith.constant 2.500000e+00 : f32
    %gt3A_196 = vector.broadcast %gt3A_195 : f32 to vector<16xf32>
    %gt3A_197 = arith.cmpf ogt, %while3A_147#4, %gt3A_196 : vector<16xf32>
    %convert_element_type3A_198 = arith.extui %gt3A_197 : vector<16xi1> to vector<16xi32>
    %mul3A_199 = arith.muli %convert_element_type3A_198, %broadcast_in_dim3A_130 : vector<16xi32>
    %add3A_200 = arith.addi %add3A_188, %mul3A_199 : vector<16xi32>
    %lt3A_201 = arith.constant 2.500000e+00 : f32
    %lt3A_202 = vector.broadcast %lt3A_201 : f32 to vector<16xf32>
    %lt3A_203 = arith.cmpf olt, %while3A_147#4, %lt3A_202 : vector<16xf32>
    %convert_element_type3A_204 = arith.extui %lt3A_203 : vector<16xi1> to vector<16xi32>
    %mul3A_205 = arith.muli %convert_element_type3A_204, %broadcast_in_dim3A_133 : vector<16xi32>
    %add3A_206 = arith.addi %add3A_194, %mul3A_205 : vector<16xi32>
    %dma_wait3A_207 = arith.constant 0 : i32
    %dma_wait3A_208 = arith.constant 0 : i32
    %dma_wait3A_209 = tpu.memref_slice %arg4[%dma_wait3A_207, %dma_wait3A_208] : memref<10000x128xf32, #tpu.memory_space<hbm>> -> memref<10000x128xf32, #tpu.memory_space<hbm>>
    tpu.wait_indirect_dma semaphore(%arg29 : memref<!tpu.dma_semaphore, #tpu.memory_space<semaphore_mem>>) src(%dma_wait3A_209 : memref<10000x128xf32, #tpu.memory_space<hbm>>) dst(%arg16 : memref<80x128xf32, #tpu.memory_space<vmem>>)
    %dma_wait3A_210 = arith.constant 0 : i32
    %dma_wait3A_211 = arith.constant 0 : i32
    %dma_wait3A_212 = tpu.memref_slice %arg5[%dma_wait3A_210, %dma_wait3A_211] : memref<10000x128xf32, #tpu.memory_space<hbm>> -> memref<10000x128xf32, #tpu.memory_space<hbm>>
    tpu.wait_indirect_dma semaphore(%arg33 : memref<!tpu.dma_semaphore, #tpu.memory_space<semaphore_mem>>) src(%dma_wait3A_212 : memref<10000x128xf32, #tpu.memory_space<hbm>>) dst(%arg20 : memref<80x128xf32, #tpu.memory_space<vmem>>)
    %mul3A_213 = arith.constant 249 : i32
    %mul3A_214 = arith.constant 32 : i32
    %mul3A_215 = arith.muli %mul3A_213, %mul3A_214 : i32
    %add3A_216 = arith.addi %add3A, %mul3A_215 : i32
    %lt3A_217 = arith.constant 8000 : i32
    %lt3A_218 = arith.cmpi slt, %add3A_216, %lt3A_217 : i32
    %convert_element_type3A_219 = arith.extui %lt3A_218 : i1 to i32
    %lt3A_220 = arith.constant 4000 : i32
    %lt3A_221 = arith.cmpi slt, %add3A_216, %lt3A_220 : i32
    %convert_element_type3A_222 = arith.extui %lt3A_221 : i1 to i32
    %mul3A_223 = arith.muli %convert_element_type3A_219, %convert_element_type3A_222 : i32
    %broadcast_in_dim3A_224 = vector.broadcast %mul3A_223 : i32 to vector<16xi32>
    %sub3A_225 = arith.constant 1 : i32
    %sub3A_226 = arith.subi %sub3A_225, %convert_element_type3A_222 : i32
    %mul3A_227 = arith.muli %convert_element_type3A_219, %sub3A_226 : i32
    %broadcast_in_dim3A_228 = vector.broadcast %mul3A_227 : i32 to vector<16xi32>
    %broadcast_in_dim3A_229 = arith.constant 0.000000e+00 : f32
    %broadcast_in_dim3A_230 = vector.broadcast %broadcast_in_dim3A_229 : f32 to vector<16xf32>
    %while3A_231 = arith.constant 0 : i32
    %while3A_232 = arith.constant 128 : i32
    %while3A_233 = arith.subi %while3A_232, %while3A_231 : i32
    %while3A_234 = arith.addi %while3A_231, %while3A_233 : i32
    %while3A_235 = arith.constant 1 : i32
    %while3A_236 = arith.divsi %while3A_233, %while3A_235 : i32
    %while3A_237 = arith.muli %while3A_236, %while3A_235 : i32
    %while3A_238 = arith.addi %while3A_231, %while3A_237 : i32
    %while3A_239 = arith.constant 1 : i32
    %while3A_240:5 = scf.for %while3A_321 = %while3A_231 to %while3A_238 step %while3A_239 iter_args(%while3A_322 = %broadcast_in_dim3A_230, %while3A_323 = %broadcast_in_dim3A_230, %while3A_324 = %broadcast_in_dim3A_230, %while3A_325 = %broadcast_in_dim3A_230, %while3A_326 = %broadcast_in_dim3A_230) -> (vector<16xf32>, vector<16xf32>, vector<16xf32>, vector<16xf32>, vector<16xf32>)  : i32 {
      %add3A_327 = vector.broadcast %while3A_321 : i32 to vector<16xi32>
      %add3A_328 = arith.addi %iota3A, %add3A_327 : vector<16xi32>
      %and3A = arith.constant 127 : i32
      %and3A_329 = vector.broadcast %and3A : i32 to vector<16xi32>
      %and3A_330 = arith.andi %add3A_328, %and3A_329 : vector<16xi32>
      %gather3A = tpu.vector_load_idx %arg16[%add3A_3, %and3A_330] : memref<80x128xf32, #tpu.memory_space<vmem>>[vector<16xi32>, vector<16xi32>], vector<16xf32>,
      %gather3A_331 = tpu.vector_load_idx %arg20[%add3A_3, %and3A_330] : memref<80x128xf32, #tpu.memory_space<vmem>>[vector<16xi32>, vector<16xi32>], vector<16xf32>,
      %sub3A_332 = arith.subf %gather3A, %gather3A_331 : vector<16xf32>
      %mul3A_333 = arith.mulf %sub3A_332, %sub3A_332 : vector<16xf32>
      %add3A_334 = arith.addf %while3A_322, %mul3A_333 : vector<16xf32>
      %gather3A_335 = tpu.vector_load_idx %arg16[%add3A_6, %and3A_330] : memref<80x128xf32, #tpu.memory_space<vmem>>[vector<16xi32>, vector<16xi32>], vector<16xf32>,
      %gather3A_336 = tpu.vector_load_idx %arg20[%add3A_6, %and3A_330] : memref<80x128xf32, #tpu.memory_space<vmem>>[vector<16xi32>, vector<16xi32>], vector<16xf32>,
      %sub3A_337 = arith.subf %gather3A_335, %gather3A_336 : vector<16xf32>
      %mul3A_338 = arith.mulf %sub3A_337, %sub3A_337 : vector<16xf32>
      %add3A_339 = arith.addf %while3A_323, %mul3A_338 : vector<16xf32>
      %gather3A_340 = tpu.vector_load_idx %arg16[%add3A_9, %and3A_330] : memref<80x128xf32, #tpu.memory_space<vmem>>[vector<16xi32>, vector<16xi32>], vector<16xf32>,
      %gather3A_341 = tpu.vector_load_idx %arg20[%add3A_9, %and3A_330] : memref<80x128xf32, #tpu.memory_space<vmem>>[vector<16xi32>, vector<16xi32>], vector<16xf32>,
      %sub3A_342 = arith.subf %gather3A_340, %gather3A_341 : vector<16xf32>
      %mul3A_343 = arith.mulf %sub3A_342, %sub3A_342 : vector<16xf32>
      %add3A_344 = arith.addf %while3A_324, %mul3A_343 : vector<16xf32>
      %gather3A_345 = tpu.vector_load_idx %arg16[%add3A_12, %and3A_330] : memref<80x128xf32, #tpu.memory_space<vmem>>[vector<16xi32>, vector<16xi32>], vector<16xf32>,
      %gather3A_346 = tpu.vector_load_idx %arg20[%add3A_12, %and3A_330] : memref<80x128xf32, #tpu.memory_space<vmem>>[vector<16xi32>, vector<16xi32>], vector<16xf32>,
      %sub3A_347 = arith.subf %gather3A_345, %gather3A_346 : vector<16xf32>
      %mul3A_348 = arith.mulf %sub3A_347, %sub3A_347 : vector<16xf32>
      %add3A_349 = arith.addf %while3A_325, %mul3A_348 : vector<16xf32>
      %gather3A_350 = tpu.vector_load_idx %arg16[%add3A_15, %and3A_330] : memref<80x128xf32, #tpu.memory_space<vmem>>[vector<16xi32>, vector<16xi32>], vector<16xf32>,
      %gather3A_351 = tpu.vector_load_idx %arg20[%add3A_15, %and3A_330] : memref<80x128xf32, #tpu.memory_space<vmem>>[vector<16xi32>, vector<16xi32>], vector<16xf32>,
      %sub3A_352 = arith.subf %gather3A_350, %gather3A_351 : vector<16xf32>
      %mul3A_353 = arith.mulf %sub3A_352, %sub3A_352 : vector<16xf32>
      %add3A_354 = arith.addf %while3A_326, %mul3A_353 : vector<16xf32>
      scf.yield %add3A_334, %add3A_339, %add3A_344, %add3A_349, %add3A_354 : vector<16xf32>, vector<16xf32>, vector<16xf32>, vector<16xf32>, vector<16xf32>
    }
    %while3A_241 = arith.constant 1 : i32
    %while3A_242:5 = scf.for %while3A_321 = %while3A_238 to %while3A_234 step %while3A_241 iter_args(%while3A_322 = %while3A_240#0, %while3A_323 = %while3A_240#1, %while3A_324 = %while3A_240#2, %while3A_325 = %while3A_240#3, %while3A_326 = %while3A_240#4) -> (vector<16xf32>, vector<16xf32>, vector<16xf32>, vector<16xf32>, vector<16xf32>)  : i32 {
      %add3A_327 = vector.broadcast %while3A_321 : i32 to vector<16xi32>
      %add3A_328 = arith.addi %iota3A, %add3A_327 : vector<16xi32>
      %and3A = arith.constant 127 : i32
      %and3A_329 = vector.broadcast %and3A : i32 to vector<16xi32>
      %and3A_330 = arith.andi %add3A_328, %and3A_329 : vector<16xi32>
      %gather3A = tpu.vector_load_idx %arg16[%add3A_3, %and3A_330] : memref<80x128xf32, #tpu.memory_space<vmem>>[vector<16xi32>, vector<16xi32>], vector<16xf32>,
      %gather3A_331 = tpu.vector_load_idx %arg20[%add3A_3, %and3A_330] : memref<80x128xf32, #tpu.memory_space<vmem>>[vector<16xi32>, vector<16xi32>], vector<16xf32>,
      %sub3A_332 = arith.subf %gather3A, %gather3A_331 : vector<16xf32>
      %mul3A_333 = arith.mulf %sub3A_332, %sub3A_332 : vector<16xf32>
      %add3A_334 = arith.addf %while3A_322, %mul3A_333 : vector<16xf32>
      %gather3A_335 = tpu.vector_load_idx %arg16[%add3A_6, %and3A_330] : memref<80x128xf32, #tpu.memory_space<vmem>>[vector<16xi32>, vector<16xi32>], vector<16xf32>,
      %gather3A_336 = tpu.vector_load_idx %arg20[%add3A_6, %and3A_330] : memref<80x128xf32, #tpu.memory_space<vmem>>[vector<16xi32>, vector<16xi32>], vector<16xf32>,
      %sub3A_337 = arith.subf %gather3A_335, %gather3A_336 : vector<16xf32>
      %mul3A_338 = arith.mulf %sub3A_337, %sub3A_337 : vector<16xf32>
      %add3A_339 = arith.addf %while3A_323, %mul3A_338 : vector<16xf32>
      %gather3A_340 = tpu.vector_load_idx %arg16[%add3A_9, %and3A_330] : memref<80x128xf32, #tpu.memory_space<vmem>>[vector<16xi32>, vector<16xi32>], vector<16xf32>,
      %gather3A_341 = tpu.vector_load_idx %arg20[%add3A_9, %and3A_330] : memref<80x128xf32, #tpu.memory_space<vmem>>[vector<16xi32>, vector<16xi32>], vector<16xf32>,
      %sub3A_342 = arith.subf %gather3A_340, %gather3A_341 : vector<16xf32>
      %mul3A_343 = arith.mulf %sub3A_342, %sub3A_342 : vector<16xf32>
      %add3A_344 = arith.addf %while3A_324, %mul3A_343 : vector<16xf32>
      %gather3A_345 = tpu.vector_load_idx %arg16[%add3A_12, %and3A_330] : memref<80x128xf32, #tpu.memory_space<vmem>>[vector<16xi32>, vector<16xi32>], vector<16xf32>,
      %gather3A_346 = tpu.vector_load_idx %arg20[%add3A_12, %and3A_330] : memref<80x128xf32, #tpu.memory_space<vmem>>[vector<16xi32>, vector<16xi32>], vector<16xf32>,
      %sub3A_347 = arith.subf %gather3A_345, %gather3A_346 : vector<16xf32>
      %mul3A_348 = arith.mulf %sub3A_347, %sub3A_347 : vector<16xf32>
      %add3A_349 = arith.addf %while3A_325, %mul3A_348 : vector<16xf32>
      %gather3A_350 = tpu.vector_load_idx %arg16[%add3A_15, %and3A_330] : memref<80x128xf32, #tpu.memory_space<vmem>>[vector<16xi32>, vector<16xi32>], vector<16xf32>,
      %gather3A_351 = tpu.vector_load_idx %arg20[%add3A_15, %and3A_330] : memref<80x128xf32, #tpu.memory_space<vmem>>[vector<16xi32>, vector<16xi32>], vector<16xf32>,
      %sub3A_352 = arith.subf %gather3A_350, %gather3A_351 : vector<16xf32>
      %mul3A_353 = arith.mulf %sub3A_352, %sub3A_352 : vector<16xf32>
      %add3A_354 = arith.addf %while3A_326, %mul3A_353 : vector<16xf32>
      scf.yield %add3A_334, %add3A_339, %add3A_344, %add3A_349, %add3A_354 : vector<16xf32>, vector<16xf32>, vector<16xf32>, vector<16xf32>, vector<16xf32>
    }
    %gt3A_243 = arith.constant 2.500000e+00 : f32
    %gt3A_244 = vector.broadcast %gt3A_243 : f32 to vector<16xf32>
    %gt3A_245 = arith.cmpf ogt, %while3A_242#0, %gt3A_244 : vector<16xf32>
    %convert_element_type3A_246 = arith.extui %gt3A_245 : vector<16xi1> to vector<16xi32>
    %mul3A_247 = arith.muli %convert_element_type3A_246, %broadcast_in_dim3A_224 : vector<16xi32>
    %add3A_248 = arith.addi %add3A_200, %mul3A_247 : vector<16xi32>
    %lt3A_249 = arith.constant 2.500000e+00 : f32
    %lt3A_250 = vector.broadcast %lt3A_249 : f32 to vector<16xf32>
    %lt3A_251 = arith.cmpf olt, %while3A_242#0, %lt3A_250 : vector<16xf32>
    %convert_element_type3A_252 = arith.extui %lt3A_251 : vector<16xi1> to vector<16xi32>
    %mul3A_253 = arith.muli %convert_element_type3A_252, %broadcast_in_dim3A_228 : vector<16xi32>
    %add3A_254 = arith.addi %add3A_206, %mul3A_253 : vector<16xi32>
    %gt3A_255 = arith.constant 2.500000e+00 : f32
    %gt3A_256 = vector.broadcast %gt3A_255 : f32 to vector<16xf32>
    %gt3A_257 = arith.cmpf ogt, %while3A_242#1, %gt3A_256 : vector<16xf32>
    %convert_element_type3A_258 = arith.extui %gt3A_257 : vector<16xi1> to vector<16xi32>
    %mul3A_259 = arith.muli %convert_element_type3A_258, %broadcast_in_dim3A_224 : vector<16xi32>
    %add3A_260 = arith.addi %add3A_248, %mul3A_259 : vector<16xi32>
    %lt3A_261 = arith.constant 2.500000e+00 : f32
    %lt3A_262 = vector.broadcast %lt3A_261 : f32 to vector<16xf32>
    %lt3A_263 = arith.cmpf olt, %while3A_242#1, %lt3A_262 : vector<16xf32>
    %convert_element_type3A_264 = arith.extui %lt3A_263 : vector<16xi1> to vector<16xi32>
    %mul3A_265 = arith.muli %convert_element_type3A_264, %broadcast_in_dim3A_228 : vector<16xi32>
    %add3A_266 = arith.addi %add3A_254, %mul3A_265 : vector<16xi32>
    %gt3A_267 = arith.constant 2.500000e+00 : f32
    %gt3A_268 = vector.broadcast %gt3A_267 : f32 to vector<16xf32>
    %gt3A_269 = arith.cmpf ogt, %while3A_242#2, %gt3A_268 : vector<16xf32>
    %convert_element_type3A_270 = arith.extui %gt3A_269 : vector<16xi1> to vector<16xi32>
    %mul3A_271 = arith.muli %convert_element_type3A_270, %broadcast_in_dim3A_224 : vector<16xi32>
    %add3A_272 = arith.addi %add3A_260, %mul3A_271 : vector<16xi32>
    %lt3A_273 = arith.constant 2.500000e+00 : f32
    %lt3A_274 = vector.broadcast %lt3A_273 : f32 to vector<16xf32>
    %lt3A_275 = arith.cmpf olt, %while3A_242#2, %lt3A_274 : vector<16xf32>
    %convert_element_type3A_276 = arith.extui %lt3A_275 : vector<16xi1> to vector<16xi32>
    %mul3A_277 = arith.muli %convert_element_type3A_276, %broadcast_in_dim3A_228 : vector<16xi32>
    %add3A_278 = arith.addi %add3A_266, %mul3A_277 : vector<16xi32>
    %gt3A_279 = arith.constant 2.500000e+00 : f32
    %gt3A_280 = vector.broadcast %gt3A_279 : f32 to vector<16xf32>
    %gt3A_281 = arith.cmpf ogt, %while3A_242#3, %gt3A_280 : vector<16xf32>
    %convert_element_type3A_282 = arith.extui %gt3A_281 : vector<16xi1> to vector<16xi32>
    %mul3A_283 = arith.muli %convert_element_type3A_282, %broadcast_in_dim3A_224 : vector<16xi32>
    %add3A_284 = arith.addi %add3A_272, %mul3A_283 : vector<16xi32>
    %lt3A_285 = arith.constant 2.500000e+00 : f32
    %lt3A_286 = vector.broadcast %lt3A_285 : f32 to vector<16xf32>
    %lt3A_287 = arith.cmpf olt, %while3A_242#3, %lt3A_286 : vector<16xf32>
    %convert_element_type3A_288 = arith.extui %lt3A_287 : vector<16xi1> to vector<16xi32>
    %mul3A_289 = arith.muli %convert_element_type3A_288, %broadcast_in_dim3A_228 : vector<16xi32>
    %add3A_290 = arith.addi %add3A_278, %mul3A_289 : vector<16xi32>
    %gt3A_291 = arith.constant 2.500000e+00 : f32
    %gt3A_292 = vector.broadcast %gt3A_291 : f32 to vector<16xf32>
    %gt3A_293 = arith.cmpf ogt, %while3A_242#4, %gt3A_292 : vector<16xf32>
    %convert_element_type3A_294 = arith.extui %gt3A_293 : vector<16xi1> to vector<16xi32>
    %mul3A_295 = arith.muli %convert_element_type3A_294, %broadcast_in_dim3A_224 : vector<16xi32>
    %add3A_296 = arith.addi %add3A_284, %mul3A_295 : vector<16xi32>
    %lt3A_297 = arith.constant 2.500000e+00 : f32
    %lt3A_298 = vector.broadcast %lt3A_297 : f32 to vector<16xf32>
    %lt3A_299 = arith.cmpf olt, %while3A_242#4, %lt3A_298 : vector<16xf32>
    %convert_element_type3A_300 = arith.extui %lt3A_299 : vector<16xi1> to vector<16xi32>
    %mul3A_301 = arith.muli %convert_element_type3A_300, %broadcast_in_dim3A_228 : vector<16xi32>
    %add3A_302 = arith.addi %add3A_290, %mul3A_301 : vector<16xi32>
    %dma_wait3A_303 = arith.constant 0 : i32
    %dma_wait3A_304 = arith.constant 0 : i32
    %dma_wait3A_305 = tpu.memref_slice %arg4[%dma_wait3A_303, %dma_wait3A_304] : memref<10000x128xf32, #tpu.memory_space<hbm>> -> memref<10000x128xf32, #tpu.memory_space<hbm>>
    tpu.wait_indirect_dma semaphore(%arg30 : memref<!tpu.dma_semaphore, #tpu.memory_space<semaphore_mem>>) src(%dma_wait3A_305 : memref<10000x128xf32, #tpu.memory_space<hbm>>) dst(%arg17 : memref<80x128xf32, #tpu.memory_space<vmem>>)
    %dma_wait3A_306 = arith.constant 0 : i32
    %dma_wait3A_307 = arith.constant 0 : i32
    %dma_wait3A_308 = tpu.memref_slice %arg5[%dma_wait3A_306, %dma_wait3A_307] : memref<10000x128xf32, #tpu.memory_space<hbm>> -> memref<10000x128xf32, #tpu.memory_space<hbm>>
    tpu.wait_indirect_dma semaphore(%arg34 : memref<!tpu.dma_semaphore, #tpu.memory_space<semaphore_mem>>) src(%dma_wait3A_308 : memref<10000x128xf32, #tpu.memory_space<hbm>>) dst(%arg21 : memref<80x128xf32, #tpu.memory_space<vmem>>)
    %dma_wait3A_309 = arith.constant 0 : i32
    %dma_wait3A_310 = tpu.memref_slice %arg2[%dma_wait3A_309] : memref<640000xi32, #tpu.memory_space<hbm>> -> memref<80xi32, #tpu.memory_space<hbm>>
    %dma_wait3A_311 = arith.constant 0 : i32
    %dma_wait3A_312 = tpu.memref_slice %arg2[%dma_wait3A_311] : memref<640000xi32, #tpu.memory_space<hbm>> -> memref<80xi32, #tpu.memory_space<hbm>>
    tpu.wait_dma2 semaphore(%arg27 : memref<!tpu.dma_semaphore, #tpu.memory_space<semaphore_mem>>) src(%dma_wait3A_312 : memref<80xi32, #tpu.memory_space<hbm>>) dst(%arg10 : memref<80xi32, #tpu.memory_space<vmem>>)
    %dma_wait3A_313 = arith.constant 0 : i32
    %dma_wait3A_314 = tpu.memref_slice %arg3[%dma_wait3A_313] : memref<640000xi32, #tpu.memory_space<hbm>> -> memref<80xi32, #tpu.memory_space<hbm>>
    %dma_wait3A_315 = arith.constant 0 : i32
    %dma_wait3A_316 = tpu.memref_slice %arg3[%dma_wait3A_315] : memref<640000xi32, #tpu.memory_space<hbm>> -> memref<80xi32, #tpu.memory_space<hbm>>
    tpu.wait_dma2 semaphore(%arg27 : memref<!tpu.dma_semaphore, #tpu.memory_space<semaphore_mem>>) src(%dma_wait3A_316 : memref<80xi32, #tpu.memory_space<hbm>>) dst(%arg14 : memref<80xi32, #tpu.memory_space<vmem>>)
    %swap3A = arith.constant 0 : index
    %swap3A_317 = tpu.vector_load %arg23[%swap3A] {strides = array<i32>} : memref<16xi32, #tpu.memory_space<vmem>>, vector<16xi32>,
    tpu.vector_store %arg23[%swap3A], %add3A_296 {strides = array<i32>} : memref<16xi32, #tpu.memory_space<vmem>>, vector<16xi32>,
    %run_scoped3A = arith.constant 0 : i32
    "tpu.region"() ({
      %run_scoped3A_321 = tpu.sem_alloc : memref<!tpu.dma_semaphore, #tpu.memory_space<semaphore_mem>>
      %dma_start3A_322 = arith.constant 0 : i32
      %dma_start3A_323 = tpu.memref_slice %arg6[%run_scoped3A, %add3A, %dma_start3A_322] : memref<2x32x16xi32, #tpu.memory_space<hbm>> -> memref<1x1x16xi32, #tpu.memory_space<hbm>>
      %dma_start3A_324 = tpu.memref_squeeze %dma_start3A_323 : memref<1x1x16xi32, #tpu.memory_space<hbm>> -> memref<16xi32, #tpu.memory_space<hbm>>
      %dma_start3A_325 = arith.constant 0 : i32
      %dma_start3A_326 = tpu.memref_slice %arg6[%run_scoped3A, %add3A, %dma_start3A_325] : memref<2x32x16xi32, #tpu.memory_space<hbm>> -> memref<1x1x16xi32, #tpu.memory_space<hbm>>
      %dma_start3A_327 = tpu.memref_squeeze %dma_start3A_326 : memref<1x1x16xi32, #tpu.memory_space<hbm>> -> memref<16xi32, #tpu.memory_space<hbm>>
      tpu.enqueue_dma source(%arg23 : memref<16xi32, #tpu.memory_space<vmem>>) target(%dma_start3A_327 : memref<16xi32, #tpu.memory_space<hbm>>) target_semaphore(%run_scoped3A_321 : memref<!tpu.dma_semaphore, #tpu.memory_space<semaphore_mem>>)
      %dma_wait3A_328 = arith.constant 0 : i32
      %dma_wait3A_329 = tpu.memref_slice %arg6[%run_scoped3A, %add3A, %dma_wait3A_328] : memref<2x32x16xi32, #tpu.memory_space<hbm>> -> memref<1x1x16xi32, #tpu.memory_space<hbm>>
      %dma_wait3A_330 = tpu.memref_squeeze %dma_wait3A_329 : memref<1x1x16xi32, #tpu.memory_space<hbm>> -> memref<16xi32, #tpu.memory_space<hbm>>
      %dma_wait3A_331 = arith.constant 0 : i32
      %dma_wait3A_332 = tpu.memref_slice %arg6[%run_scoped3A, %add3A, %dma_wait3A_331] : memref<2x32x16xi32, #tpu.memory_space<hbm>> -> memref<1x1x16xi32, #tpu.memory_space<hbm>>
      %dma_wait3A_333 = tpu.memref_squeeze %dma_wait3A_332 : memref<1x1x16xi32, #tpu.memory_space<hbm>> -> memref<16xi32, #tpu.memory_space<hbm>>
      tpu.wait_dma2 semaphore(%run_scoped3A_321 : memref<!tpu.dma_semaphore, #tpu.memory_space<semaphore_mem>>) src(%arg23 : memref<16xi32, #tpu.memory_space<vmem>>) dst(%dma_wait3A_333 : memref<16xi32, #tpu.memory_space<hbm>>)
      tpu.yield
    }) : () -> ()
    %swap3A_318 = arith.constant 0 : index
    %swap3A_319 = tpu.vector_load %arg23[%swap3A_318] {strides = array<i32>} : memref<16xi32, #tpu.memory_space<vmem>>, vector<16xi32>,
    tpu.vector_store %arg23[%swap3A_318], %add3A_302 {strides = array<i32>} : memref<16xi32, #tpu.memory_space<vmem>>, vector<16xi32>,
    %run_scoped3A_320 = arith.constant 1 : i32
    "tpu.region"() ({
      %run_scoped3A_321 = tpu.sem_alloc : memref<!tpu.dma_semaphore, #tpu.memory_space<semaphore_mem>>
      %dma_start3A_322 = arith.constant 0 : i32
      %dma_start3A_323 = tpu.memref_slice %arg6[%run_scoped3A_320, %add3A, %dma_start3A_322] : memref<2x32x16xi32, #tpu.memory_space<hbm>> -> memref<1x1x16xi32, #tpu.memory_space<hbm>>
      %dma_start3A_324 = tpu.memref_squeeze %dma_start3A_323 : memref<1x1x16xi32, #tpu.memory_space<hbm>> -> memref<16xi32, #tpu.memory_space<hbm>>
      %dma_start3A_325 = arith.constant 0 : i32
      %dma_start3A_326 = tpu.memref_slice %arg6[%run_scoped3A_320, %add3A, %dma_start3A_325] : memref<2x32x16xi32, #tpu.memory_space<hbm>> -> memref<1x1x16xi32, #tpu.memory_space<hbm>>
      %dma_start3A_327 = tpu.memref_squeeze %dma_start3A_326 : memref<1x1x16xi32, #tpu.memory_space<hbm>> -> memref<16xi32, #tpu.memory_space<hbm>>
      tpu.enqueue_dma source(%arg23 : memref<16xi32, #tpu.memory_space<vmem>>) target(%dma_start3A_327 : memref<16xi32, #tpu.memory_space<hbm>>) target_semaphore(%run_scoped3A_321 : memref<!tpu.dma_semaphore, #tpu.memory_space<semaphore_mem>>)
      %dma_wait3A_328 = arith.constant 0 : i32
      %dma_wait3A_329 = tpu.memref_slice %arg6[%run_scoped3A_320, %add3A, %dma_wait3A_328] : memref<2x32x16xi32, #tpu.memory_space<hbm>> -> memref<1x1x16xi32, #tpu.memory_space<hbm>>
      %dma_wait3A_330 = tpu.memref_squeeze %dma_wait3A_329 : memref<1x1x16xi32, #tpu.memory_space<hbm>> -> memref<16xi32, #tpu.memory_space<hbm>>
      %dma_wait3A_331 = arith.constant 0 : i32
      %dma_wait3A_332 = tpu.memref_slice %arg6[%run_scoped3A_320, %add3A, %dma_wait3A_331] : memref<2x32x16xi32, #tpu.memory_space<hbm>> -> memref<1x1x16xi32, #tpu.memory_space<hbm>>
      %dma_wait3A_333 = tpu.memref_squeeze %dma_wait3A_332 : memref<1x1x16xi32, #tpu.memory_space<hbm>> -> memref<16xi32, #tpu.memory_space<hbm>>
      tpu.wait_dma2 semaphore(%run_scoped3A_321 : memref<!tpu.dma_semaphore, #tpu.memory_space<semaphore_mem>>) src(%arg23 : memref<16xi32, #tpu.memory_space<vmem>>) dst(%dma_wait3A_333 : memref<16xi32, #tpu.memory_space<hbm>>)
      tpu.yield
    }) : () -> ()
    return
  }
}

</mosaic_0001>

<sc_bundles>
// kernel: _twin_counts.3.cloned.1.call-start
scs
__scs_entry_jumppad:
0x0: {  	(pc) =	sbr.rel $0x88, $3  }
0x1: {  	(tag) =	ssettag $0x0;
	lr =	simm.s32 $0x1  }
0x2: {  	[smem:$0x3F9D] =	sst lr;
	_ =	strace $0xD0000000  }
0x3: {  	_ = 	snop  }
0x4: {  	_ = 	snop  }
0x5: {  	_ = 	snop  }
0x6: {  	_ = 	snop  }
0x7: {  	_ = 	snop  }
__scs_overlays_trampoline_lowered:
0x8: {  	[smem:$0x3FAC] =	sst s0  }
0x9: {  	[smem:$0x3FAD] =	sst s1  }
0xa: {  	[smem:$0x3FAE] =	sst s2  }
0xb: {  	[smem:$0x3FAF] =	sst s3  }
0xc: {  	[smem:$0x3FB0] =	sst s4  }
0xd: {  	[smem:$0x3FB1] =	sst s5  }
0xe: {  	[smem:$0x3FB2] =	sst s6  }
0xf: {  	[smem:$0x3FB3] =	sst s7  }
0x10: {  	[smem:$0x3FB4] =	sst s8  }
0x11: {  	[smem:$0x3FB5] =	sst s9;
	s0 =	simm.s32 @!p0 $0x0  }
0x12: {  	s1 =	sld [smem:$0x3F9B];
	s0 =	simm.s32 @p0 $0x1  }
0x13: {  	[smem:$0x3FB6] =	sst s0;
	s0 =	simm.s32 @!p1 $0x0  }
0x14: {  	s2 =	sld [smem:$0x3F9A];
	s0 =	simm.s32 @p1 $0x1  }
0x15: {  	[smem:$0x3FB7] =	sst s0;
	s0 =	simm.s32 @!p2 $0x0  }
0x16: {  	s3 =	sld [smem:$0x3FDB];
	s0 =	simm.s32 @p2 $0x1  }
0x17: {  	s4 =	simm.s32 $0x1BF5;
	[smem:$0x3FB9] =	sst s0  }
0x18: {  	s0 =	sld [smem:$0x3F9C];
	_ =	swait.ge [sflag:s4], $0x0  }
0x19: {  	s7 =	sld [smem:$0x3F9D]  }
0x1a: {  	s8 =	sadd.s32 $0xFFFFE003, lr  }
0x1b: {  	s9 =	sadd.s32 $0xFFFFFEF7, lr;
	s5 =	simm.s32 $0xFFFFFFFF;
	p2 =	slt.u32 s8, $0xFFFFF086  }
0x1c: {  	p1 =	slt.u32 s9, $0xF7A;
	s5 =	simm.s32 @!p2 $0x0  }
0x1d: {  	s5 =	simm.s32 @p1 $0x1;
	p0 =	seq.s32 s7, s2  }
0x1e: {  	s7 =	smul.u32 @!p0 $0xF7A, s2;
	p2 =	seq.s32 @!p0 s5, $0x0  }
0x1f: {  	s9 =	smul.u32 $0xF7A, s1;
	s8 =	simm.s32 @!p0 $0x1BF5;
	p2 =	por !p2, p0  }
0x20: {  	[sflag:s8] =	ssyncset.s32 @!p0 $0xFFFFF086;
	s6 =	sadd.s32 @!p0 s3, s7;
	s7 =	simm.s32 @!p0 $0x108  }
0x21: {  	s3 =	sadd.s32 s3, s9;
	s6 =	sadd.s32 @!p0 $0x88, s6;
	s7 =	simm.s32 @p2 $0x1082  }
0x22: {  	[simem:s7], [sflag:s8] =	dma.local @!p0 [hbm:s6], $0xF7A  }
0x23: {  	s9 =	sor.u32 $0xD0000000, s2;
	s6 =	simm.s32 $0x108;
	_ =	swait.ge @!p0 [sflag:s8], $0x0  }
0x24: {  	s3 =	sadd.s32 $0x88, s3;
	s6 =	simm.s32 @!p1 $0x1082;
	[sflag:s4] =	ssyncset.s32 $0xFFFFF086  }
0x25: {  	[simem:s6], [sflag:s4] =	dma.local [hbm:s3], $0xF7A  }
0x26: {  	[smem:$0x3F9D] =	sst s1;
	(tag) =	ssettag s2;
	_ =	strace s9  }
0x27: {  	s1 =	sld [smem:$0x3FAD]  }
0x28: {  	s2 =	sld [smem:$0x3FAE]  }
0x29: {  	s4 =	sld [smem:$0x3FB0]  }
0x2a: {  	p0 =	seq.s32 s5, $0x0;
	s5 =	sld [smem:$0x3FB1]  }
0x2b: {  	s6 =	sld [smem:$0x3FB2]  }
0x2c: {  	s7 =	sld [smem:$0x3FB3]  }
0x2d: {  	s3 =	simm.s32 $0x108;
	s8 =	sld [smem:$0x3FB4]  }
0x2e: {  	s3 =	simm.s32 @!p0 $0x1082;
	s9 =	sld [smem:$0x3FB5]  }
0x2f: {  	lr =	sadd.s32 s0, s3;
	s0 =	sld [smem:$0x3FAC]  }
0x30: {  	s3 =	sld [smem:$0x3FAF]  }
0x31: {  	[smem:$0x3FB8] =	sst s10  }
0x32: {  	s10 =	sld [smem:$0x3FB6];
	_ =	sdelay $0x3  }
0x33: {  	p0 =	seq.s32 s10, $0x1;
	s10 =	sld [smem:$0x3FB8];
	_ =	sdelay $0x3  }
0x34: {  	[smem:$0x3FB8] =	sst s10  }
0x35: {  	s10 =	sld [smem:$0x3FB7];
	_ =	sdelay $0x3  }
0x36: {  	p1 =	seq.s32 s10, $0x1;
	s10 =	sld [smem:$0x3FB8];
	_ =	sdelay $0x3  }
0x37: {  	[smem:$0x3FB8] =	sst s10  }
0x38: {  	s10 =	sld [smem:$0x3FB9]  }
0x39: {  	_ = 	snop;
	(pc) =	sbr.ind lr, $3  }
0x3a: {  	_ = 	snop  }
0x3b: {  	_ = 	snop  }
0x3c: {  	p2 =	seq.s32 s10, $0x1;
	s10 =	sld [smem:$0x3FB8]  }
0x3d: {  	_ =	shalt  }
0x3e: {  	_ =	shalt  }
0x3f: {  	_ =	shalt  }
0x40: {  	_ =	shalt  }
0x41: {  	_ =	shalt  }
0x42: {  	_ =	shalt  }
0x43: {  	_ =	shalt  }
0x44: {  	_ =	shalt  }
0x45: {  	_ =	shalt  }
0x46: {  	_ =	shalt  }
0x47: {  	_ =	shalt  }
0x48: {  	_ =	shalt  }
0x49: {  	_ =	shalt  }
0x4a: {  	_ =	shalt  }
0x4b: {  	_ =	shalt  }
0x4c: {  	_ =	shalt  }
0x4d: {  	_ =	shalt  }
0x4e: {  	_ =	shalt  }
0x4f: {  	_ =	shalt  }
0x50: {  	_ =	shalt  }
0x51: {  	_ =	shalt  }
0x52: {  	_ =	shalt  }
0x53: {  	_ =	shalt  }
0x54: {  	_ =	shalt  }
0x55: {  	_ =	shalt  }
0x56: {  	_ =	shalt  }
0x57: {  	_ =	shalt  }
0x58: {  	_ =	shalt  }
0x59: {  	_ =	shalt  }
0x5a: {  	_ =	shalt  }
0x5b: {  	_ =	shalt  }
0x5c: {  	_ =	shalt  }
0x5d: {  	_ =	shalt  }
0x5e: {  	_ =	shalt  }
0x5f: {  	_ =	shalt  }
0x60: {  	_ =	shalt  }
0x61: {  	_ =	shalt  }
0x62: {  	_ =	shalt  }
0x63: {  	_ =	shalt  }
0x64: {  	_ =	shalt  }
0x65: {  	_ =	shalt  }
0x66: {  	_ =	shalt  }
0x67: {  	_ =	shalt  }
0x68: {  	_ =	shalt  }
0x69: {  	_ =	shalt  }
0x6a: {  	_ =	shalt  }
0x6b: {  	_ =	shalt  }
0x6c: {  	_ =	shalt  }
0x6d: {  	_ =	shalt  }
0x6e: {  	_ =	shalt  }
0x6f: {  	_ =	shalt  }
0x70: {  	_ =	shalt  }
0x71: {  	_ =	shalt  }
0x72: {  	_ =	shalt  }
0x73: {  	_ =	shalt  }
0x74: {  	_ =	shalt  }
0x75: {  	_ =	shalt  }
0x76: {  	_ =	shalt  }
0x77: {  	_ =	shalt  }
0x78: {  	_ =	shalt  }
0x79: {  	_ =	shalt  }
0x7a: {  	_ =	shalt  }
0x7b: {  	_ =	shalt  }
0x7c: {  	_ =	shalt  }
0x7d: {  	_ =	shalt  }
0x7e: {  	_ =	shalt  }
0x7f: {  	_ =	shalt  }
0x80: {  	_ =	shalt  }
0x81: {  	_ =	shalt  }
0x82: {  	_ =	shalt  }
0x83: {  	_ =	shalt  }
0x84: {  	_ =	shalt  }
0x85: {  	_ =	shalt  }
0x86: {  	_ =	shalt  }
0x87: {  	_ =	shalt  }
.Lfunc_end0:
.L_simem_size_0:
called_computation_lowered:
.L_overlay_start_0:
0x88: {  	s2 =	sld [smem:$0x3FD9]  }
0x89: {  	s3 =	sld [smem:$0x3FFE];
	_ =	sdelay $0x1  }
0x8a: {  	s1 =	srdreg.scid  }
0x8b: {  	s0 =	sand.u32 $0x1, s1  }
0x8c: {  	s17 =	sshll.u32 s0, $0xA;
	s2 =	sadd.s32 s3, s2  }
0x8d: {  	s2 =	sadd.s32 s2, s17  }
0x8e: {  	[smem:$0x3FC4] =	sst s2  }
0x8f: {  	_ = 	snop  }
0x90: {  	s2 =	sld [smem:$0x3FC9]  }
0x91: {  	s18 =	sld [smem:$0x3FC8]  }
0x92: {  	s4 =	sld [smem:$0x3FC7]  }
0x93: {  	s5 =	sld [smem:$0x3FC6];
	(tm) =	ssettm $0x1  }
0x94: {  	s6 =	sld [smem:$0x3FFB];
	_ =	sdelay $0x3  }
0x95: {  	_ =	strace s6  }
0x96: {  	s6 =	sld [smem:$0x3FFC];
	_ =	sdelay $0x3  }
0x97: {  	_ =	strace s6  }
0x98: {  	s6 =	sld [smem:$0x3FFD];
	_ =	sdelay $0x3  }
0x99: {  	_ =	strace s6  }
0x9a: {  	_ =	strace $0x8FFFFFFF  }
0x9b: {  	s19 =	sld [smem:$0x3FDB];
	_ =	sdelay $0x1  }
0x9c: {  	s7 =	simm.s32 $_scs_section_size  }
0x9d: {  	s8 =	simm.s32 $_size__tile_overlayer_lowered;
	s9 =	simm.s32 $_tile_overlayer_lowered  }
0x9e: {  	s22 =	simm.s32 $0x1BFF;
	s21 =	sshll.u32 s9, $0x1;
	s6 =	sadd.s32 s7, s19  }
0x9f: {  	s10 =	simm.s32 $0x0;
	s20 =	sshll.u32 s8, $0x1;
	s8 =	sadd.s32 s21, s6  }
0xa0: {  	[timem:s10], [sflag:s22] =	dma.local [hbm:s8], s20  }
0xa1: {  	_ =	swait.ge [sflag:s22], s20  }
0xa2: {  	s7 =	ssub.s32 $0x0, s20;
	[sflag:s22] =	ssyncset.done $0x0  }
0xa3: {  	[sflag:s22] =	ssyncadd.s32 s7;
	_ =	sdelay $0x1  }
0xa4: {  	s23 =	simm.s32 $0x1B8B  }
0xa5: {  	_ =	swait.ge [sflag:s23], $0x1  }
0xa6: {  	[sflag:s23] =	ssyncset.done $0x0  }
0xa7: {  	s25 =	simm.s32 $0x1B8E;
	s24 =	sld [smem:$0x3FFE];
	[sflag:s23] =	ssyncadd.s32 $0xFFFFFFFF  }
0xa8: {  	s26 =	simm.s32 $execute0_lowered;
	[smem:$0x3FD2] =	sst s25  }
0xa9: {  	s8 =	sshll.u32 s26, $0x1;
	_ =	strace $0x80000046;
	[dreg:$0x1] =	wrdreg $0xFFFFFFFF  }
0xaa: {  	s28 =	simm.s32 $_size_execute0_lowered;
	s6 =	sadd.s32 s6, s8;
	[dreg:$0x0] =	wrdreg $0x0  }
0xab: {  	s8 =	sshll.u32 s28, $0x1;
	[dreg:$0x2] =	wrdreg s6  }
0xac: {  	[dreg:$0x3] =	wrdreg s8  }
0xad: {  	[dreg:$0x4] =	wrdreg $0xC0  }
0xae: {  	_ =	task [dreg:s10], $0x5FFFF  }
0xaf: {  	[dreg:$0x1] =	wrdreg $0xFFFFFFFF  }
0xb0: {  	[dreg:$0x0] =	wrdreg $0x60  }
0xb1: {  	[dreg:$0x2] =	wrdreg s2  }
0xb2: {  	[dreg:$0x3] =	wrdreg s18  }
0xb3: {  	[dreg:$0x4] =	wrdreg s4  }
0xb4: {  	[dreg:$0x5] =	wrdreg s5  }
0xb5: {  	[dreg:$0x6] =	wrdreg s24  }
0xb6: {  	[dreg:$0x7] =	wrdreg $0x9  }
0xb7: {  	_ =	task.clear_ibuf [dreg:s10], $0x8FFFF;
	_ =	strace $0x90000046  }
0xb8: {  	s29 =	simm.s32 $0x9;
	_ =	strace $0x80000048  }
0xb9: {  	_ =	swait.ge [sflag:s29], $0x1  }
0xba: {  	[sflag:s29] =	ssyncadd.s32 $0xFFFFFFFF  }
0xbb: {  	_ =	strace $0x90000048  }
0xbc: {  	_ =	sfence  }
0xbd: {  	s30 =	sld [smem:$0x0];
	_ =	sdelay $0x2  }
0xbe: {  	s31 =	sshll.u32 s1, $0xD;
	s1 =	sshrl.u32 s1, $0x2  }
0xbf: {  	s3 =	sand.u32 $0x4000, s31;
	s1 =	sadd.s32 s1, s30  }
0xc0: {  	s0 =	sor.u32 s3, s0;
	s1 =	sshll.u32 s1, $0x11  }
0xc1: {  	s0 =	sor.u32 s1, s0  }
0xc2: {  	s0 =	sadd.s32 $0x8F2B, s0  }
0xc3: {  	[sflag:s0] =	ssyncadd.remote.s32 $0x1  }
0xc4: {  	_ =	sfence.sel $0xFFFF  }
0xc5: {  	[dreg:$0x0] =	wrdreg $0xFFFFFFFF;
	(pc) =	sbr.abs _section_cstart, $3  }
0xc6: {  	[dreg:$0x1] =	wrdreg $0xFFFFFFFF  }
0xc7: {  	_ =	task.clear_ibuf [dreg:s10], $0x2FFFF;
	_ =	strace $0x9FFFFFFF  }
0xc8: {  	(tm) =	ssettm $0x7FFFFFFF  }
0xc9: {  	_ =	shalt  }
tec
execute0_lowered:
.L_overlay_start_1:
0x0: {  	(tag) =	ssettag $0x1  }
0x1: {  	s0 =	rddreg [dreg:$0x0]  }
0x2: {  	s2 =	rddreg [dreg:$0x1]  }
0x3: {  	s3 =	rddreg [dreg:$0x2]  }
0x4: {  	s5 =	rddreg [dreg:$0x3];
	s1 =	srdreg.scid  }
0x5: {  	s6 =	stileid.u32;
	s4 =	rddreg [dreg:$0x4];
	s12 =	simm.s32 $0x0  }
0x6: {  	s28 =	simm.s32 $0x1;
	s29 =	simm.s32 $0x50;
	s30 =	simm.s32 $0x400  }
0x7: {  	s31 =	simm.s32 $0xA400;
	s13 =	simm.s32 $0x5;
	s14 =	simm.s32 $0x9  }
0x8: {  	s15 =	simm.s32 $0xA;
	s1 =	sand.u32 $0x1, s1;
	s6 =	sshll.u32 s6, $0x1  }
0x9: {  	s11 =	simm.s32 $0xC;
	[smem:$0x7FF] =	sst s12;
	s6 =	sor.u32 s1, s6  }
0xa: {  	_ =	strace $0x80000047;
	s1 =	ssub.s32 $0x2, s1;
	s7 =	smul.u32 $0x50, s6  }
0xb: {  	s8 =	sshll.u32 s6, $0x4;
	s9 =	sshrl.u32 s1, $0x1;
	s23 =	sor.u32 $0x80, s6  }
0xc: {  	s10 =	smul.u32 $0xA, s6;
	s24 =	sor.u32 $0xA0, s6;
	[dreg:$0xe] =	wrdreg s23  }
0xd: {  	s25 =	sor.u32 $0xC0, s6;
	s6 =	sor.u32 $0xE0, s6;
	[dreg:$0xf] =	wrdreg s24  }
0xe: {  	s4 =	sadd.s32 s8, s4;
	s1 =	ssub.s32 s1, s9;
	[dreg:$0x10] =	wrdreg s25  }
0xf: {  	[dreg:$0x11] =	wrdreg s6;
	s9 =	simm.s32 $0x5400;
	s6 =	simm.s32 $0x6  }
0x10: {  	s23 =	simm.s32 $0x0;
	s7 =	sshrl.u32 s7, $0x3;
	s17 =	sadd.s32 s0, s10  }
0x11: {  	s18 =	sadd.s32 s2, s10;
	s26 =	sadd.s32 $0x400, s4;
	[dreg:$0x6] =	wrdreg s17  }
0x12: {  	s4 =	sadd.s32 $0x600, s4;
	s1 =	smax.u32 s1, $0x1;
	[dreg:$0x7] =	wrdreg s18  }
0x13: {  	s10 =	simm.s32 $0xF400;
	s16 =	sadd.s32 $0x140, s7;
	[dreg:$0x12] =	wrdreg s26  }
0x14: {  	s20 =	sadd.s32 $0x280, s7;
	s7 =	sadd.s32 $0x3C0, s7;
	[dreg:$0x13] =	wrdreg s4  }
0x15: {  	[dreg:$0x14] =	wrdreg s1;
	s26 =	simm.s32 $0x100;
	s19 =	sadd.s32 s0, s16  }
0x16: {  	s4 =	simm.s32 $0x2;
	s8 =	sadd.s32 s2, s16;
	[dreg:$0x8] =	wrdreg s19  }
0x17: {  	s1 =	simm.s32 $0x2C00;
	s21 =	sadd.s32 s0, s20;
	[dreg:$0x9] =	wrdreg s8  }
0x18: {  	v0 =	vlaneseq.u32;
	s17 =	simm.s32 $0xB;
	s22 =	sadd.s32 s0, s7;
	[dreg:$0xa] =	wrdreg s21  }
0x19: {  	v1 =	vmul.u32 $0x80, v0;
	s18 =	simm.s32 $0x8;
	s7 =	sadd.s32 s2, s7;
	[dreg:$0xc] =	wrdreg s22  }
0x1a: {  	s16 =	simm.s32 $0x7;
	s8 =	sadd.s32 s2, s20;
	[dreg:$0xd] =	wrdreg s7  }
0x1b: {  	v6 =	vimm.s32 $0x0;
	v2 =	vor.u32 $0x800, v1;
	s7 =	simm.s32 $0xCC00;
	s19 =	simm.s32 $0x4;
	s20 =	simm.s32 $0x7C00  }
0x1c: {  	v3 =	vor.u32 $0x1000, v1;
	v4 =	vor.u32 $0x1800, v1;
	v5 =	vor.u32 $0x2000, v1;
	s21 =	simm.s32 $0x11C00;
	[dreg:$0xb] =	wrdreg s8;
	s8 =	simm.s32 $0x3  }
.LBB2_1:
0x1d: {  	[dreg:$0x15] =	wrdreg s23  }
0x1e: {  	s22 =	rddreg [dreg:$0x6]  }
0x1f: {  	[tilespmem:s12], [sflag:$0x1] =	stream.linear.gather [hbm4b:s22+s12], $0x50, $0x38;
	[tilespmem:$0x14480] =	vst v63  }
0x20: {  	s24 =	rddreg [dreg:$0x7];
	s23 =	simm.s32 $0x200  }
0x21: {  	[tilespmem:s23], [sflag:$0x1] =	stream.linear.gather [hbm4b:s24+s12], $0x50, $0x38;
	[tilespmem:$0x14480] =	vst v63  }
0x22: {  	s25 =	rddreg [dreg:$0x8];
	s24 =	simm.s32 $0x80  }
0x23: {  	[tilespmem:s24], [sflag:$0x2] =	stream.linear.gather [hbm4b:s25+s12], $0x50, $0x38;
	[tilespmem:$0x14480] =	vst v63  }
0x24: {  	s24 =	rddreg [dreg:$0x9];
	s25 =	simm.s32 $0x280  }
0x25: {  	[tilespmem:s25], [sflag:$0x2] =	stream.linear.gather [hbm4b:s24+s12], $0x50, $0x38;
	[tilespmem:$0x14480] =	vst v63  }
0x26: {  	s24 =	rddreg [dreg:$0xa]  }
0x27: {  	[tilespmem:s26], [sflag:$0x3] =	stream.linear.gather [hbm4b:s24+s12], $0x50, $0x38;
	[tilespmem:$0x14480] =	vst v63  }
0x28: {  	s22 =	rddreg [dreg:$0xb];
	s24 =	simm.s32 $0x300  }
0x29: {  	[tilespmem:s24], [sflag:$0x3] =	stream.linear.gather [hbm4b:s22+s12], $0x50, $0x38;
	[tilespmem:$0x14480] =	vst v63  }
0x2a: {  	_ =	swait.ge [sflag:s28], $0x50  }
0x2b: {  	[sflag:s28] =	ssyncset.done $0x0  }
0x2c: {  	[sflag:s28] =	ssyncadd.s32 $0xFFFFFFB0  }
0x2d: {  	_ =	swait.ge [sflag:s28], $0x50  }
0x2e: {  	[sflag:s28] =	ssyncset.done $0x0  }
0x2f: {  	[sflag:s28] =	ssyncadd.s32 $0xFFFFFFB0  }
0x30: {  	[tilespmem:s30], [sflag:$0x5] =	stream.indirect.gather [hbm4b:s3+s29], $0x80, s12, s29, $0xb8;
	[tilespmem:$0x14480] =	vst v63  }
0x31: {  	_ = 	snop  }
0x32: {  	[tilespmem:s31], [sflag:$0x9] =	stream.indirect.gather [hbm4b:s5+s29], $0x80, s23, s29, $0xb8;
	[tilespmem:$0x14480] =	vst v63  }
0x33: {  	_ =	swait.ge [sflag:s4], $0x50  }
0x34: {  	[sflag:s4] =	ssyncset.done $0x0  }
0x35: {  	[sflag:s4] =	ssyncadd.s32 $0xFFFFFFB0  }
0x36: {  	_ =	swait.ge [sflag:s4], $0x50  }
0x37: {  	[sflag:s4] =	ssyncset.done $0x0  }
0x38: {  	s24 =	simm.s32 $0x80;
	[sflag:s4] =	ssyncadd.s32 $0xFFFFFFB0  }
0x39: {  	[tilespmem:s1], [sflag:$0x6] =	stream.indirect.gather [hbm4b:s3+s29], $0x80, s24, s29, $0xb8;
	[tilespmem:$0x14480] =	vst v63  }
0x3a: {  	_ = 	snop  }
0x3b: {  	[tilespmem:s7], [sflag:$0xA] =	stream.indirect.gather [hbm4b:s5+s29], $0x80, s25, s29, $0xb8;
	[tilespmem:$0x14480] =	vst v63  }
0x3c: {  	_ =	swait.ge [sflag:s8], $0x50  }
0x3d: {  	[sflag:s8] =	ssyncset.done $0x0  }
0x3e: {  	[sflag:s8] =	ssyncadd.s32 $0xFFFFFFB0  }
0x3f: {  	_ =	swait.ge [sflag:s8], $0x50  }
0x40: {  	[sflag:s8] =	ssyncset.done $0x0  }
0x41: {  	[sflag:s8] =	ssyncadd.s32 $0xFFFFFFB0  }
0x42: {  	[tilespmem:s9], [sflag:$0x7] =	stream.indirect.gather [hbm4b:s3+s29], $0x80, s26, s29, $0xb8;
	[tilespmem:$0x14480] =	vst v63  }
0x43: {  	s22 =	simm.s32 $0x300  }
0x44: {  	[tilespmem:s10], [sflag:$0xB] =	stream.indirect.gather [hbm4b:s5+s29], $0x80, s22, s29, $0xb8;
	[tilespmem:$0x14480] =	vst v63  }
0x45: {  	s24 =	simm.s32 $0x180;
	s23 =	rddreg [dreg:$0xc]  }
0x46: {  	[tilespmem:s24], [sflag:$0x4] =	stream.linear.gather [hbm4b:s23+s12], $0x50, $0x38;
	[tilespmem:$0x14480] =	vst v63  }
0x47: {  	s25 =	rddreg [dreg:$0xd];
	s26 =	simm.s32 $0x380  }
0x48: {  	[tilespmem:s26], [sflag:$0x4] =	stream.linear.gather [hbm4b:s25+s12], $0x50, $0x38;
	[tilespmem:$0x14480] =	vst v63  }
0x49: {  	v8 =	vimm.s32 $0x0;
	v7 =	vimm.s32 $0x0;
	s12 =	simm.s32 $0x0  }
.LBB2_2:
0x4a: {  	_ =	swait.ge [sflag:s13], $0x2800  }
0x4b: {  	s22 =	sshll.u32 s12, $0x7;
	[sflag:s13] =	ssyncset.done $0x0;
	s23 =	rddreg [dreg:$0xe]  }
0x4c: {  	[sflag:s13] =	ssyncadd.s32 $0xFFFFD800;
	s23 =	sadd.s32 s23, s22  }
0x4d: {  	_ =	swait.ge [sflag:s14], $0x2800;
	s23 =	smul.u32 $0xA, s23  }
0x4e: {  	[sflag:s14] =	ssyncset.done $0x0  }
0x4f: {  	s25 =	simm.s32 $0x0;
	[sflag:s14] =	ssyncadd.s32 $0xFFFFD800;
	s24 =	sadd.s32 s0, s23  }
0x50: {  	[tilespmem:s25], [sflag:$0x1] =	stream.linear.gather [hbm4b:s24+s25], $0x50, $0x38;
	[tilespmem:$0x14480] =	vst v63  }
0x51: {  	s26 =	simm.s32 $0x200;
	s23 =	sadd.s32 s2, s23  }
0x52: {  	[tilespmem:s26], [sflag:$0x1] =	stream.linear.gather [hbm4b:s23+s25], $0x50, $0x38;
	[tilespmem:$0x14480] =	vst v63  }
0x53: {  	_ =	swait.ge [sflag:s19], $0x50  }
0x54: {  	[sflag:s19] =	ssyncset.done $0x0  }
0x55: {  	v9 =	vadd.s32 s25, v0;
	[sflag:s19] =	ssyncadd.s32 $0xFFFFFFB0  }
0x56: {  	v9 =	vand.u32 $0x7F, v9;
	_ =	swait.ge [sflag:s19], $0x50  }
0x57: {  	v10 =	vor.u32 v5, v9;
	[sflag:s19] =	ssyncset.done $0x0  }
0x58: {  	s26 =	simm.s32 $0x180;
	[sflag:s19] =	ssyncadd.s32 $0xFFFFFFB0  }
0x59: {  	v11 =	vor.u32 v1, v9;
	[tilespmem:s20], [sflag:$0x8] =	stream.indirect.gather [hbm4b:s3+s29], $0x80, s26, s29, $0xb8;
	[tilespmem:$0x14480] =	vst v63  }
0x5a: {  	s24 =	simm.s32 $0x380  }
0x5b: {  	v12 =	vor.u32 v2, v9;
	[tilespmem:s21], [sflag:$0xC] =	stream.indirect.gather [hbm4b:s5+s29], $0x80, s24, s29, $0xb8;
	[tilespmem:$0x14480] =	vst v63  }
0x5c: {  	v13 =	vld.idx.msk [tilespmem:v10+s30+$0x0], $0xffff  }
0x5d: {  	v14 =	vor.u32 v3, v9;
	v10 =	vld.idx.msk [tilespmem:v10+s31+$0x0], $0xffff  }
0x5e: {  	s25 =	simm.s32 $0x1;
	v16 =	vld.idx.msk [tilespmem:v11+s30+$0x0], $0xffff  }
0x5f: {  	v9 =	vor.u32 v4, v9;
	v15 =	vadd.s32 s25, v0;
	v11 =	vld.idx.msk [tilespmem:v11+s31+$0x0], $0xffff  }
0x60: {  	v17 =	vand.u32 $0x7F, v15;
	v18 =	vld.idx.msk [tilespmem:v12+s30+$0x0], $0xffff  }
0x61: {  	v19 =	vor.u32 v5, v17;
	v21 =	vld.idx.msk [tilespmem:v12+s31+$0x0], $0xffff  }
0x62: {  	v26 =	vor.u32 v1, v17;
	v23 =	vld.idx.msk [tilespmem:v14+s30+$0x0], $0xffff  }
0x63: {  	v14 =	vld.idx.msk [tilespmem:v14+s31+$0x0], $0xffff  }
0x64: {  	v12 =	vld.idx.msk [tilespmem:v9+s30+$0x0], $0xffff  }
0x65: {  	v22 =	vor.u32 v2, v17;
	v15 =	vld.idx.msk [tilespmem:v9+s31+$0x0], $0xffff;
	v13 =	vsub.f32 v13, v10  }
0x66: {  	v25 =	vor.u32 v3, v17;
	v24 =	vor.u32 v4, v17;
	v20 =	vld.idx.msk [tilespmem:v19+s31+$0x0], $0xffff;
	v9 =	vsub.f32 v16, v11  }
0x67: {  	v17 =	vld.idx.msk [tilespmem:v26+s30+$0x0], $0xffff;
	v10 =	vimm.f32 $0.0e+00;
	v11 =	vmul.f32 v13, v13;
	v13 =	vsub.f32 v18, v21  }
0x68: {  	s26 =	simm.s32 $0x2;
	v16 =	vld.idx.msk [tilespmem:v19+s30+$0x0], $0xffff;
	v23 =	vsub.f32 v23, v14;
	v14 =	vimm.f32 $0.0e+00;
	v27 =	vmul.f32 v9, v9  }
0x69: {  	v19 =	vld.idx.msk [tilespmem:v26+s31+$0x0], $0xffff;
	v9 =	vadd.f32 v11, v10;
	v11 =	vadd.s32 s26, v0;
	v21 =	vmul.f32 v13, v13  }
0x6a: {  	s23 =	simm.s32 $0x3;
	v18 =	vld.idx.msk [tilespmem:v22+s30+$0x0], $0xffff;
	v13 =	vimm.f32 $0.0e+00;
	v26 =	vand.u32 $0x7F, v11;
	v11 =	vadd.f32 v27, v10  }
.LBB2_3:
0x6b: {  	p0 =	sne.s32 s23, $0x7F;
	v27 =	vor.u32 v1, v26;
	v28 =	vor.u32 v5, v26;
	v29 =	vld.idx.msk [tilespmem:v22+s31+$0x0], $0xffff;
	v22 =	vor.u32 v2, v26  }
0x6c: {  	v30 =	vor.u32 v3, v26;
	v26 =	vor.u32 v4, v26;
	v15 =	vsub.f32 v12, v15;
	v31 =	vld.idx.msk [tilespmem:v25+s30+$0x0], $0xffff  }
0x6d: {  	v10 =	vadd.f32 v21, v10;
	v16 =	vsub.f32 v16, v20;
	v20 =	vmul.f32 v23, v23;
	v32 =	vld.idx.msk [tilespmem:v25+s31+$0x0], $0xffff  }
0x6e: {  	v21 =	vmul.f32 v15, v15;
	v25 =	vmov v30;
	v12 =	vld.idx.msk [tilespmem:v24+s30+$0x0], $0xffff  }
0x6f: {  	v17 =	vsub.f32 v17, v19;
	v19 =	vmul.f32 v16, v16;
	v14 =	vadd.f32 v20, v14;
	v15 =	vld.idx.msk [tilespmem:v24+s31+$0x0], $0xffff  }
.Ltmp0:
0x70: {  	v13 =	vadd.f32 v21, v13;
	v24 =	vmov v26;
	v16 =	vld.idx.msk [tilespmem:v28+s30+$0x0], $0xffff;
	(pc) =	sbr.rel @p0 .LBB2_3-.Ltmp0, $4  }
0x71: {  	v18 =	vsub.f32 v18, v29;
	v9 =	vadd.f32 v19, v9;
	v20 =	vld.idx.msk [tilespmem:v28+s31+$0x0], $0xffff;
	v28 =	vmul.f32 v17, v17  }
0x72: {  	v17 =	vld.idx.msk [tilespmem:v27+s30+$0x0], $0xffff  }
0x73: {  	v26 =	vadd.s32 s23, v0;
	v21 =	vmul.f32 v18, v18;
	v23 =	vsub.f32 v31, v32;
	v19 =	vld.idx.msk [tilespmem:v27+s31+$0x0], $0xffff  }
0x74: {  	s23 =	sadd.s32 $0x1, s23;
	v26 =	vand.u32 $0x7F, v26;
	v11 =	vadd.f32 v28, v11;
	v18 =	vld.idx.msk [tilespmem:v22+s30+$0x0], $0xffff  }
0x75: {  	_ =	sdelay $0x3  }
0x76: {  	v27 =	vor.u32 v5, v26;
	v22 =	vld.idx.msk [tilespmem:v22+s31+$0x0], $0xffff  }
0x77: {  	v28 =	vld.idx.msk [tilespmem:v25+s30+$0x0], $0xffff  }
0x78: {  	v29 =	vor.u32 v1, v26;
	v25 =	vld.idx.msk [tilespmem:v25+s31+$0x0], $0xffff  }
0x79: {  	v30 =	vld.idx.msk [tilespmem:v24+s30+$0x0], $0xffff  }
0x7a: {  	v31 =	vor.u32 v2, v26;
	v24 =	vld.idx.msk [tilespmem:v24+s31+$0x0], $0xffff  }
0x7b: {  	v32 =	vld.idx.msk [tilespmem:v27+s30+$0x0], $0xffff  }
0x7c: {  	v33 =	vor.u32 v3, v26;
	v27 =	vld.idx.msk [tilespmem:v27+s31+$0x0], $0xffff  }
0x7d: {  	v34 =	vld.idx.msk [tilespmem:v29+s30+$0x0], $0xffff  }
0x7e: {  	v26 =	vor.u32 v4, v26;
	v29 =	vld.idx.msk [tilespmem:v29+s31+$0x0], $0xffff  }
0x7f: {  	v35 =	vld.idx.msk [tilespmem:v31+s30+$0x0], $0xffff  }
0x80: {  	v31 =	vld.idx.msk [tilespmem:v31+s31+$0x0], $0xffff  }
0x81: {  	v36 =	vld.idx.msk [tilespmem:v33+s30+$0x0], $0xffff  }
0x82: {  	v33 =	vld.idx.msk [tilespmem:v33+s31+$0x0], $0xffff  }
0x83: {  	v37 =	vld.idx.msk [tilespmem:v26+s30+$0x0], $0xffff  }
0x84: {  	v26 =	vld.idx.msk [tilespmem:v26+s31+$0x0], $0xffff;
	_ =	swait.ge [sflag:s6], $0x2800  }
0x85: {  	[sflag:s6] =	ssyncset.done $0x0;
	s23 =	rddreg [dreg:$0xf]  }
0x86: {  	[sflag:s6] =	ssyncadd.s32 $0xFFFFD800;
	s23 =	sadd.s32 s23, s22  }
0x87: {  	_ =	swait.ge [sflag:s15], $0x2800;
	s23 =	smul.u32 $0xA, s23  }
0x88: {  	s25 =	simm.s32 $0x0;
	[sflag:s15] =	ssyncset.done $0x0  }
0x89: {  	s26 =	simm.s32 $0x80;
	[sflag:s15] =	ssyncadd.s32 $0xFFFFD800;
	s24 =	sadd.s32 s0, s23  }
0x8a: {  	[tilespmem:s26], [sflag:$0x2] =	stream.linear.gather [hbm4b:s24+s25], $0x50, $0x38;
	[tilespmem:$0x14480] =	vst v63  }
0x8b: {  	s23 =	sadd.s32 s2, s23;
	s26 =	simm.s32 $0x280  }
0x8c: {  	[tilespmem:s26], [sflag:$0x2] =	stream.linear.gather [hbm4b:s23+s25], $0x50, $0x38;
	[tilespmem:$0x14480] =	vst v63  }
0x8d: {  	_ =	swait.ge [sflag:s28], $0x50  }
0x8e: {  	v12 =	vsub.f32 v12, v15;
	[sflag:s28] =	ssyncset.done $0x0  }
0x8f: {  	v10 =	vadd.f32 v21, v10;
	v15 =	vadd.s32 s25, v0;
	v16 =	vsub.f32 v16, v20;
	[sflag:s28] =	ssyncadd.s32 $0xFFFFFFB0  }
0x90: {  	v20 =	vmul.f32 v23, v23;
	v15 =	vand.u32 $0x7F, v15;
	v12 =	vmul.f32 v12, v12;
	_ =	swait.ge [sflag:s28], $0x50  }
0x91: {  	v21 =	vor.u32 v5, v15;
	v17 =	vsub.f32 v17, v19;
	v16 =	vmul.f32 v16, v16;
	[sflag:s28] =	ssyncset.done $0x0  }
0x92: {  	v12 =	vadd.f32 v12, v13;
	v13 =	vsub.f32 v18, v22;
	v18 =	vor.u32 v1, v15;
	[sflag:s28] =	ssyncadd.s32 $0xFFFFFFB0  }
0x93: {  	v9 =	vadd.f32 v16, v9;
	v16 =	vsub.f32 v28, v25;
	v17 =	vmul.f32 v17, v17;
	[tilespmem:s30], [sflag:$0x5] =	stream.indirect.gather [hbm4b:s3+s29], $0x80, s25, s29, $0xb8;
	[tilespmem:$0x14480] =	vst v63  }
0x94: {  	v14 =	vadd.f32 v20, v14;
	v19 =	vsub.f32 v30, v24;
	v13 =	vmul.f32 v13, v13;
	s24 =	simm.s32 $0x200  }
0x95: {  	v20 =	vor.u32 v2, v15;
	v11 =	vadd.f32 v17, v11;
	v16 =	vmul.f32 v16, v16;
	[tilespmem:s31], [sflag:$0x9] =	stream.indirect.gather [hbm4b:s5+s29], $0x80, s24, s29, $0xb8;
	[tilespmem:$0x14480] =	vst v63  }
0x96: {  	v10 =	vadd.f32 v13, v10;
	v13 =	vmul.f32 v19, v19;
	v17 =	vsub.f32 v32, v27;
	v22 =	vld.idx.msk [tilespmem:v21+s1+$0x0], $0xffff  }
0x97: {  	v19 =	vor.u32 v3, v15;
	v14 =	vadd.f32 v16, v14;
	v23 =	vsub.f32 v34, v29;
	v21 =	vld.idx.msk [tilespmem:v21+s7+$0x0], $0xffff  }
0x98: {  	v15 =	vor.u32 v4, v15;
	v24 =	vadd.f32 v13, v12;
	v17 =	vmul.f32 v17, v17;
	s25 =	simm.s32 $0x1;
	v16 =	vld.idx.msk [tilespmem:v18+s1+$0x0], $0xffff  }
0x99: {  	v13 =	vmul.f32 v23, v23;
	v23 =	vsub.f32 v35, v31;
	v12 =	vadd.s32 s25, v0;
	v18 =	vld.idx.msk [tilespmem:v18+s7+$0x0], $0xffff  }
0x9a: {  	v26 =	vsub.f32 v37, v26;
	v25 =	vand.u32 $0x7F, v12;
	v28 =	vld.idx.msk [tilespmem:v20+s1+$0x0], $0xffff  }
0x9b: {  	v9 =	vadd.f32 v17, v9;
	v17 =	vmul.f32 v23, v23;
	v31 =	vor.u32 v5, v25;
	v62 =	vld.idx.msk [tilespmem:v20+s7+$0x0], $0xffff  }
0x9c: {  	v12 =	vsub.f32 v36, v33;
	v23 =	vld.idx.msk [tilespmem:v19+s1+$0x0], $0xffff;
	v20 =	vmul.f32 v26, v26;
	v26 =	vor.u32 v1, v25  }
0x9d: {  	v13 =	vadd.f32 v13, v11;
	v19 =	vld.idx.msk [tilespmem:v19+s7+$0x0], $0xffff  }
0x9e: {  	v27 =	vor.u32 v2, v25;
	v11 =	vmul.f32 v12, v12;
	v12 =	vadd.f32 v17, v10;
	v17 =	vld.idx.msk [tilespmem:v15+s1+$0x0], $0xffff  }
0x9f: {  	v30 =	vor.u32 v3, v25;
	v10 =	vadd.f32 v20, v24;
	v20 =	vld.idx.msk [tilespmem:v15+s7+$0x0], $0xffff;
	v21 =	vsub.f32 v22, v21  }
0xa0: {  	v29 =	vor.u32 v4, v25;
	v11 =	vadd.f32 v11, v14;
	v14 =	vsub.f32 v16, v18;
	v25 =	vld.idx.msk [tilespmem:v31+s7+$0x0], $0xffff  }
0xa1: {  	v15 =	vimm.f32 $0.0e+00;
	v18 =	vsub.f32 v28, v62;
	v22 =	vld.idx.msk [tilespmem:v26+s1+$0x0], $0xffff;
	v16 =	vmul.f32 v21, v21  }
0xa2: {  	s26 =	simm.s32 $0x2;
	v28 =	vsub.f32 v23, v19;
	v19 =	vimm.f32 $0.0e+00;
	v21 =	vld.idx.msk [tilespmem:v31+s1+$0x0], $0xffff;
	v63 =	vmul.f32 v14, v14  }
0xa3: {  	v24 =	vld.idx.msk [tilespmem:v26+s7+$0x0], $0xffff;
	v26 =	vmul.f32 v18, v18;
	v14 =	vadd.f32 v16, v15;
	v16 =	vadd.s32 s26, v0  }
0xa4: {  	s23 =	simm.s32 $0x3;
	v23 =	vld.idx.msk [tilespmem:v27+s1+$0x0], $0xffff;
	v18 =	vimm.f32 $0.0e+00;
	v31 =	vand.u32 $0x7F, v16;
	v16 =	vadd.f32 v63, v15  }
.LBB2_5:
0xa5: {  	p0 =	sne.s32 s23, $0x7F;
	v32 =	vor.u32 v1, v31;
	v33 =	vor.u32 v5, v31;
	v34 =	vld.idx.msk [tilespmem:v27+s7+$0x0], $0xffff;
	v27 =	vor.u32 v2, v31  }
0xa6: {  	v35 =	vor.u32 v3, v31;
	v31 =	vor.u32 v4, v31;
	v20 =	vsub.f32 v17, v20;
	v36 =	vld.idx.msk [tilespmem:v30+s1+$0x0], $0xffff  }
0xa7: {  	v15 =	vadd.f32 v26, v15;
	v21 =	vsub.f32 v21, v25;
	v25 =	vmul.f32 v28, v28;
	v37 =	vld.idx.msk [tilespmem:v30+s7+$0x0], $0xffff  }
0xa8: {  	v26 =	vmul.f32 v20, v20;
	v30 =	vmov v35;
	v17 =	vld.idx.msk [tilespmem:v29+s1+$0x0], $0xffff  }
0xa9: {  	v22 =	vsub.f32 v22, v24;
	v24 =	vmul.f32 v21, v21;
	v19 =	vadd.f32 v25, v19;
	v20 =	vld.idx.msk [tilespmem:v29+s7+$0x0], $0xffff  }
.Ltmp1:
0xaa: {  	v18 =	vadd.f32 v26, v18;
	v29 =	vmov v31;
	v21 =	vld.idx.msk [tilespmem:v33+s1+$0x0], $0xffff;
	(pc) =	sbr.rel @p0 .LBB2_5-.Ltmp1, $4  }
0xab: {  	v23 =	vsub.f32 v23, v34;
	v14 =	vadd.f32 v24, v14;
	v25 =	vld.idx.msk [tilespmem:v33+s7+$0x0], $0xffff;
	v33 =	vmul.f32 v22, v22  }
0xac: {  	v22 =	vld.idx.msk [tilespmem:v32+s1+$0x0], $0xffff  }
0xad: {  	v31 =	vadd.s32 s23, v0;
	v26 =	vmul.f32 v23, v23;
	v28 =	vsub.f32 v36, v37;
	v24 =	vld.idx.msk [tilespmem:v32+s7+$0x0], $0xffff  }
0xae: {  	s23 =	sadd.s32 $0x1, s23;
	v31 =	vand.u32 $0x7F, v31;
	v16 =	vadd.f32 v33, v16;
	v23 =	vld.idx.msk [tilespmem:v27+s1+$0x0], $0xffff  }
0xaf: {  	_ =	sdelay $0x3  }
0xb0: {  	v32 =	vor.u32 v5, v31;
	v27 =	vld.idx.msk [tilespmem:v27+s7+$0x0], $0xffff  }
0xb1: {  	v33 =	vld.idx.msk [tilespmem:v30+s1+$0x0], $0xffff  }
0xb2: {  	v34 =	vor.u32 v1, v31;
	v30 =	vld.idx.msk [tilespmem:v30+s7+$0x0], $0xffff  }
0xb3: {  	v35 =	vld.idx.msk [tilespmem:v29+s1+$0x0], $0xffff  }
0xb4: {  	v36 =	vor.u32 v2, v31;
	v29 =	vld.idx.msk [tilespmem:v29+s7+$0x0], $0xffff  }
0xb5: {  	v37 =	vld.idx.msk [tilespmem:v32+s1+$0x0], $0xffff  }
0xb6: {  	v38 =	vor.u32 v3, v31;
	v32 =	vld.idx.msk [tilespmem:v32+s7+$0x0], $0xffff  }
0xb7: {  	v39 =	vld.idx.msk [tilespmem:v34+s1+$0x0], $0xffff  }
0xb8: {  	v31 =	vor.u32 v4, v31;
	v34 =	vld.idx.msk [tilespmem:v34+s7+$0x0], $0xffff  }
0xb9: {  	v40 =	vld.idx.msk [tilespmem:v36+s1+$0x0], $0xffff  }
0xba: {  	v36 =	vld.idx.msk [tilespmem:v36+s7+$0x0], $0xffff  }
0xbb: {  	v41 =	vld.idx.msk [tilespmem:v38+s1+$0x0], $0xffff  }
0xbc: {  	v38 =	vld.idx.msk [tilespmem:v38+s7+$0x0], $0xffff  }
0xbd: {  	v42 =	vld.idx.msk [tilespmem:v31+s1+$0x0], $0xffff  }
0xbe: {  	v31 =	vld.idx.msk [tilespmem:v31+s7+$0x0], $0xffff;
	_ =	swait.ge [sflag:s16], $0x2800  }
0xbf: {  	s23 =	rddreg [dreg:$0x10]  }
0xc0: {  	[sflag:s16] =	ssyncset.done $0x0;
	s23 =	sadd.s32 s23, s22  }
0xc1: {  	[sflag:s16] =	ssyncadd.s32 $0xFFFFD800;
	s23 =	smin.u32 s23, $0x1F3F  }
0xc2: {  	_ =	swait.ge [sflag:s17], $0x2800;
	s23 =	smul.u32 $0xA, s23  }
0xc3: {  	s25 =	simm.s32 $0x0;
	[sflag:s17] =	ssyncset.done $0x0  }
0xc4: {  	s26 =	simm.s32 $0x100;
	[sflag:s17] =	ssyncadd.s32 $0xFFFFD800;
	s24 =	sadd.s32 s0, s23  }
0xc5: {  	[tilespmem:s26], [sflag:$0x3] =	stream.linear.gather [hbm4b:s24+s25], $0x50, $0x38;
	[tilespmem:$0x14480] =	vst v63  }
0xc6: {  	s23 =	sadd.s32 s2, s23;
	s24 =	simm.s32 $0x300  }
0xc7: {  	[tilespmem:s24], [sflag:$0x3] =	stream.linear.gather [hbm4b:s23+s25], $0x50, $0x38;
	[tilespmem:$0x14480] =	vst v63  }
0xc8: {  	_ =	swait.ge [sflag:s4], $0x50  }
0xc9: {  	v17 =	vsub.f32 v17, v20;
	[sflag:s4] =	ssyncset.done $0x0  }
0xca: {  	v15 =	vadd.f32 v26, v15;
	v20 =	vadd.s32 s25, v0;
	v21 =	vsub.f32 v21, v25;
	[sflag:s4] =	ssyncadd.s32 $0xFFFFFFB0  }
0xcb: {  	v25 =	vmul.f32 v28, v28;
	v20 =	vand.u32 $0x7F, v20;
	v17 =	vmul.f32 v17, v17;
	_ =	swait.ge [sflag:s4], $0x50  }
0xcc: {  	v26 =	vor.u32 v5, v20;
	v22 =	vsub.f32 v22, v24;
	v21 =	vmul.f32 v21, v21;
	[sflag:s4] =	ssyncset.done $0x0  }
0xcd: {  	v17 =	vadd.f32 v17, v18;
	v18 =	vsub.f32 v23, v27;
	v23 =	vor.u32 v1, v20;
	s24 =	simm.s32 $0x80;
	[sflag:s4] =	ssyncadd.s32 $0xFFFFFFB0  }
0xce: {  	v14 =	vadd.f32 v21, v14;
	v21 =	vsub.f32 v33, v30;
	v22 =	vmul.f32 v22, v22;
	[tilespmem:s1], [sflag:$0x6] =	stream.indirect.gather [hbm4b:s3+s29], $0x80, s24, s29, $0xb8;
	[tilespmem:$0x14480] =	vst v63  }
0xcf: {  	v19 =	vadd.f32 v25, v19;
	v24 =	vsub.f32 v35, v29;
	v18 =	vmul.f32 v18, v18;
	s25 =	simm.s32 $0x280  }
0xd0: {  	v25 =	vor.u32 v2, v20;
	v16 =	vadd.f32 v22, v16;
	v21 =	vmul.f32 v21, v21;
	[tilespmem:s7], [sflag:$0xA] =	stream.indirect.gather [hbm4b:s5+s29], $0x80, s25, s29, $0xb8;
	[tilespmem:$0x14480] =	vst v63  }
0xd1: {  	v15 =	vadd.f32 v18, v15;
	v18 =	vmul.f32 v24, v24;
	v22 =	vsub.f32 v37, v32;
	v27 =	vld.idx.msk [tilespmem:v26+s9+$0x0], $0xffff  }
0xd2: {  	v24 =	vor.u32 v3, v20;
	v19 =	vadd.f32 v21, v19;
	v28 =	vsub.f32 v39, v34;
	v26 =	vld.idx.msk [tilespmem:v26+s10+$0x0], $0xffff  }
0xd3: {  	v20 =	vor.u32 v4, v20;
	v29 =	vadd.f32 v18, v17;
	v22 =	vmul.f32 v22, v22;
	s24 =	simm.s32 $0x1;
	v21 =	vld.idx.msk [tilespmem:v23+s9+$0x0], $0xffff  }
0xd4: {  	v18 =	vmul.f32 v28, v28;
	v28 =	vsub.f32 v40, v36;
	v17 =	vadd.s32 s24, v0;
	v23 =	vld.idx.msk [tilespmem:v23+s10+$0x0], $0xffff  }
0xd5: {  	v31 =	vsub.f32 v42, v31;
	v30 =	vand.u32 $0x7F, v17;
	v60 =	vld.idx.msk [tilespmem:v25+s9+$0x0], $0xffff  }
0xd6: {  	v14 =	vadd.f32 v22, v14;
	v22 =	vmul.f32 v28, v28;
	v61 =	vor.u32 v5, v30;
	v62 =	vld.idx.msk [tilespmem:v25+s10+$0x0], $0xffff  }
0xd7: {  	v17 =	vsub.f32 v41, v38;
	v28 =	vld.idx.msk [tilespmem:v24+s9+$0x0], $0xffff;
	v25 =	vmul.f32 v31, v31;
	v31 =	vor.u32 v1, v30  }
0xd8: {  	v18 =	vadd.f32 v18, v16;
	v24 =	vld.idx.msk [tilespmem:v24+s10+$0x0], $0xffff  }
0xd9: {  	v32 =	vor.u32 v2, v30;
	v16 =	vmul.f32 v17, v17;
	v17 =	vadd.f32 v22, v15;
	v22 =	vld.idx.msk [tilespmem:v20+s9+$0x0], $0xffff  }
0xda: {  	v35 =	vor.u32 v3, v30;
	v15 =	vadd.f32 v25, v29;
	v25 =	vld.idx.msk [tilespmem:v20+s10+$0x0], $0xffff;
	v26 =	vsub.f32 v27, v26  }
0xdb: {  	v34 =	vor.u32 v4, v30;
	v16 =	vadd.f32 v16, v19;
	v19 =	vsub.f32 v21, v23;
	v30 =	vld.idx.msk [tilespmem:v61+s10+$0x0], $0xffff  }
0xdc: {  	v20 =	vimm.f32 $0.0e+00;
	v23 =	vsub.f32 v60, v62;
	v27 =	vld.idx.msk [tilespmem:v31+s9+$0x0], $0xffff;
	v21 =	vmul.f32 v26, v26  }
0xdd: {  	s25 =	simm.s32 $0x2;
	v33 =	vsub.f32 v28, v24;
	v24 =	vimm.f32 $0.0e+00;
	v26 =	vld.idx.msk [tilespmem:v61+s9+$0x0], $0xffff;
	v63 =	vmul.f32 v19, v19  }
0xde: {  	v29 =	vld.idx.msk [tilespmem:v31+s10+$0x0], $0xffff;
	v31 =	vmul.f32 v23, v23;
	v19 =	vadd.f32 v21, v20;
	v21 =	vadd.s32 s25, v0  }
0xdf: {  	s23 =	simm.s32 $0x3;
	v28 =	vld.idx.msk [tilespmem:v32+s9+$0x0], $0xffff;
	v23 =	vimm.f32 $0.0e+00;
	v36 =	vand.u32 $0x7F, v21;
	v21 =	vadd.f32 v63, v20  }
.LBB2_7:
0xe0: {  	p0 =	sne.s32 s23, $0x7F;
	v37 =	vor.u32 v1, v36;
	v38 =	vor.u32 v5, v36;
	v39 =	vld.idx.msk [tilespmem:v32+s10+$0x0], $0xffff;
	v32 =	vor.u32 v2, v36  }
0xe1: {  	v40 =	vor.u32 v3, v36;
	v36 =	vor.u32 v4, v36;
	v25 =	vsub.f32 v22, v25;
	v41 =	vld.idx.msk [tilespmem:v35+s9+$0x0], $0xffff  }
0xe2: {  	v20 =	vadd.f32 v31, v20;
	v26 =	vsub.f32 v26, v30;
	v30 =	vmul.f32 v33, v33;
	v42 =	vld.idx.msk [tilespmem:v35+s10+$0x0], $0xffff  }
0xe3: {  	v31 =	vmul.f32 v25, v25;
	v35 =	vmov v40;
	v22 =	vld.idx.msk [tilespmem:v34+s9+$0x0], $0xffff  }
0xe4: {  	v27 =	vsub.f32 v27, v29;
	v29 =	vmul.f32 v26, v26;
	v24 =	vadd.f32 v30, v24;
	v25 =	vld.idx.msk [tilespmem:v34+s10+$0x0], $0xffff  }
.Ltmp2:
0xe5: {  	v23 =	vadd.f32 v31, v23;
	v34 =	vmov v36;
	v26 =	vld.idx.msk [tilespmem:v38+s9+$0x0], $0xffff;
	(pc) =	sbr.rel @p0 .LBB2_7-.Ltmp2, $4  }
0xe6: {  	v28 =	vsub.f32 v28, v39;
	v19 =	vadd.f32 v29, v19;
	v30 =	vld.idx.msk [tilespmem:v38+s10+$0x0], $0xffff;
	v38 =	vmul.f32 v27, v27  }
0xe7: {  	v27 =	vld.idx.msk [tilespmem:v37+s9+$0x0], $0xffff  }
0xe8: {  	v36 =	vadd.s32 s23, v0;
	v31 =	vmul.f32 v28, v28;
	v33 =	vsub.f32 v41, v42;
	v29 =	vld.idx.msk [tilespmem:v37+s10+$0x0], $0xffff  }
0xe9: {  	s23 =	sadd.s32 $0x1, s23;
	v36 =	vand.u32 $0x7F, v36;
	v21 =	vadd.f32 v38, v21;
	v28 =	vld.idx.msk [tilespmem:v32+s9+$0x0], $0xffff  }
0xea: {  	_ =	sdelay $0x3  }
0xeb: {  	v37 =	vor.u32 v5, v36;
	v32 =	vld.idx.msk [tilespmem:v32+s10+$0x0], $0xffff  }
0xec: {  	v38 =	vld.idx.msk [tilespmem:v35+s9+$0x0], $0xffff  }
0xed: {  	v39 =	vor.u32 v1, v36;
	v49 =	vld.idx.msk [tilespmem:v35+s10+$0x0], $0xffff  }
0xee: {  	v40 =	vld.idx.msk [tilespmem:v34+s9+$0x0], $0xffff  }
0xef: {  	v41 =	vor.u32 v2, v36;
	v50 =	vld.idx.msk [tilespmem:v34+s10+$0x0], $0xffff  }
0xf0: {  	v42 =	vld.idx.msk [tilespmem:v37+s9+$0x0], $0xffff  }
0xf1: {  	v43 =	vor.u32 v3, v36;
	v37 =	vld.idx.msk [tilespmem:v37+s10+$0x0], $0xffff  }
0xf2: {  	v44 =	vld.idx.msk [tilespmem:v39+s9+$0x0], $0xffff  }
0xf3: {  	v51 =	vor.u32 v4, v36;
	v39 =	vld.idx.msk [tilespmem:v39+s10+$0x0], $0xffff  }
0xf4: {  	v45 =	vld.idx.msk [tilespmem:v41+s9+$0x0], $0xffff  }
0xf5: {  	v41 =	vld.idx.msk [tilespmem:v41+s10+$0x0], $0xffff  }
0xf6: {  	v46 =	vld.idx.msk [tilespmem:v43+s9+$0x0], $0xffff  }
0xf7: {  	v43 =	vld.idx.msk [tilespmem:v43+s10+$0x0], $0xffff  }
0xf8: {  	v47 =	vld.idx.msk [tilespmem:v51+s9+$0x0], $0xffff  }
0xf9: {  	v36 =	vld.idx.msk [tilespmem:v51+s10+$0x0], $0xffff;
	_ =	swait.ge [sflag:s18], $0x2800  }
0xfa: {  	s23 =	rddreg [dreg:$0x11]  }
0xfb: {  	[sflag:s18] =	ssyncset.done $0x0;
	s22 =	sadd.s32 s23, s22  }
0xfc: {  	[sflag:s18] =	ssyncadd.s32 $0xFFFFD800;
	s22 =	smin.u32 s22, $0x1F3F  }
0xfd: {  	_ =	swait.ge [sflag:s11], $0x2800;
	s22 =	smul.u32 $0xA, s22  }
0xfe: {  	s24 =	simm.s32 $0x0;
	[sflag:s11] =	ssyncset.done $0x0  }
0xff: {  	s25 =	simm.s32 $0x180;
	[sflag:s11] =	ssyncadd.s32 $0xFFFFD800;
	s23 =	sadd.s32 s0, s22  }
0x100: {  	[tilespmem:s25], [sflag:$0x4] =	stream.linear.gather [hbm4b:s23+s24], $0x50, $0x38;
	[tilespmem:$0x14480] =	vst v63  }
0x101: {  	s22 =	sadd.s32 s2, s22;
	s25 =	simm.s32 $0x380  }
0x102: {  	[tilespmem:s25], [sflag:$0x4] =	stream.linear.gather [hbm4b:s22+s24], $0x50, $0x38;
	[tilespmem:$0x14480] =	vst v63  }
0x103: {  	_ =	swait.ge [sflag:s8], $0x50  }
0x104: {  	v22 =	vsub.f32 v22, v25;
	[sflag:s8] =	ssyncset.done $0x0  }
0x105: {  	v25 =	vadd.s32 s24, v0;
	v26 =	vsub.f32 v26, v30;
	[sflag:s8] =	ssyncadd.s32 $0xFFFFFFB0  }
0x106: {  	v20 =	vadd.f32 v31, v20;
	v25 =	vand.u32 $0x7F, v25;
	v22 =	vmul.f32 v22, v22;
	_ =	swait.ge [sflag:s8], $0x50  }
0x107: {  	v31 =	vor.u32 v5, v25;
	v27 =	vsub.f32 v27, v29;
	v26 =	vmul.f32 v26, v26;
	[sflag:s8] =	ssyncset.done $0x0  }
0x108: {  	v22 =	vadd.f32 v22, v23;
	v23 =	vsub.f32 v28, v32;
	[sflag:s8] =	ssyncadd.s32 $0xFFFFFFB0  }
0x109: {  	v30 =	vmul.f32 v33, v33;
	v28 =	vor.u32 v1, v25;
	v19 =	vadd.f32 v26, v19;
	[tilespmem:s9], [sflag:$0x7] =	stream.indirect.gather [hbm4b:s3+s29], $0x80, s26, s29, $0xb8;
	[tilespmem:$0x14480] =	vst v63  }
0x10a: {  	v26 =	vsub.f32 v38, v49;
	v27 =	vmul.f32 v27, v27;
	v23 =	vmul.f32 v23, v23;
	s23 =	simm.s32 $0x300  }
0x10b: {  	v24 =	vadd.f32 v30, v24;
	v30 =	vor.u32 v2, v25;
	v29 =	vsub.f32 v40, v50;
	[tilespmem:s10], [sflag:$0xB] =	stream.indirect.gather [hbm4b:s5+s29], $0x80, s23, s29, $0xb8;
	[tilespmem:$0x14480] =	vst v63  }
0x10c: {  	v21 =	vadd.f32 v27, v21;
	v26 =	vmul.f32 v26, v26;
	v20 =	vadd.f32 v23, v20;
	v52 =	vld.idx.msk [tilespmem:v31+s20+$0x0], $0xffff  }
0x10d: {  	v23 =	vmul.f32 v29, v29;
	v29 =	vor.u32 v3, v25;
	v27 =	vsub.f32 v42, v37;
	v31 =	vld.idx.msk [tilespmem:v31+s21+$0x0], $0xffff  }
0x10e: {  	v24 =	vadd.f32 v26, v24;
	v25 =	vor.u32 v4, v25;
	v53 =	vsub.f32 v44, v39;
	s24 =	simm.s32 $0x1;
	v26 =	vld.idx.msk [tilespmem:v28+s20+$0x0], $0xffff  }
0x10f: {  	v54 =	vadd.f32 v23, v22;
	v27 =	vmul.f32 v27, v27;
	v22 =	vadd.s32 s24, v0;
	v28 =	vld.idx.msk [tilespmem:v28+s21+$0x0], $0xffff  }
0x110: {  	v55 =	vsub.f32 v45, v41;
	v36 =	vsub.f32 v47, v36;
	v56 =	vand.u32 $0x7F, v22;
	v57 =	vld.idx.msk [tilespmem:v30+s20+$0x0], $0xffff  }
0x111: {  	v23 =	vmul.f32 v53, v53;
	v19 =	vadd.f32 v27, v19;
	v58 =	vor.u32 v5, v56;
	v59 =	vld.idx.msk [tilespmem:v30+s21+$0x0], $0xffff  }
0x112: {  	v27 =	vmul.f32 v55, v55;
	v22 =	vsub.f32 v46, v43;
	v61 =	vor.u32 v1, v56;
	v60 =	vld.idx.msk [tilespmem:v29+s20+$0x0], $0xffff  }
0x113: {  	v32 =	vimm.f32 $0.0e+00;
	v30 =	vmul.f32 v36, v36;
	v62 =	vld.idx.msk [tilespmem:v29+s21+$0x0], $0xffff  }
0x114: {  	v23 =	vadd.f32 v23, v21;
	v21 =	vmul.f32 v22, v22;
	v22 =	vadd.f32 v27, v20;
	v27 =	vld.idx.msk [tilespmem:v25+s20+$0x0], $0xffff  }
0x115: {  	v29 =	vld.idx.msk [tilespmem:v25+s21+$0x0], $0xffff;
	v20 =	vadd.f32 v30, v54;
	v30 =	vor.u32 v2, v56;
	v31 =	vsub.f32 v52, v31  }
0x116: {  	v37 =	vor.u32 v3, v56;
	v21 =	vadd.f32 v21, v24;
	v35 =	vld.idx.msk [tilespmem:v58+s21+$0x0], $0xffff;
	v24 =	vsub.f32 v26, v28  }
0x117: {  	v34 =	vor.u32 v4, v56;
	v36 =	vld.idx.msk [tilespmem:v61+s20+$0x0], $0xffff;
	v28 =	vsub.f32 v57, v59;
	v26 =	vmul.f32 v31, v31  }
0x118: {  	s25 =	simm.s32 $0x2;
	v25 =	vimm.f32 $0.0e+00;
	v40 =	vsub.f32 v60, v62;
	v31 =	vld.idx.msk [tilespmem:v58+s20+$0x0], $0xffff;
	v63 =	vmul.f32 v24, v24  }
0x119: {  	v38 =	vld.idx.msk [tilespmem:v61+s21+$0x0], $0xffff;
	v39 =	vmul.f32 v28, v28;
	v24 =	vadd.f32 v26, v25;
	v26 =	vadd.s32 s25, v0  }
0x11a: {  	s22 =	simm.s32 $0x3;
	v33 =	vld.idx.msk [tilespmem:v30+s20+$0x0], $0xffff;
	v28 =	vimm.f32 $0.0e+00;
	v41 =	vand.u32 $0x7F, v26;
	v26 =	vadd.f32 v63, v25  }
.LBB2_9:
0x11b: {  	p0 =	sne.s32 s22, $0x7F;
	v42 =	vor.u32 v1, v41;
	v43 =	vor.u32 v5, v41;
	v44 =	vld.idx.msk [tilespmem:v30+s21+$0x0], $0xffff;
	v30 =	vor.u32 v2, v41  }
0x11c: {  	v45 =	vor.u32 v3, v41;
	v41 =	vor.u32 v4, v41;
	v29 =	vsub.f32 v27, v29;
	v46 =	vld.idx.msk [tilespmem:v37+s20+$0x0], $0xffff  }
0x11d: {  	v25 =	vadd.f32 v39, v25;
	v31 =	vsub.f32 v31, v35;
	v35 =	vmul.f32 v40, v40;
	v47 =	vld.idx.msk [tilespmem:v37+s21+$0x0], $0xffff  }
0x11e: {  	v39 =	vmul.f32 v29, v29;
	v37 =	vmov v45;
	v27 =	vld.idx.msk [tilespmem:v34+s20+$0x0], $0xffff  }
0x11f: {  	v36 =	vsub.f32 v36, v38;
	v38 =	vmul.f32 v31, v31;
	v32 =	vadd.f32 v35, v32;
	v29 =	vld.idx.msk [tilespmem:v34+s21+$0x0], $0xffff  }
.Ltmp3:
0x120: {  	v28 =	vadd.f32 v39, v28;
	v34 =	vmov v41;
	v31 =	vld.idx.msk [tilespmem:v43+s20+$0x0], $0xffff;
	(pc) =	sbr.rel @p0 .LBB2_9-.Ltmp3, $4  }
0x121: {  	v33 =	vsub.f32 v33, v44;
	v24 =	vadd.f32 v38, v24;
	v35 =	vld.idx.msk [tilespmem:v43+s21+$0x0], $0xffff;
	v43 =	vmul.f32 v36, v36  }
0x122: {  	v36 =	vld.idx.msk [tilespmem:v42+s20+$0x0], $0xffff  }
0x123: {  	v41 =	vadd.s32 s22, v0;
	v39 =	vmul.f32 v33, v33;
	v40 =	vsub.f32 v46, v47;
	v38 =	vld.idx.msk [tilespmem:v42+s21+$0x0], $0xffff  }
0x124: {  	s22 =	sadd.s32 $0x1, s22;
	v41 =	vand.u32 $0x7F, v41;
	v26 =	vadd.f32 v43, v26;
	v33 =	vld.idx.msk [tilespmem:v30+s20+$0x0], $0xffff  }
0x125: {  	_ =	sdelay $0x3  }
0x126: {  	v42 =	vor.u32 v5, v41;
	v30 =	vld.idx.msk [tilespmem:v30+s21+$0x0], $0xffff  }
0x127: {  	v43 =	vld.idx.msk [tilespmem:v37+s20+$0x0], $0xffff  }
0x128: {  	v44 =	vor.u32 v1, v41;
	v53 =	vld.idx.msk [tilespmem:v37+s21+$0x0], $0xffff  }
0x129: {  	v45 =	vld.idx.msk [tilespmem:v34+s20+$0x0], $0xffff;
	v46 =	vor.u32 v2, v41;
	v48 =	vor.u32 v3, v41  }
0x12a: {  	v54 =	vld.idx.msk [tilespmem:v34+s21+$0x0], $0xffff;
	v55 =	vor.u32 v4, v41;
	v27 =	vsub.f32 v27, v29;
	v56 =	vmul.f32 v40, v40  }
0x12b: {  	v25 =	vadd.f32 v39, v25;
	vm0 =	vgt.f32 v13, $2.500000000e+00;
	vm13 =	vlt.f32 v13, $2.500000000e+00;
	v47 =	vld.idx.msk [tilespmem:v42+s20+$0x0], $0xffff  }
0x12c: {  	vm14 =	vgt.f32 v12, $2.500000000e+00;
	vm15 =	vlt.f32 v12, $2.500000000e+00;
	vm4 =	vgt.f32 v11, $2.500000000e+00;
	v42 =	vld.idx.msk [tilespmem:v42+s21+$0x0], $0xffff  }
0x12d: {  	vm5 =	vlt.f32 v11, $2.500000000e+00;
	vm6 =	vgt.f32 v10, $2.500000000e+00;
	vm7 =	vlt.f32 v10, $2.500000000e+00;
	v49 =	vld.idx.msk [tilespmem:v44+s20+$0x0], $0xffff  }
0x12e: {  	vm8 =	vgt.f32 v9, $2.500000000e+00;
	vm9 =	vlt.f32 v9, $2.500000000e+00;
	vm10 =	vgt.f32 v18, $2.500000000e+00;
	v44 =	vld.idx.msk [tilespmem:v44+s21+$0x0], $0xffff  }
0x12f: {  	vm11 =	vlt.f32 v18, $2.500000000e+00;
	v31 =	vsub.f32 v31, v35;
	v27 =	vmul.f32 v27, v27;
	v50 =	vld.idx.msk [tilespmem:v46+s20+$0x0], $0xffff  }
0x130: {  	vm12 =	vgt.f32 v17, $2.500000000e+00;
	v29 =	vadd.f32 v56, v32;
	v58 =	vsub.f32 v36, v38;
	v57 =	vld.idx.msk [tilespmem:v46+s21+$0x0], $0xffff  }
0x131: {  	p0 =	slt.u32 s12, $0x20;
	s22 =	simm.s32 $0x1;
	v31 =	vmul.f32 v31, v31;
	v27 =	vadd.f32 v27, v28;
	v59 =	vld.idx.msk [tilespmem:v48+s20+$0x0], $0xffff;
	v30 =	vsub.f32 v33, v30  }
0x132: {  	s22 =	simm.s32 @!p0 $0x0;
	v60 =	vld.idx.msk [tilespmem:v48+s21+$0x0], $0xffff;
	v35 =	vmul.f32 v58, v58;
	v62 =	vsub.f32 v43, v53;
	v41 =	vsub.f32 v45, v54  }
0x133: {  	v61 =	vld.idx.msk [tilespmem:v55+s20+$0x0], $0xffff;
	v24 =	vadd.f32 v31, v24;
	v48 =	vmov s22;
	v30 =	vmul.f32 v30, v30  }
0x134: {  	v63 =	vld.idx.msk [tilespmem:v55+s21+$0x0], $0xffff;
	v51 =	vnsel vm14, $0x0, v48;
	v28 =	vmul.f32 v62, v62;
	v31 =	vmul.f32 v41, v41  }
0x135: {  	v52 =	vnsel vm4, $0x0, v48;
	v26 =	vadd.f32 v35, v26;
	v25 =	vadd.f32 v30, v25  }
0x136: {  	vm14 =	vgt.f32 v16, $2.500000000e+00;
	v28 =	vadd.f32 v28, v29;
	v27 =	vadd.f32 v31, v27  }
0x137: {  	p0 =	sgt.u32 s12, $0x1F;
	s22 =	simm.s32 $0x1;
	vm4 =	vgt.f32 v15, $2.500000000e+00;
	v43 =	vsub.f32 v47, v42;
	v44 =	vsub.f32 v49, v44  }
0x138: {  	s22 =	simm.s32 @!p0 $0x0;
	v45 =	vsub.f32 v50, v57;
	v32 =	vsub.f32 v59, v60;
	v50 =	vnsel vm0, $0x0, v48  }
0x139: {  	v33 =	vsub.f32 v61, v63;
	v49 =	vmov s22;
	v7 =	vadd.s32 v7, v50  }
0x13a: {  	v13 =	vnsel vm13, $0x0, v49;
	v12 =	vnsel vm15, $0x0, v49;
	v11 =	vnsel vm5, $0x0, v49  }
0x13b: {  	v10 =	vnsel vm7, $0x0, v49;
	vm13 =	vlt.f32 v17, $2.500000000e+00;
	vm15 =	vlt.f32 v16, $2.500000000e+00  }
0x13c: {  	vm5 =	vlt.f32 v15, $2.500000000e+00;
	v34 =	vmul.f32 v43, v43;
	v30 =	vmul.f32 v44, v44  }
0x13d: {  	p0 =	slt.u32 s12, $0x1F;
	s22 =	simm.s32 $0x1;
	vm7 =	vlt.f32 v14, $2.500000000e+00;
	v29 =	vmul.f32 v45, v45;
	v46 =	vmul.f32 v32, v32  }
0x13e: {  	s22 =	simm.s32 @!p0 $0x0;
	v47 =	vmul.f32 v33, v33;
	v8 =	vadd.s32 v8, v13;
	v7 =	vadd.s32 v51, v7  }
0x13f: {  	v9 =	vmov s22;
	v8 =	vadd.s32 v12, v8;
	v7 =	vadd.s32 v52, v7  }
0x140: {  	v54 =	vnsel vm10, $0x0, v9;
	v56 =	vnsel vm4, $0x0, v9;
	v24 =	vadd.f32 v34, v24  }
0x141: {  	p0 =	sgt.u32 s12, $0x1E;
	s22 =	simm.s32 $0x1;
	vm10 =	vgt.f32 v22, $2.500000000e+00;
	v26 =	vadd.f32 v30, v26;
	v25 =	vadd.f32 v29, v25  }
0x142: {  	s22 =	simm.s32 @!p0 $0x0;
	vm4 =	vgt.f32 v19, $2.500000000e+00;
	v28 =	vadd.f32 v46, v28;
	v27 =	vadd.f32 v47, v27  }
0x143: {  	v8 =	vadd.s32 v11, v8;
	v11 =	vnsel vm6, $0x0, v48;
	v53 =	vmov s22  }
0x144: {  	vm6 =	vgt.f32 v14, $2.500000000e+00;
	v58 =	vnsel vm10, $0x0, v9;
	v60 =	vnsel vm4, $0x0, v9  }
0x145: {  	v7 =	vadd.s32 v11, v7;
	v11 =	vnsel vm8, $0x0, v48;
	v8 =	vadd.s32 v10, v8  }
0x146: {  	v10 =	vnsel vm9, $0x0, v49;
	v55 =	vnsel vm13, $0x0, v53;
	v57 =	vnsel vm7, $0x0, v53  }
0x147: {  	vm8 =	vgt.f32 v23, $2.500000000e+00;
	vm9 =	vlt.f32 v23, $2.500000000e+00;
	vm13 =	vlt.f32 v21, $2.500000000e+00  }
0x148: {  	v7 =	vadd.s32 v11, v7;
	v11 =	vnsel vm11, $0x0, v53;
	v8 =	vadd.s32 v10, v8  }
0x149: {  	v10 =	vnsel vm12, $0x0, v9;
	vm11 =	vlt.f32 v22, $2.500000000e+00;
	vm12 =	vgt.f32 v21, $2.500000000e+00  }
0x14a: {  	v59 =	vnsel vm13, $0x0, v53;
	vm7 =	vlt.f32 v26, $2.500000000e+00;
	vm10 =	vgt.f32 v28, $2.500000000e+00  }
0x14b: {  	vm13 =	vlt.f32 v27, $2.500000000e+00;
	v7 =	vadd.s32 v54, v7;
	v8 =	vadd.s32 v11, v8  }
0x14c: {  	v11 =	vnsel vm14, $0x0, v9;
	vm14 =	vgt.f32 v20, $2.500000000e+00;
	v61 =	vnsel vm7, $0x0, v53  }
0x14d: {  	v62 =	vnsel vm10, $0x0, v9;
	v63 =	vnsel vm13, $0x0, v53;
	v7 =	vadd.s32 v10, v7  }
0x14e: {  	v10 =	vnsel vm15, $0x0, v53;
	v8 =	vadd.s32 v55, v8;
	vm15 =	vlt.f32 v20, $2.500000000e+00  }
0x14f: {  	v7 =	vadd.s32 v11, v7;
	v11 =	vnsel vm5, $0x0, v53;
	v8 =	vadd.s32 v10, v8  }
0x150: {  	v10 =	vnsel vm6, $0x0, v9;
	vm5 =	vlt.f32 v19, $2.500000000e+00;
	vm6 =	vgt.f32 v26, $2.500000000e+00  }
0x151: {  	v7 =	vadd.s32 v56, v7;
	v8 =	vadd.s32 v11, v8;
	v11 =	vnsel vm8, $0x0, v9  }
0x152: {  	vm8 =	vgt.f32 v25, $2.500000000e+00;
	v7 =	vadd.s32 v10, v7;
	v10 =	vnsel vm9, $0x0, v53  }
0x153: {  	v8 =	vadd.s32 v57, v8;
	vm9 =	vlt.f32 v25, $2.500000000e+00;
	v7 =	vadd.s32 v11, v7  }
0x154: {  	v11 =	vnsel vm11, $0x0, v53;
	v8 =	vadd.s32 v10, v8;
	v10 =	vnsel vm12, $0x0, v9  }
0x155: {  	vm11 =	vlt.f32 v28, $2.500000000e+00;
	vm12 =	vgt.f32 v27, $2.500000000e+00;
	v7 =	vadd.s32 v58, v7  }
0x156: {  	v8 =	vadd.s32 v11, v8;
	v11 =	vnsel vm14, $0x0, v9;
	vm14 =	vgt.f32 v24, $2.500000000e+00  }
0x157: {  	v7 =	vadd.s32 v10, v7;
	v10 =	vnsel vm15, $0x0, v53;
	v8 =	vadd.s32 v59, v8  }
0x158: {  	vm15 =	vlt.f32 v24, $2.500000000e+00;
	v7 =	vadd.s32 v11, v7;
	v11 =	vnsel vm5, $0x0, v53  }
0x159: {  	s12 =	sadd.s32 $0x1, s12;
	v8 =	vadd.s32 v10, v8;
	v10 =	vnsel vm6, $0x0, v9;
	v7 =	vadd.s32 v60, v7  }
0x15a: {  	p0 =	sne.s32 s12, $0x3E;
	v8 =	vadd.s32 v11, v8;
	v11 =	vnsel vm8, $0x0, v9;
	v7 =	vadd.s32 v10, v7  }
.Ltmp4:
0x15b: {  	v10 =	vnsel vm9, $0x0, v53;
	v8 =	vadd.s32 v61, v8;
	v7 =	vadd.s32 v11, v7;
	(pc) =	sbr.rel @p0 .LBB2_2-.Ltmp4, $4  }
0x15c: {  	v11 =	vnsel vm11, $0x0, v53;
	v8 =	vadd.s32 v10, v8;
	v10 =	vnsel vm12, $0x0, v9  }
0x15d: {  	v9 =	vnsel vm14, $0x0, v9;
	v7 =	vadd.s32 v62, v7;
	v8 =	vadd.s32 v11, v8  }
0x15e: {  	v7 =	vadd.s32 v10, v7;
	v8 =	vadd.s32 v63, v8;
	v10 =	vnsel vm15, $0x0, v53  }
0x15f: {  	v7 =	vadd.s32 v9, v7;
	v8 =	vadd.s32 v10, v8  }
0x160: {  	s12 =	simm.s32 $0x0  }
0x161: {  	v9 =	vadd.s32 s12, v0  }
0x162: {  	_ =	swait.ge [sflag:s13], $0x2800;
	v9 =	vand.u32 $0x7F, v9  }
0x163: {  	[sflag:s13] =	ssyncset.done $0x0;
	v10 =	vor.u32 v5, v9  }
0x164: {  	[sflag:s13] =	ssyncadd.s32 $0xFFFFD800  }
0x165: {  	_ =	swait.ge [sflag:s14], $0x2800;
	v11 =	vor.u32 v1, v9  }
0x166: {  	[sflag:s14] =	ssyncset.done $0x0  }
0x167: {  	v12 =	vor.u32 v2, v9;
	[sflag:s14] =	ssyncadd.s32 $0xFFFFD800  }
0x168: {  	v13 =	vld.idx.msk [tilespmem:v10+s30+$0x0], $0xffff  }
0x169: {  	v14 =	vor.u32 v3, v9;
	v10 =	vld.idx.msk [tilespmem:v10+s31+$0x0], $0xffff  }
0x16a: {  	s24 =	simm.s32 $0x1;
	v16 =	vld.idx.msk [tilespmem:v11+s30+$0x0], $0xffff  }
0x16b: {  	v15 =	vadd.s32 s24, v0;
	v9 =	vor.u32 v4, v9;
	v17 =	vld.idx.msk [tilespmem:v11+s31+$0x0], $0xffff  }
0x16c: {  	v18 =	vand.u32 $0x7F, v15;
	v20 =	vld.idx.msk [tilespmem:v12+s30+$0x0], $0xffff  }
0x16d: {  	v19 =	vor.u32 v2, v18;
	v24 =	vld.idx.msk [tilespmem:v12+s31+$0x0], $0xffff  }
0x16e: {  	v21 =	vor.u32 v5, v18;
	v25 =	vld.idx.msk [tilespmem:v14+s30+$0x0], $0xffff  }
0x16f: {  	v14 =	vld.idx.msk [tilespmem:v14+s31+$0x0], $0xffff  }
0x170: {  	v26 =	vor.u32 v1, v18;
	v12 =	vld.idx.msk [tilespmem:v9+s30+$0x0], $0xffff  }
0x171: {  	v15 =	vld.idx.msk [tilespmem:v9+s31+$0x0], $0xffff;
	v10 =	vsub.f32 v13, v10  }
0x172: {  	v23 =	vor.u32 v3, v18;
	v22 =	vor.u32 v4, v18;
	v18 =	vld.idx.msk [tilespmem:v19+s30+$0x0], $0xffff;
	v9 =	vsub.f32 v16, v17  }
0x173: {  	v11 =	vimm.f32 $0.0e+00;
	v16 =	vld.idx.msk [tilespmem:v21+s30+$0x0], $0xffff;
	v13 =	vsub.f32 v20, v24;
	v10 =	vmul.f32 v10, v10  }
0x174: {  	s25 =	simm.s32 $0x2;
	v21 =	vld.idx.msk [tilespmem:v21+s31+$0x0], $0xffff;
	v25 =	vsub.f32 v25, v14;
	v14 =	vimm.f32 $0.0e+00;
	v27 =	vmul.f32 v9, v9  }
0x175: {  	v17 =	vld.idx.msk [tilespmem:v26+s30+$0x0], $0xffff;
	v24 =	vmul.f32 v13, v13;
	v9 =	vadd.f32 v10, v11;
	v10 =	vadd.s32 s25, v0  }
0x176: {  	s12 =	simm.s32 $0x3;
	v20 =	vld.idx.msk [tilespmem:v26+s31+$0x0], $0xffff;
	v13 =	vimm.f32 $0.0e+00;
	v26 =	vand.u32 $0x7F, v10;
	v10 =	vadd.f32 v27, v11  }
.LBB2_12:
0x177: {  	p0 =	sne.s32 s12, $0x7F;
	v27 =	vor.u32 v1, v26;
	v28 =	vor.u32 v5, v26;
	v29 =	vld.idx.msk [tilespmem:v19+s31+$0x0], $0xffff;
	v19 =	vor.u32 v2, v26  }
0x178: {  	v30 =	vor.u32 v3, v26;
	v26 =	vor.u32 v4, v26;
	v15 =	vsub.f32 v12, v15;
	v31 =	vld.idx.msk [tilespmem:v23+s30+$0x0], $0xffff  }
0x179: {  	v11 =	vadd.f32 v24, v11;
	v16 =	vsub.f32 v16, v21;
	v21 =	vmul.f32 v25, v25;
	v32 =	vld.idx.msk [tilespmem:v23+s31+$0x0], $0xffff  }
0x17a: {  	v24 =	vmul.f32 v15, v15;
	v23 =	vmov v30;
	v12 =	vld.idx.msk [tilespmem:v22+s30+$0x0], $0xffff  }
0x17b: {  	v17 =	vsub.f32 v17, v20;
	v20 =	vmul.f32 v16, v16;
	v14 =	vadd.f32 v21, v14;
	v15 =	vld.idx.msk [tilespmem:v22+s31+$0x0], $0xffff  }
.Ltmp5:
0x17c: {  	v13 =	vadd.f32 v24, v13;
	v22 =	vmov v26;
	v16 =	vld.idx.msk [tilespmem:v28+s30+$0x0], $0xffff;
	(pc) =	sbr.rel @p0 .LBB2_12-.Ltmp5, $4  }
0x17d: {  	v18 =	vsub.f32 v18, v29;
	v9 =	vadd.f32 v20, v9;
	v21 =	vld.idx.msk [tilespmem:v28+s31+$0x0], $0xffff;
	v28 =	vmul.f32 v17, v17  }
0x17e: {  	v17 =	vld.idx.msk [tilespmem:v27+s30+$0x0], $0xffff  }
0x17f: {  	v26 =	vadd.s32 s12, v0;
	v24 =	vmul.f32 v18, v18;
	v25 =	vsub.f32 v31, v32;
	v20 =	vld.idx.msk [tilespmem:v27+s31+$0x0], $0xffff  }
0x180: {  	s12 =	sadd.s32 $0x1, s12;
	v26 =	vand.u32 $0x7F, v26;
	v10 =	vadd.f32 v28, v10;
	v18 =	vld.idx.msk [tilespmem:v19+s30+$0x0], $0xffff  }
0x181: {  	_ =	sdelay $0x3  }
0x182: {  	v27 =	vor.u32 v5, v26;
	v19 =	vld.idx.msk [tilespmem:v19+s31+$0x0], $0xffff  }
0x183: {  	v28 =	vld.idx.msk [tilespmem:v23+s30+$0x0], $0xffff  }
0x184: {  	v29 =	vor.u32 v1, v26;
	v23 =	vld.idx.msk [tilespmem:v23+s31+$0x0], $0xffff  }
0x185: {  	v30 =	vld.idx.msk [tilespmem:v22+s30+$0x0], $0xffff  }
0x186: {  	v31 =	vor.u32 v2, v26;
	v22 =	vld.idx.msk [tilespmem:v22+s31+$0x0], $0xffff  }
0x187: {  	v32 =	vld.idx.msk [tilespmem:v27+s30+$0x0], $0xffff  }
0x188: {  	v33 =	vor.u32 v3, v26;
	v27 =	vld.idx.msk [tilespmem:v27+s31+$0x0], $0xffff  }
0x189: {  	v26 =	vor.u32 v4, v26;
	v34 =	vld.idx.msk [tilespmem:v29+s30+$0x0], $0xffff  }
0x18a: {  	v29 =	vld.idx.msk [tilespmem:v29+s31+$0x0], $0xffff  }
0x18b: {  	v35 =	vld.idx.msk [tilespmem:v31+s30+$0x0], $0xffff  }
0x18c: {  	v31 =	vld.idx.msk [tilespmem:v31+s31+$0x0], $0xffff  }
0x18d: {  	v36 =	vld.idx.msk [tilespmem:v33+s30+$0x0], $0xffff  }
0x18e: {  	s12 =	simm.s32 $0x0;
	v12 =	vsub.f32 v12, v15;
	v37 =	vld.idx.msk [tilespmem:v26+s30+$0x0], $0xffff  }
0x18f: {  	v11 =	vadd.f32 v24, v11;
	v16 =	vsub.f32 v16, v21;
	v15 =	vld.idx.msk [tilespmem:v26+s31+$0x0], $0xffff;
	v26 =	vadd.s32 s12, v0  }
0x190: {  	v21 =	vmul.f32 v25, v25;
	v12 =	vmul.f32 v12, v12;
	v33 =	vld.idx.msk [tilespmem:v33+s31+$0x0], $0xffff;
	_ =	swait.ge [sflag:s6], $0x2800;
	v25 =	vand.u32 $0x7F, v26  }
0x191: {  	v17 =	vsub.f32 v17, v20;
	v16 =	vmul.f32 v16, v16;
	[sflag:s6] =	ssyncset.done $0x0;
	v24 =	vor.u32 v5, v25  }
0x192: {  	v12 =	vadd.f32 v12, v13;
	v13 =	vsub.f32 v18, v19;
	[sflag:s6] =	ssyncadd.s32 $0xFFFFD800  }
0x193: {  	v9 =	vadd.f32 v16, v9;
	v16 =	vsub.f32 v28, v23;
	v18 =	vor.u32 v1, v25;
	_ =	swait.ge [sflag:s15], $0x2800  }
0x194: {  	v17 =	vmul.f32 v17, v17;
	v19 =	vsub.f32 v30, v22;
	v13 =	vmul.f32 v13, v13;
	[sflag:s15] =	ssyncset.done $0x0  }
0x195: {  	v14 =	vadd.f32 v21, v14;
	v20 =	vor.u32 v2, v25;
	v16 =	vmul.f32 v16, v16;
	[sflag:s15] =	ssyncadd.s32 $0xFFFFD800  }
0x196: {  	v10 =	vadd.f32 v17, v10;
	v13 =	vadd.f32 v13, v11;
	v11 =	vmul.f32 v19, v19;
	v21 =	vld.idx.msk [tilespmem:v24+s1+$0x0], $0xffff  }
0x197: {  	v19 =	vor.u32 v3, v25;
	v14 =	vadd.f32 v16, v14;
	v17 =	vsub.f32 v32, v27;
	v22 =	vld.idx.msk [tilespmem:v24+s7+$0x0], $0xffff  }
0x198: {  	s24 =	simm.s32 $0x1;
	v25 =	vor.u32 v4, v25;
	v23 =	vsub.f32 v34, v29;
	v15 =	vsub.f32 v37, v15;
	v16 =	vld.idx.msk [tilespmem:v18+s1+$0x0], $0xffff  }
0x199: {  	v17 =	vmul.f32 v17, v17;
	v24 =	vadd.f32 v11, v12;
	v11 =	vadd.s32 s24, v0;
	v18 =	vld.idx.msk [tilespmem:v18+s7+$0x0], $0xffff  }
0x19a: {  	v12 =	vmul.f32 v23, v23;
	v23 =	vsub.f32 v35, v31;
	v28 =	vld.idx.msk [tilespmem:v20+s1+$0x0], $0xffff;
	v27 =	vand.u32 $0x7F, v11  }
0x19b: {  	v26 =	vsub.f32 v36, v33;
	v30 =	vld.idx.msk [tilespmem:v20+s7+$0x0], $0xffff;
	v29 =	vor.u32 v5, v27  }
0x19c: {  	v15 =	vmul.f32 v15, v15;
	v9 =	vadd.f32 v17, v9;
	v17 =	vmul.f32 v23, v23;
	v31 =	vld.idx.msk [tilespmem:v19+s1+$0x0], $0xffff  }
0x19d: {  	v11 =	vadd.f32 v12, v10;
	v10 =	vmul.f32 v26, v26;
	v62 =	vor.u32 v1, v27;
	v19 =	vld.idx.msk [tilespmem:v19+s7+$0x0], $0xffff  }
0x19e: {  	v20 =	vld.idx.msk [tilespmem:v25+s7+$0x0], $0xffff;
	v13 =	vadd.f32 v17, v13;
	v22 =	vsub.f32 v21, v22  }
0x19f: {  	v17 =	vld.idx.msk [tilespmem:v25+s1+$0x0], $0xffff;
	v12 =	vadd.f32 v10, v14;
	v10 =	vadd.f32 v15, v24;
	v21 =	vor.u32 v2, v27  }
0x1a0: {  	v15 =	vsub.f32 v16, v18;
	v18 =	vsub.f32 v28, v30;
	v16 =	vmul.f32 v22, v22;
	v22 =	vld.idx.msk [tilespmem:v29+s1+$0x0], $0xffff  }
0x1a1: {  	v26 =	vor.u32 v3, v27;
	v23 =	vor.u32 v4, v27;
	v14 =	vimm.f32 $0.0e+00;
	v27 =	vld.idx.msk [tilespmem:v29+s7+$0x0], $0xffff  }
0x1a2: {  	s25 =	simm.s32 $0x2;
	v63 =	vmul.f32 v15, v15;
	v24 =	vld.idx.msk [tilespmem:v62+s1+$0x0], $0xffff;
	v29 =	vmul.f32 v18, v18;
	v30 =	vsub.f32 v31, v19  }
0x1a3: {  	v28 =	vld.idx.msk [tilespmem:v62+s7+$0x0], $0xffff;
	v18 =	vimm.f32 $0.0e+00;
	v15 =	vadd.f32 v16, v14;
	v16 =	vadd.s32 s25, v0  }
0x1a4: {  	s12 =	simm.s32 $0x3;
	v19 =	vimm.f32 $0.0e+00;
	v31 =	vand.u32 $0x7F, v16;
	v25 =	vld.idx.msk [tilespmem:v21+s1+$0x0], $0xffff;
	v16 =	vadd.f32 v63, v14  }
.LBB2_14:
0x1a5: {  	p0 =	sne.s32 s12, $0x7F;
	v32 =	vor.u32 v1, v31;
	v33 =	vor.u32 v5, v31;
	v34 =	vld.idx.msk [tilespmem:v21+s7+$0x0], $0xffff;
	v21 =	vor.u32 v2, v31  }
0x1a6: {  	v35 =	vor.u32 v3, v31;
	v31 =	vor.u32 v4, v31;
	v20 =	vsub.f32 v17, v20;
	v36 =	vld.idx.msk [tilespmem:v26+s1+$0x0], $0xffff  }
0x1a7: {  	v14 =	vadd.f32 v29, v14;
	v22 =	vsub.f32 v22, v27;
	v27 =	vmul.f32 v30, v30;
	v37 =	vld.idx.msk [tilespmem:v26+s7+$0x0], $0xffff  }
0x1a8: {  	v29 =	vmul.f32 v20, v20;
	v26 =	vmov v35;
	v17 =	vld.idx.msk [tilespmem:v23+s1+$0x0], $0xffff  }
0x1a9: {  	v24 =	vsub.f32 v24, v28;
	v28 =	vmul.f32 v22, v22;
	v18 =	vadd.f32 v27, v18;
	v20 =	vld.idx.msk [tilespmem:v23+s7+$0x0], $0xffff  }
.Ltmp6:
0x1aa: {  	v19 =	vadd.f32 v29, v19;
	v23 =	vmov v31;
	v22 =	vld.idx.msk [tilespmem:v33+s1+$0x0], $0xffff;
	(pc) =	sbr.rel @p0 .LBB2_14-.Ltmp6, $4  }
0x1ab: {  	v25 =	vsub.f32 v25, v34;
	v15 =	vadd.f32 v28, v15;
	v27 =	vld.idx.msk [tilespmem:v33+s7+$0x0], $0xffff;
	v33 =	vmul.f32 v24, v24  }
0x1ac: {  	v24 =	vld.idx.msk [tilespmem:v32+s1+$0x0], $0xffff  }
0x1ad: {  	v31 =	vadd.s32 s12, v0;
	v29 =	vmul.f32 v25, v25;
	v30 =	vsub.f32 v36, v37;
	v28 =	vld.idx.msk [tilespmem:v32+s7+$0x0], $0xffff  }
0x1ae: {  	s12 =	sadd.s32 $0x1, s12;
	v31 =	vand.u32 $0x7F, v31;
	v16 =	vadd.f32 v33, v16;
	v25 =	vld.idx.msk [tilespmem:v21+s1+$0x0], $0xffff  }
0x1af: {  	_ =	sdelay $0x3  }
0x1b0: {  	v32 =	vor.u32 v5, v31;
	v21 =	vld.idx.msk [tilespmem:v21+s7+$0x0], $0xffff  }
0x1b1: {  	v33 =	vld.idx.msk [tilespmem:v26+s1+$0x0], $0xffff  }
0x1b2: {  	v34 =	vor.u32 v1, v31;
	v63 =	vld.idx.msk [tilespmem:v26+s7+$0x0], $0xffff  }
0x1b3: {  	v35 =	vld.idx.msk [tilespmem:v23+s1+$0x0], $0xffff  }
0x1b4: {  	v36 =	vor.u32 v2, v31;
	v42 =	vld.idx.msk [tilespmem:v23+s7+$0x0], $0xffff  }
0x1b5: {  	v37 =	vld.idx.msk [tilespmem:v32+s1+$0x0], $0xffff  }
0x1b6: {  	v38 =	vor.u32 v3, v31;
	v32 =	vld.idx.msk [tilespmem:v32+s7+$0x0], $0xffff  }
0x1b7: {  	v43 =	vor.u32 v4, v31;
	v39 =	vld.idx.msk [tilespmem:v34+s1+$0x0], $0xffff  }
0x1b8: {  	v17 =	vsub.f32 v17, v20;
	v30 =	vmul.f32 v30, v30;
	v14 =	vadd.f32 v29, v14;
	v34 =	vld.idx.msk [tilespmem:v34+s7+$0x0], $0xffff  }
0x1b9: {  	vm0 =	vlt.f32 v11, $2.500000000e+00;
	vm7 =	vlt.f32 v13, $2.500000000e+00;
	vm8 =	vlt.f32 v12, $2.500000000e+00;
	v44 =	vld.idx.msk [tilespmem:v36+s1+$0x0], $0xffff  }
0x1ba: {  	vm9 =	vlt.f32 v10, $2.500000000e+00;
	vm10 =	vlt.f32 v9, $2.500000000e+00;
	v22 =	vsub.f32 v22, v27;
	v45 =	vld.idx.msk [tilespmem:v36+s7+$0x0], $0xffff  }
0x1bb: {  	v62 =	vsel vm0, $0x1, v6;
	v13 =	vsel vm7, $0x1, v6;
	v12 =	vsel vm8, $0x1, v6;
	v46 =	vld.idx.msk [tilespmem:v38+s1+$0x0], $0xffff  }
0x1bc: {  	v10 =	vsel vm9, $0x1, v6;
	v9 =	vsel vm10, $0x1, v6;
	v17 =	vmul.f32 v17, v17;
	v47 =	vld.idx.msk [tilespmem:v38+s7+$0x0], $0xffff  }
0x1bd: {  	v18 =	vadd.f32 v30, v18;
	v8 =	vadd.s32 v62, v8;
	v24 =	vsub.f32 v24, v28;
	v49 =	vld.idx.msk [tilespmem:v43+s1+$0x0], $0xffff  }
0x1be: {  	v22 =	vmul.f32 v22, v22;
	v8 =	vadd.s32 v13, v8;
	v17 =	vadd.f32 v17, v19;
	v51 =	vld.idx.msk [tilespmem:v43+s7+$0x0], $0xffff;
	_ =	swait.ge [sflag:s16], $0x2800  }
0x1bf: {  	v8 =	vadd.s32 v12, v8;
	v21 =	vsub.f32 v25, v21;
	v48 =	vmul.f32 v24, v24;
	[sflag:s16] =	ssyncset.done $0x0  }
0x1c0: {  	v15 =	vadd.f32 v22, v15;
	v50 =	vsub.f32 v33, v63;
	v8 =	vadd.s32 v10, v8;
	[sflag:s16] =	ssyncadd.s32 $0xFFFFD800  }
0x1c1: {  	v52 =	vsub.f32 v35, v42;
	v8 =	vadd.s32 v9, v8;
	v21 =	vmul.f32 v21, v21;
	_ =	swait.ge [sflag:s17], $0x2800  }
0x1c2: {  	v16 =	vadd.f32 v48, v16;
	v54 =	vmul.f32 v50, v50;
	[sflag:s17] =	ssyncset.done $0x0;
	v55 =	vsub.f32 v39, v34  }
0x1c3: {  	v19 =	vmul.f32 v52, v52;
	v14 =	vadd.f32 v21, v14;
	v20 =	vsub.f32 v44, v45;
	[sflag:s17] =	ssyncadd.s32 $0xFFFFD800  }
0x1c4: {  	v53 =	vsub.f32 v37, v32;
	v25 =	vsub.f32 v46, v47;
	_ =	swait.ge [sflag:s19], $0x50;
	v56 =	vmul.f32 v55, v55  }
0x1c5: {  	v18 =	vadd.f32 v54, v18;
	v57 =	vsub.f32 v49, v51;
	v58 =	vmul.f32 v20, v20;
	[sflag:s19] =	ssyncset.done $0x0  }
0x1c6: {  	v23 =	vmul.f32 v53, v53;
	v59 =	vmul.f32 v25, v25;
	[sflag:s19] =	ssyncadd.s32 $0xFFFFFFB0;
	v16 =	vadd.f32 v56, v16  }
0x1c7: {  	v17 =	vadd.f32 v19, v17;
	v60 =	vmul.f32 v57, v57;
	v14 =	vadd.f32 v58, v14;
	_ =	swait.ge [sflag:s19], $0x50  }
0x1c8: {  	v15 =	vadd.f32 v23, v15;
	v18 =	vadd.f32 v59, v18;
	[sflag:s19] =	ssyncset.done $0x0;
	vm11 =	vlt.f32 v16, $2.500000000e+00  }
0x1c9: {  	s12 =	simm.s32 $0x0;
	v61 =	vadd.f32 v60, v17;
	[sflag:s19] =	ssyncadd.s32 $0xFFFFFFB0;
	vm12 =	vlt.f32 v14, $2.500000000e+00;
	v63 =	vsel vm11, $0x1, v6  }
0x1ca: {  	s23 =	simm.s32 $0x14400;
	s24 =	simm.s32 $0xD;
	s22 =	rddreg [dreg:$0x12];
	vm13 =	vlt.f32 v18, $2.500000000e+00;
	[tilespmem:$0x14400] =	vst v7;
	v7 =	vadd.s32 v63, v8;
	v8 =	vsel vm12, $0x1, v6  }
0x1cb: {  	vm14 =	vlt.f32 v61, $2.500000000e+00;
	[hbm4b:s22+s12] =	stream.linear.scatter [tilespmem:s23], [sflag:$0xD], $0x80, $0x38;
	v7 =	vadd.s32 v8, v7;
	v8 =	vsel vm13, $0x1, v6;
	[tilespmem:$0x14480] =	vst v63  }
0x1cc: {  	vm15 =	vlt.f32 v15, $2.500000000e+00;
	_ =	swait.ge [sflag:s24], $0x80;
	v7 =	vadd.s32 v8, v7;
	v8 =	vsel vm14, $0x1, v6  }
0x1cd: {  	[sflag:s24] =	ssyncset.done $0x0;
	v7 =	vadd.s32 v8, v7;
	v8 =	vsel vm15, $0x1, v6  }
0x1ce: {  	[sflag:s24] =	ssyncadd.s32 $0xFFFFFF80;
	v7 =	vadd.s32 v8, v7  }
0x1cf: {  	s25 =	rddreg [dreg:$0x13];
	[tilespmem:$0x14400] =	vst v7  }
0x1d0: {  	[hbm4b:s25+s12] =	stream.linear.scatter [tilespmem:s23], [sflag:$0xD], $0x80, $0x38;
	[tilespmem:$0x14480] =	vst v63  }
0x1d1: {  	_ =	swait.ge [sflag:s24], $0x80  }
0x1d2: {  	s22 =	rddreg [dreg:$0x15]  }
0x1d3: {  	s25 =	rddreg [dreg:$0x14];
	s23 =	sadd.s32 $0x1, s22  }
0x1d4: {  	p0 =	sne.s32 s23, s25  }
.Ltmp7:
0x1d5: {  	_ = 	snop;
	(pc) =	sbr.rel @p0 .LBB2_1-.Ltmp7, $3  }
0x1d6: {  	_ =	sdelay $0x1  }
0x1d7: {  	[sflag:s24] =	ssyncset.done $0x0  }
0x1d8: {  	[sflag:s24] =	ssyncadd.s32 $0xFFFFFF80  }
0x1d9: {  	_ =	sfence.sel $0x180000  }
0x1da: {  	[bflag:$0x0] =	sbarrier.arrive $0xFFFF  }
0x1db: {  	_ =	strace $0x90000047  }
0x1dc: {  	s0 =	stileid.u32;
	[bflag:$0x2] =	sbarrier.arrive $0xFFFF  }
0x1dd: {  	p0 =	sne.s32 s0, $0x0;
	s0 =	rddreg [dreg:$0x5]  }
0x1de: {  	s0 =	sadd.s32 @!p0 $0x100000, s0  }
0x1df: {  	[sflag:s0] =	ssyncadd.tile.s32 @!p0 $0x1;
	_ =	shalt  }
.Lfunc_end2:
_tile_overlayer_lowered:
.L_overlay_start_2:
0x1e0: {  	(tag) =	ssettag $0x2  }
0x1e1: {  	s0 =	rddreg [dreg:$0x0];
	s2 =	stileid.u32  }
0x1e2: {  	s1 =	rddreg [dreg:$0x1];
	p0 =	sne.s32 s2, $0x0  }
0x1e3: {  	s3 =	rddreg [dreg:$0x2];
	[bflag:$0x3] =	sbarrier.arrive $0xFFFF;
	s2 =	simm.s32 @!p0 $0x1C0D  }
0x1e4: {  	[timem:s3], [sflag:s2] =	dma.local @!p0 [hbm:s0], s1  }
0x1e5: {  	s0 =	simm.s32 @!p0 $0xD  }
0x1e6: {  	_ =	swait.ge @!p0 [sflag:s0], s1  }
0x1e7: {  	s1 =	ssub.s32 @!p0 $0x0, s1;
	[sflag:s0] =	ssyncset.done @!p0 $0x0  }
0x1e8: {  	[sflag:s0] =	ssyncadd.s32 @!p0 s1  }
0x1e9: {  	[bflag:$0x3] =	sbarrier.arrive $0xFFFF  }
0x1ea: {  	_ =	shalt  }

</sc_bundles>
